<compile_context>
chip_gen: v7x
topology: tpu7x:2x2x1
jax: 0.10.2.dev20260603
libtpu: 0.0.44.dev20260713+nightly
codegen_flags: <defaults>
</compile_context>

<pallas_src>
import jax
import jax.numpy as jnp
from jax import lax
from jax.experimental import pallas as pl
from jax.experimental.pallas import tpu as pltpu
from jax.experimental.pallas import tpu_sc as plsc

B, T, V, D = 4, 2048, 100000, 2048

_info = plsc.get_sparse_core_info()
NC, NS = _info.num_cores, _info.num_subcores
NW = NC * NS

N_TOK = B * T
ROWS_PER_W = N_TOK // NW
CHUNK = 16
NCH = ROWS_PER_W // CHUNK
NB = 3


def _gather_body(table_hbm, idx_hbm, out_hbm, idx_v, bufs, gsems, osems):
    c = lax.axis_index("c")
    s = lax.axis_index("s")
    wid = s * NC + c
    pltpu.sync_copy(idx_hbm.at[wid], idx_v)
    base = wid * ROWS_PER_W

    def out_slice(ch):
        return out_hbm.at[pl.ds(base + ch * CHUNK, CHUNK)]

    g, o = {}, {}
    g[0] = pltpu.async_copy(table_hbm.at[idx_v.at[0]], bufs.at[0], gsems.at[0])
    for ch in range(NCH):
        b = ch % NB
        g[ch].wait()
        o[ch] = pltpu.async_copy(bufs.at[b], out_slice(ch), osems.at[b])
        nx = ch + 1
        if nx < NCH:
            nb_ = nx % NB
            if nx >= NB:
                o[nx - NB].wait()
            g[nx] = pltpu.async_copy(
                table_hbm.at[idx_v.at[nx]], bufs.at[nb_], gsems.at[nb_]
            )
    for ch in range(max(0, NCH - NB), NCH):
        o[ch].wait()


_gather = pl.kernel(
    _gather_body,
    mesh=plsc.VectorSubcoreMesh(core_axis_name="c", subcore_axis_name="s"),
    out_type=jax.ShapeDtypeStruct((N_TOK, D), jnp.float32),
    scratch_types=[
        pltpu.VMEM((NCH, CHUNK), jnp.int32),
        pltpu.VMEM((NB, CHUNK, D), jnp.float32),
        pltpu.SemaphoreType.DMA((NB,)),
        pltpu.SemaphoreType.DMA((NB,)),
    ],
)


TR = 256


def _mask_body(amask_ref, out_ref, causal_ref):
    r = pl.program_id(0)
    b = pl.program_id(1)

    @pl.when(b == 0)
    def _():
        rows = lax.broadcasted_iota(jnp.int32, (TR, T), 0) + r * TR
        cols = lax.broadcasted_iota(jnp.int32, (TR, T), 1)
        causal_ref[...] = jnp.where(cols > rows, -jnp.inf, 0.0).astype(
            jnp.float32
        )

    pad = (amask_ref[0, 0, :] == 0)[None, :]
    out_ref[0, 0, :, :] = jnp.where(pad, -jnp.inf, causal_ref[...])


_mask = pl.pallas_call(
    _mask_body,
    grid=(T // TR, B),
    in_specs=[pl.BlockSpec((1, 1, T), lambda r, b: (b, 0, 0))],
    out_specs=pl.BlockSpec((1, 1, TR, T), lambda r, b: (b, 0, r, 0)),
    out_shape=jax.ShapeDtypeStruct((B, 1, T, T), jnp.float32),
    scratch_shapes=[pltpu.VMEM((TR, T), jnp.float32)],
)


@jax.jit
def kernel(input_ids, attention_mask, embed_table):
    ids = input_ids.astype(jnp.int32).reshape(NW, NCH, CHUNK)
    attn_4d = _mask(attention_mask.astype(jnp.int32).reshape(B, 1, T))
    hidden = _gather(embed_table, ids).reshape(B, T, D)
    base_pos = jnp.broadcast_to(jnp.arange(T, dtype=jnp.int32)[None, :], (B, T))
    position_ids = jnp.stack([base_pos, base_pos, base_pos], axis=0)
    return hidden, attn_4d, position_ids

# --- scband reference (transcript-rebuilt; emitter-appended) ---
"""Pipeline reference for scband-stage0-65670049956322 (READ-ONLY COPY).

The authoritative reference and input builder live on the scoring server;
editing this copy changes nothing except your own understanding.
"""

import jax, jax.numpy as jnp
import numpy as np

B, T, V, D = 4, 2048, 100000, 2048


def setup_inputs(seed: int = 0) -> dict:
    key = jax.random.key(seed)
    k1, k2 = jax.random.split(key)
    input_ids = jax.random.randint(k1, (B, T), 0, V)
    attention_mask = jnp.ones((B, T), dtype=jnp.int32)
    # learned parameter: token embedding table (text_model.embed_tokens.weight)
    embed_table = jax.random.normal(k2, (V, D), dtype=jnp.float32) * 0.02
    return {"input_ids": input_ids, "attention_mask": attention_mask, "embed_table": embed_table}


def reference(input_ids, attention_mask, embed_table):
    Bc, Tc = input_ids.shape
    # embedding lookup (gather) -- the core memory-bound op
    hidden = jnp.take(embed_table, input_ids, axis=0)
    # causal mask: triu of -inf above the diagonal, shape [1,1,T,T]
    causal = jnp.triu(jnp.full((Tc, Tc), -jnp.inf, dtype=jnp.float32), k=1)[None, None, :, :]
    attn_4d = jnp.broadcast_to(causal, (Bc, 1, Tc, Tc))
    # pad positions masked to -inf
    pad = (attention_mask == 0)[:, None, None, :]
    attn_4d = jnp.where(pad, -jnp.inf, attn_4d)
    # fallback 3D rope position ids (no get_rope_index on plain text model)
    base_pos = jnp.broadcast_to(jnp.arange(Tc, dtype=jnp.int32)[None, :], (Bc, Tc))
    position_ids = jnp.stack([base_pos, base_pos, base_pos], axis=0)
    return hidden, attn_4d, position_ids

if __name__ == "__main__":
    import jax
    _d = setup_inputs()
    print(jax.jit(kernel)(*tuple(_d.values())))

</pallas_src>

<mosaic_0001>
#map = affine_map<(d0, d1) -> (0, 0)>
#map1 = affine_map<(d0, d1) -> (0, 0, 0)>
module attributes {stable_mosaic.version = 14 : i64} {
  func.func @_gather_body(%arg0: i32, %arg1: i32, %arg2: memref<100000x2048xf32, #tpu.memory_space<hbm>>, %arg3: memref<32x16x16xi32, #tpu.memory_space<hbm>>, %arg4: memref<8192x2048xf32, #tpu.memory_space<hbm>>, %arg5: memref<16x16xi32, #tpu.memory_space<vmem>>, %arg6: memref<3x16x2048xf32, #tpu.memory_space<vmem>>, %arg7: memref<3x!tpu.dma_semaphore, #tpu.memory_space<semaphore_mem>>, %arg8: memref<3x!tpu.dma_semaphore, #tpu.memory_space<semaphore_mem>>) attributes {dimension_semantics = [#tpu.dimension_semantics<core_parallel>, #tpu.dimension_semantics<subcore_parallel>], iteration_bounds = array<i64: 2, 16>, scalar_prefetch = 0 : i64, scratch_operands = 4 : i64, tpu.core_type = #tpu.core_type<sc_vector_subcore>, window_params = [{transform_indices = #map}, {transform_indices = #map1}, {transform_indices = #map}]} {
    %mul3A = arith.constant 2 : i32
    %mul3A_0 = arith.muli %arg1, %mul3A : i32
    %add3A = arith.addi %mul3A_0, %arg0 : i32
    "tpu.region"() ({
      %run_scoped3A = tpu.sem_alloc : memref<!tpu.dma_semaphore, #tpu.memory_space<semaphore_mem>>
      %dma_start3A_1025 = arith.constant 0 : i32
      %dma_start3A_1026 = arith.constant 0 : i32
      %dma_start3A_1027 = tpu.memref_slice %arg3[%add3A, %dma_start3A_1025, %dma_start3A_1026] : memref<32x16x16xi32, #tpu.memory_space<hbm>> -> memref<1x16x16xi32, #tpu.memory_space<hbm>>
      %dma_start3A_1028 = tpu.memref_squeeze %dma_start3A_1027 : memref<1x16x16xi32, #tpu.memory_space<hbm>> -> memref<16x16xi32, #tpu.memory_space<hbm>>
      %dma_start3A_1029 = arith.constant 0 : i32
      %dma_start3A_1030 = arith.constant 0 : i32
      %dma_start3A_1031 = tpu.memref_slice %arg3[%add3A, %dma_start3A_1029, %dma_start3A_1030] : memref<32x16x16xi32, #tpu.memory_space<hbm>> -> memref<1x16x16xi32, #tpu.memory_space<hbm>>
      %dma_start3A_1032 = tpu.memref_squeeze %dma_start3A_1031 : memref<1x16x16xi32, #tpu.memory_space<hbm>> -> memref<16x16xi32, #tpu.memory_space<hbm>>
      tpu.enqueue_dma source(%dma_start3A_1032 : memref<16x16xi32, #tpu.memory_space<hbm>>) target(%arg5 : memref<16x16xi32, #tpu.memory_space<vmem>>) target_semaphore(%run_scoped3A : memref<!tpu.dma_semaphore, #tpu.memory_space<semaphore_mem>>)
      %dma_wait3A_1033 = arith.constant 0 : i32
      %dma_wait3A_1034 = arith.constant 0 : i32
      %dma_wait3A_1035 = tpu.memref_slice %arg3[%add3A, %dma_wait3A_1033, %dma_wait3A_1034] : memref<32x16x16xi32, #tpu.memory_space<hbm>> -> memref<1x16x16xi32, #tpu.memory_space<hbm>>
      %dma_wait3A_1036 = tpu.memref_squeeze %dma_wait3A_1035 : memref<1x16x16xi32, #tpu.memory_space<hbm>> -> memref<16x16xi32, #tpu.memory_space<hbm>>
      %dma_wait3A_1037 = arith.constant 0 : i32
      %dma_wait3A_1038 = arith.constant 0 : i32
      %dma_wait3A_1039 = tpu.memref_slice %arg3[%add3A, %dma_wait3A_1037, %dma_wait3A_1038] : memref<32x16x16xi32, #tpu.memory_space<hbm>> -> memref<1x16x16xi32, #tpu.memory_space<hbm>>
      %dma_wait3A_1040 = tpu.memref_squeeze %dma_wait3A_1039 : memref<1x16x16xi32, #tpu.memory_space<hbm>> -> memref<16x16xi32, #tpu.memory_space<hbm>>
      tpu.wait_dma2 semaphore(%run_scoped3A : memref<!tpu.dma_semaphore, #tpu.memory_space<semaphore_mem>>) src(%dma_wait3A_1040 : memref<16x16xi32, #tpu.memory_space<hbm>>) dst(%arg5 : memref<16x16xi32, #tpu.memory_space<vmem>>)
      tpu.yield
    }) : () -> ()
    %mul3A_1 = arith.constant 256 : i32
    %mul3A_2 = arith.muli %add3A, %mul3A_1 : i32
    %dma_start3A = arith.constant 0 : i32
    %dma_start3A_3 = arith.constant 0 : i32
    %dma_start3A_4 = arith.constant 0 : i32
    %dma_start3A_5 = arith.constant 0 : i32
    %dma_start3A_6 = arith.constant 0 : i32
    %dma_start3A_7 = tpu.memref_slice %arg6[%dma_start3A_3, %dma_start3A_5, %dma_start3A_6] : memref<3x16x2048xf32, #tpu.memory_space<vmem>> -> memref<1x16x2048xf32, #tpu.memory_space<vmem>>
    %dma_start3A_8 = tpu.memref_squeeze %dma_start3A_7 : memref<1x16x2048xf32, #tpu.memory_space<vmem>> -> memref<16x2048xf32, #tpu.memory_space<vmem>>
    %dma_start3A_9 = arith.constant 0 : i32
    %dma_start3A_10 = tpu.memref_slice %arg5[%dma_start3A, %dma_start3A_9] : memref<16x16xi32, #tpu.memory_space<vmem>> -> memref<1x16xi32, #tpu.memory_space<vmem>>
    %dma_start3A_11 = tpu.memref_squeeze %dma_start3A_10 : memref<1x16xi32, #tpu.memory_space<vmem>> -> memref<16xi32, #tpu.memory_space<vmem>>
    %dma_start3A_12 = arith.constant 0 : i32
    %dma_start3A_13 = arith.constant 0 : i32
    %dma_start3A_14 = tpu.memref_slice %arg2[%dma_start3A_12, %dma_start3A_13] : memref<100000x2048xf32, #tpu.memory_space<hbm>> -> memref<100000x2048xf32, #tpu.memory_space<hbm>>
    %dma_start3A_15 = tpu.memref_slice %arg7[%dma_start3A_4] : memref<3x!tpu.dma_semaphore, #tpu.memory_space<semaphore_mem>> -> memref<1x!tpu.dma_semaphore, #tpu.memory_space<semaphore_mem>>
    %dma_start3A_16 = tpu.memref_squeeze %dma_start3A_15 : memref<1x!tpu.dma_semaphore, #tpu.memory_space<semaphore_mem>> -> memref<!tpu.dma_semaphore, #tpu.memory_space<semaphore_mem>>
    tpu.enqueue_indirect_dma source(%dma_start3A_14 : memref<100000x2048xf32, #tpu.memory_space<hbm>>) target(%dma_start3A_8 : memref<16x2048xf32, #tpu.memory_space<vmem>>) offsets(%dma_start3A_11 : memref<16xi32, #tpu.memory_space<vmem>>) semaphore(%dma_start3A_16 : memref<!tpu.dma_semaphore, #tpu.memory_space<semaphore_mem>>)
    %dma_wait3A = arith.constant 0 : i32
    %dma_wait3A_17 = arith.constant 0 : i32
    %dma_wait3A_18 = arith.constant 0 : i32
    %dma_wait3A_19 = arith.constant 0 : i32
    %dma_wait3A_20 = arith.constant 0 : i32
    %dma_wait3A_21 = tpu.memref_slice %arg6[%dma_wait3A_17, %dma_wait3A_19, %dma_wait3A_20] : memref<3x16x2048xf32, #tpu.memory_space<vmem>> -> memref<1x16x2048xf32, #tpu.memory_space<vmem>>
    %dma_wait3A_22 = tpu.memref_squeeze %dma_wait3A_21 : memref<1x16x2048xf32, #tpu.memory_space<vmem>> -> memref<16x2048xf32, #tpu.memory_space<vmem>>
    %dma_wait3A_23 = arith.constant 0 : i32
    %dma_wait3A_24 = tpu.memref_slice %arg5[%dma_wait3A, %dma_wait3A_23] : memref<16x16xi32, #tpu.memory_space<vmem>> -> memref<1x16xi32, #tpu.memory_space<vmem>>
    %dma_wait3A_25 = tpu.memref_squeeze %dma_wait3A_24 : memref<1x16xi32, #tpu.memory_space<vmem>> -> memref<16xi32, #tpu.memory_space<vmem>>
    %dma_wait3A_26 = arith.constant 0 : i32
    %dma_wait3A_27 = arith.constant 0 : i32
    %dma_wait3A_28 = tpu.memref_slice %arg2[%dma_wait3A_26, %dma_wait3A_27] : memref<100000x2048xf32, #tpu.memory_space<hbm>> -> memref<100000x2048xf32, #tpu.memory_space<hbm>>
    %dma_wait3A_29 = tpu.memref_slice %arg7[%dma_wait3A_18] : memref<3x!tpu.dma_semaphore, #tpu.memory_space<semaphore_mem>> -> memref<1x!tpu.dma_semaphore, #tpu.memory_space<semaphore_mem>>
    %dma_wait3A_30 = tpu.memref_squeeze %dma_wait3A_29 : memref<1x!tpu.dma_semaphore, #tpu.memory_space<semaphore_mem>> -> memref<!tpu.dma_semaphore, #tpu.memory_space<semaphore_mem>>
    tpu.wait_indirect_dma semaphore(%dma_wait3A_30 : memref<!tpu.dma_semaphore, #tpu.memory_space<semaphore_mem>>) src(%dma_wait3A_28 : memref<100000x2048xf32, #tpu.memory_space<hbm>>) dst(%dma_wait3A_22 : memref<16x2048xf32, #tpu.memory_space<vmem>>)
    %add3A_31 = arith.constant 0 : i32
    %add3A_32 = arith.addi %mul3A_2, %add3A_31 : i32
    %dma_start3A_33 = arith.constant 0 : i32
    %dma_start3A_34 = arith.constant 0 : i32
    %dma_start3A_35 = arith.constant 0 : i32
    %dma_start3A_36 = arith.constant 0 : i32
    %dma_start3A_37 = tpu.memref_slice %arg6[%dma_start3A_33, %dma_start3A_35, %dma_start3A_36] : memref<3x16x2048xf32, #tpu.memory_space<vmem>> -> memref<1x16x2048xf32, #tpu.memory_space<vmem>>
    %dma_start3A_38 = tpu.memref_squeeze %dma_start3A_37 : memref<1x16x2048xf32, #tpu.memory_space<vmem>> -> memref<16x2048xf32, #tpu.memory_space<vmem>>
    %dma_start3A_39 = arith.constant 0 : i32
    %dma_start3A_40 = tpu.memref_slice %arg4[%add3A_32, %dma_start3A_39] : memref<8192x2048xf32, #tpu.memory_space<hbm>> -> memref<16x2048xf32, #tpu.memory_space<hbm>>
    %dma_start3A_41 = tpu.memref_slice %arg8[%dma_start3A_34] : memref<3x!tpu.dma_semaphore, #tpu.memory_space<semaphore_mem>> -> memref<1x!tpu.dma_semaphore, #tpu.memory_space<semaphore_mem>>
    %dma_start3A_42 = tpu.memref_squeeze %dma_start3A_41 : memref<1x!tpu.dma_semaphore, #tpu.memory_space<semaphore_mem>> -> memref<!tpu.dma_semaphore, #tpu.memory_space<semaphore_mem>>
    %dma_start3A_43 = arith.constant 0 : i32
    %dma_start3A_44 = tpu.memref_slice %arg4[%add3A_32, %dma_start3A_43] : memref<8192x2048xf32, #tpu.memory_space<hbm>> -> memref<16x2048xf32, #tpu.memory_space<hbm>>
    %dma_start3A_45 = arith.constant 0 : i32
    %dma_start3A_46 = arith.constant 0 : i32
    %dma_start3A_47 = tpu.memref_slice %arg6[%dma_start3A_33, %dma_start3A_45, %dma_start3A_46] : memref<3x16x2048xf32, #tpu.memory_space<vmem>> -> memref<1x16x2048xf32, #tpu.memory_space<vmem>>
    %dma_start3A_48 = tpu.memref_squeeze %dma_start3A_47 : memref<1x16x2048xf32, #tpu.memory_space<vmem>> -> memref<16x2048xf32, #tpu.memory_space<vmem>>
    tpu.enqueue_dma source(%dma_start3A_48 : memref<16x2048xf32, #tpu.memory_space<vmem>>) target(%dma_start3A_44 : memref<16x2048xf32, #tpu.memory_space<hbm>>) target_semaphore(%dma_start3A_42 : memref<!tpu.dma_semaphore, #tpu.memory_space<semaphore_mem>>)
    %dma_start3A_49 = arith.constant 1 : i32
    %dma_start3A_50 = arith.constant 1 : i32
    %dma_start3A_51 = arith.constant 1 : i32
    %dma_start3A_52 = arith.constant 0 : i32
    %dma_start3A_53 = arith.constant 0 : i32
    %dma_start3A_54 = tpu.memref_slice %arg6[%dma_start3A_50, %dma_start3A_52, %dma_start3A_53] : memref<3x16x2048xf32, #tpu.memory_space<vmem>> -> memref<1x16x2048xf32, #tpu.memory_space<vmem>>
    %dma_start3A_55 = tpu.memref_squeeze %dma_start3A_54 : memref<1x16x2048xf32, #tpu.memory_space<vmem>> -> memref<16x2048xf32, #tpu.memory_space<vmem>>
    %dma_start3A_56 = arith.constant 0 : i32
    %dma_start3A_57 = tpu.memref_slice %arg5[%dma_start3A_49, %dma_start3A_56] : memref<16x16xi32, #tpu.memory_space<vmem>> -> memref<1x16xi32, #tpu.memory_space<vmem>>
    %dma_start3A_58 = tpu.memref_squeeze %dma_start3A_57 : memref<1x16xi32, #tpu.memory_space<vmem>> -> memref<16xi32, #tpu.memory_space<vmem>>
    %dma_start3A_59 = arith.constant 0 : i32
    %dma_start3A_60 = arith.constant 0 : i32
    %dma_start3A_61 = tpu.memref_slice %arg2[%dma_start3A_59, %dma_start3A_60] : memref<100000x2048xf32, #tpu.memory_space<hbm>> -> memref<100000x2048xf32, #tpu.memory_space<hbm>>
    %dma_start3A_62 = tpu.memref_slice %arg7[%dma_start3A_51] : memref<3x!tpu.dma_semaphore, #tpu.memory_space<semaphore_mem>> -> memref<1x!tpu.dma_semaphore, #tpu.memory_space<semaphore_mem>>
    %dma_start3A_63 = tpu.memref_squeeze %dma_start3A_62 : memref<1x!tpu.dma_semaphore, #tpu.memory_space<semaphore_mem>> -> memref<!tpu.dma_semaphore, #tpu.memory_space<semaphore_mem>>
    tpu.enqueue_indirect_dma source(%dma_start3A_61 : memref<100000x2048xf32, #tpu.memory_space<hbm>>) target(%dma_start3A_55 : memref<16x2048xf32, #tpu.memory_space<vmem>>) offsets(%dma_start3A_58 : memref<16xi32, #tpu.memory_space<vmem>>) semaphore(%dma_start3A_63 : memref<!tpu.dma_semaphore, #tpu.memory_space<semaphore_mem>>)
    %dma_wait3A_64 = arith.constant 1 : i32
    %dma_wait3A_65 = arith.constant 1 : i32
    %dma_wait3A_66 = arith.constant 1 : i32
    %dma_wait3A_67 = arith.constant 0 : i32
    %dma_wait3A_68 = arith.constant 0 : i32
    %dma_wait3A_69 = tpu.memref_slice %arg6[%dma_wait3A_65, %dma_wait3A_67, %dma_wait3A_68] : memref<3x16x2048xf32, #tpu.memory_space<vmem>> -> memref<1x16x2048xf32, #tpu.memory_space<vmem>>
    %dma_wait3A_70 = tpu.memref_squeeze %dma_wait3A_69 : memref<1x16x2048xf32, #tpu.memory_space<vmem>> -> memref<16x2048xf32, #tpu.memory_space<vmem>>
    %dma_wait3A_71 = arith.constant 0 : i32
    %dma_wait3A_72 = tpu.memref_slice %arg5[%dma_wait3A_64, %dma_wait3A_71] : memref<16x16xi32, #tpu.memory_space<vmem>> -> memref<1x16xi32, #tpu.memory_space<vmem>>
    %dma_wait3A_73 = tpu.memref_squeeze %dma_wait3A_72 : memref<1x16xi32, #tpu.memory_space<vmem>> -> memref<16xi32, #tpu.memory_space<vmem>>
    %dma_wait3A_74 = arith.constant 0 : i32
    %dma_wait3A_75 = arith.constant 0 : i32
    %dma_wait3A_76 = tpu.memref_slice %arg2[%dma_wait3A_74, %dma_wait3A_75] : memref<100000x2048xf32, #tpu.memory_space<hbm>> -> memref<100000x2048xf32, #tpu.memory_space<hbm>>
    %dma_wait3A_77 = tpu.memref_slice %arg7[%dma_wait3A_66] : memref<3x!tpu.dma_semaphore, #tpu.memory_space<semaphore_mem>> -> memref<1x!tpu.dma_semaphore, #tpu.memory_space<semaphore_mem>>
    %dma_wait3A_78 = tpu.memref_squeeze %dma_wait3A_77 : memref<1x!tpu.dma_semaphore, #tpu.memory_space<semaphore_mem>> -> memref<!tpu.dma_semaphore, #tpu.memory_space<semaphore_mem>>
    tpu.wait_indirect_dma semaphore(%dma_wait3A_78 : memref<!tpu.dma_semaphore, #tpu.memory_space<semaphore_mem>>) src(%dma_wait3A_76 : memref<100000x2048xf32, #tpu.memory_space<hbm>>) dst(%dma_wait3A_70 : memref<16x2048xf32, #tpu.memory_space<vmem>>)
    %add3A_79 = arith.constant 16 : i32
    %add3A_80 = arith.addi %mul3A_2, %add3A_79 : i32
    %dma_start3A_81 = arith.constant 1 : i32
    %dma_start3A_82 = arith.constant 1 : i32
    %dma_start3A_83 = arith.constant 0 : i32
    %dma_start3A_84 = arith.constant 0 : i32
    %dma_start3A_85 = tpu.memref_slice %arg6[%dma_start3A_81, %dma_start3A_83, %dma_start3A_84] : memref<3x16x2048xf32, #tpu.memory_space<vmem>> -> memref<1x16x2048xf32, #tpu.memory_space<vmem>>
    %dma_start3A_86 = tpu.memref_squeeze %dma_start3A_85 : memref<1x16x2048xf32, #tpu.memory_space<vmem>> -> memref<16x2048xf32, #tpu.memory_space<vmem>>
    %dma_start3A_87 = arith.constant 0 : i32
    %dma_start3A_88 = tpu.memref_slice %arg4[%add3A_80, %dma_start3A_87] : memref<8192x2048xf32, #tpu.memory_space<hbm>> -> memref<16x2048xf32, #tpu.memory_space<hbm>>
    %dma_start3A_89 = tpu.memref_slice %arg8[%dma_start3A_82] : memref<3x!tpu.dma_semaphore, #tpu.memory_space<semaphore_mem>> -> memref<1x!tpu.dma_semaphore, #tpu.memory_space<semaphore_mem>>
    %dma_start3A_90 = tpu.memref_squeeze %dma_start3A_89 : memref<1x!tpu.dma_semaphore, #tpu.memory_space<semaphore_mem>> -> memref<!tpu.dma_semaphore, #tpu.memory_space<semaphore_mem>>
    %dma_start3A_91 = arith.constant 0 : i32
    %dma_start3A_92 = tpu.memref_slice %arg4[%add3A_80, %dma_start3A_91] : memref<8192x2048xf32, #tpu.memory_space<hbm>> -> memref<16x2048xf32, #tpu.memory_space<hbm>>
    %dma_start3A_93 = arith.constant 0 : i32
    %dma_start3A_94 = arith.constant 0 : i32
    %dma_start3A_95 = tpu.memref_slice %arg6[%dma_start3A_81, %dma_start3A_93, %dma_start3A_94] : memref<3x16x2048xf32, #tpu.memory_space<vmem>> -> memref<1x16x2048xf32, #tpu.memory_space<vmem>>
    %dma_start3A_96 = tpu.memref_squeeze %dma_start3A_95 : memref<1x16x2048xf32, #tpu.memory_space<vmem>> -> memref<16x2048xf32, #tpu.memory_space<vmem>>
    tpu.enqueue_dma source(%dma_start3A_96 : memref<16x2048xf32, #tpu.memory_space<vmem>>) target(%dma_start3A_92 : memref<16x2048xf32, #tpu.memory_space<hbm>>) target_semaphore(%dma_start3A_90 : memref<!tpu.dma_semaphore, #tpu.memory_space<semaphore_mem>>)
    %dma_start3A_97 = arith.constant 2 : i32
    %dma_start3A_98 = arith.constant 2 : i32
    %dma_start3A_99 = arith.constant 2 : i32
    %dma_start3A_100 = arith.constant 0 : i32
    %dma_start3A_101 = arith.constant 0 : i32
    %dma_start3A_102 = tpu.memref_slice %arg6[%dma_start3A_98, %dma_start3A_100, %dma_start3A_101] : memref<3x16x2048xf32, #tpu.memory_space<vmem>> -> memref<1x16x2048xf32, #tpu.memory_space<vmem>>
    %dma_start3A_103 = tpu.memref_squeeze %dma_start3A_102 : memref<1x16x2048xf32, #tpu.memory_space<vmem>> -> memref<16x2048xf32, #tpu.memory_space<vmem>>
    %dma_start3A_104 = arith.constant 0 : i32
    %dma_start3A_105 = tpu.memref_slice %arg5[%dma_start3A_97, %dma_start3A_104] : memref<16x16xi32, #tpu.memory_space<vmem>> -> memref<1x16xi32, #tpu.memory_space<vmem>>
    %dma_start3A_106 = tpu.memref_squeeze %dma_start3A_105 : memref<1x16xi32, #tpu.memory_space<vmem>> -> memref<16xi32, #tpu.memory_space<vmem>>
    %dma_start3A_107 = arith.constant 0 : i32
    %dma_start3A_108 = arith.constant 0 : i32
    %dma_start3A_109 = tpu.memref_slice %arg2[%dma_start3A_107, %dma_start3A_108] : memref<100000x2048xf32, #tpu.memory_space<hbm>> -> memref<100000x2048xf32, #tpu.memory_space<hbm>>
    %dma_start3A_110 = tpu.memref_slice %arg7[%dma_start3A_99] : memref<3x!tpu.dma_semaphore, #tpu.memory_space<semaphore_mem>> -> memref<1x!tpu.dma_semaphore, #tpu.memory_space<semaphore_mem>>
    %dma_start3A_111 = tpu.memref_squeeze %dma_start3A_110 : memref<1x!tpu.dma_semaphore, #tpu.memory_space<semaphore_mem>> -> memref<!tpu.dma_semaphore, #tpu.memory_space<semaphore_mem>>
    tpu.enqueue_indirect_dma source(%dma_start3A_109 : memref<100000x2048xf32, #tpu.memory_space<hbm>>) target(%dma_start3A_103 : memref<16x2048xf32, #tpu.memory_space<vmem>>) offsets(%dma_start3A_106 : memref<16xi32, #tpu.memory_space<vmem>>) semaphore(%dma_start3A_111 : memref<!tpu.dma_semaphore, #tpu.memory_space<semaphore_mem>>)
    %dma_wait3A_112 = arith.constant 2 : i32
    %dma_wait3A_113 = arith.constant 2 : i32
    %dma_wait3A_114 = arith.constant 2 : i32
    %dma_wait3A_115 = arith.constant 0 : i32
    %dma_wait3A_116 = arith.constant 0 : i32
    %dma_wait3A_117 = tpu.memref_slice %arg6[%dma_wait3A_113, %dma_wait3A_115, %dma_wait3A_116] : memref<3x16x2048xf32, #tpu.memory_space<vmem>> -> memref<1x16x2048xf32, #tpu.memory_space<vmem>>
    %dma_wait3A_118 = tpu.memref_squeeze %dma_wait3A_117 : memref<1x16x2048xf32, #tpu.memory_space<vmem>> -> memref<16x2048xf32, #tpu.memory_space<vmem>>
    %dma_wait3A_119 = arith.constant 0 : i32
    %dma_wait3A_120 = tpu.memref_slice %arg5[%dma_wait3A_112, %dma_wait3A_119] : memref<16x16xi32, #tpu.memory_space<vmem>> -> memref<1x16xi32, #tpu.memory_space<vmem>>
    %dma_wait3A_121 = tpu.memref_squeeze %dma_wait3A_120 : memref<1x16xi32, #tpu.memory_space<vmem>> -> memref<16xi32, #tpu.memory_space<vmem>>
    %dma_wait3A_122 = arith.constant 0 : i32
    %dma_wait3A_123 = arith.constant 0 : i32
    %dma_wait3A_124 = tpu.memref_slice %arg2[%dma_wait3A_122, %dma_wait3A_123] : memref<100000x2048xf32, #tpu.memory_space<hbm>> -> memref<100000x2048xf32, #tpu.memory_space<hbm>>
    %dma_wait3A_125 = tpu.memref_slice %arg7[%dma_wait3A_114] : memref<3x!tpu.dma_semaphore, #tpu.memory_space<semaphore_mem>> -> memref<1x!tpu.dma_semaphore, #tpu.memory_space<semaphore_mem>>
    %dma_wait3A_126 = tpu.memref_squeeze %dma_wait3A_125 : memref<1x!tpu.dma_semaphore, #tpu.memory_space<semaphore_mem>> -> memref<!tpu.dma_semaphore, #tpu.memory_space<semaphore_mem>>
    tpu.wait_indirect_dma semaphore(%dma_wait3A_126 : memref<!tpu.dma_semaphore, #tpu.memory_space<semaphore_mem>>) src(%dma_wait3A_124 : memref<100000x2048xf32, #tpu.memory_space<hbm>>) dst(%dma_wait3A_118 : memref<16x2048xf32, #tpu.memory_space<vmem>>)
    %add3A_127 = arith.constant 32 : i32
    %add3A_128 = arith.addi %mul3A_2, %add3A_127 : i32
    %dma_start3A_129 = arith.constant 2 : i32
    %dma_start3A_130 = arith.constant 2 : i32
    %dma_start3A_131 = arith.constant 0 : i32
    %dma_start3A_132 = arith.constant 0 : i32
    %dma_start3A_133 = tpu.memref_slice %arg6[%dma_start3A_129, %dma_start3A_131, %dma_start3A_132] : memref<3x16x2048xf32, #tpu.memory_space<vmem>> -> memref<1x16x2048xf32, #tpu.memory_space<vmem>>
    %dma_start3A_134 = tpu.memref_squeeze %dma_start3A_133 : memref<1x16x2048xf32, #tpu.memory_space<vmem>> -> memref<16x2048xf32, #tpu.memory_space<vmem>>
    %dma_start3A_135 = arith.constant 0 : i32
    %dma_start3A_136 = tpu.memref_slice %arg4[%add3A_128, %dma_start3A_135] : memref<8192x2048xf32, #tpu.memory_space<hbm>> -> memref<16x2048xf32, #tpu.memory_space<hbm>>
    %dma_start3A_137 = tpu.memref_slice %arg8[%dma_start3A_130] : memref<3x!tpu.dma_semaphore, #tpu.memory_space<semaphore_mem>> -> memref<1x!tpu.dma_semaphore, #tpu.memory_space<semaphore_mem>>
    %dma_start3A_138 = tpu.memref_squeeze %dma_start3A_137 : memref<1x!tpu.dma_semaphore, #tpu.memory_space<semaphore_mem>> -> memref<!tpu.dma_semaphore, #tpu.memory_space<semaphore_mem>>
    %dma_start3A_139 = arith.constant 0 : i32
    %dma_start3A_140 = tpu.memref_slice %arg4[%add3A_128, %dma_start3A_139] : memref<8192x2048xf32, #tpu.memory_space<hbm>> -> memref<16x2048xf32, #tpu.memory_space<hbm>>
    %dma_start3A_141 = arith.constant 0 : i32
    %dma_start3A_142 = arith.constant 0 : i32
    %dma_start3A_143 = tpu.memref_slice %arg6[%dma_start3A_129, %dma_start3A_141, %dma_start3A_142] : memref<3x16x2048xf32, #tpu.memory_space<vmem>> -> memref<1x16x2048xf32, #tpu.memory_space<vmem>>
    %dma_start3A_144 = tpu.memref_squeeze %dma_start3A_143 : memref<1x16x2048xf32, #tpu.memory_space<vmem>> -> memref<16x2048xf32, #tpu.memory_space<vmem>>
    tpu.enqueue_dma source(%dma_start3A_144 : memref<16x2048xf32, #tpu.memory_space<vmem>>) target(%dma_start3A_140 : memref<16x2048xf32, #tpu.memory_space<hbm>>) target_semaphore(%dma_start3A_138 : memref<!tpu.dma_semaphore, #tpu.memory_space<semaphore_mem>>)
    %dma_wait3A_145 = arith.constant 0 : i32
    %dma_wait3A_146 = arith.constant 0 : i32
    %dma_wait3A_147 = arith.constant 0 : i32
    %dma_wait3A_148 = arith.constant 0 : i32
    %dma_wait3A_149 = tpu.memref_slice %arg6[%dma_wait3A_145, %dma_wait3A_147, %dma_wait3A_148] : memref<3x16x2048xf32, #tpu.memory_space<vmem>> -> memref<1x16x2048xf32, #tpu.memory_space<vmem>>
    %dma_wait3A_150 = tpu.memref_squeeze %dma_wait3A_149 : memref<1x16x2048xf32, #tpu.memory_space<vmem>> -> memref<16x2048xf32, #tpu.memory_space<vmem>>
    %dma_wait3A_151 = arith.constant 0 : i32
    %dma_wait3A_152 = tpu.memref_slice %arg4[%add3A_32, %dma_wait3A_151] : memref<8192x2048xf32, #tpu.memory_space<hbm>> -> memref<16x2048xf32, #tpu.memory_space<hbm>>
    %dma_wait3A_153 = tpu.memref_slice %arg8[%dma_wait3A_146] : memref<3x!tpu.dma_semaphore, #tpu.memory_space<semaphore_mem>> -> memref<1x!tpu.dma_semaphore, #tpu.memory_space<semaphore_mem>>
    %dma_wait3A_154 = tpu.memref_squeeze %dma_wait3A_153 : memref<1x!tpu.dma_semaphore, #tpu.memory_space<semaphore_mem>> -> memref<!tpu.dma_semaphore, #tpu.memory_space<semaphore_mem>>
    %dma_wait3A_155 = arith.constant 0 : i32
    %dma_wait3A_156 = tpu.memref_slice %arg4[%add3A_32, %dma_wait3A_155] : memref<8192x2048xf32, #tpu.memory_space<hbm>> -> memref<16x2048xf32, #tpu.memory_space<hbm>>
    %dma_wait3A_157 = arith.constant 0 : i32
    %dma_wait3A_158 = arith.constant 0 : i32
    %dma_wait3A_159 = tpu.memref_slice %arg6[%dma_wait3A_145, %dma_wait3A_157, %dma_wait3A_158] : memref<3x16x2048xf32, #tpu.memory_space<vmem>> -> memref<1x16x2048xf32, #tpu.memory_space<vmem>>
    %dma_wait3A_160 = tpu.memref_squeeze %dma_wait3A_159 : memref<1x16x2048xf32, #tpu.memory_space<vmem>> -> memref<16x2048xf32, #tpu.memory_space<vmem>>
    tpu.wait_dma2 semaphore(%dma_wait3A_154 : memref<!tpu.dma_semaphore, #tpu.memory_space<semaphore_mem>>) src(%dma_wait3A_160 : memref<16x2048xf32, #tpu.memory_space<vmem>>) dst(%dma_wait3A_156 : memref<16x2048xf32, #tpu.memory_space<hbm>>)
    %dma_start3A_161 = arith.constant 3 : i32
    %dma_start3A_162 = arith.constant 0 : i32
    %dma_start3A_163 = arith.constant 0 : i32
    %dma_start3A_164 = arith.constant 0 : i32
    %dma_start3A_165 = arith.constant 0 : i32
    %dma_start3A_166 = tpu.memref_slice %arg6[%dma_start3A_162, %dma_start3A_164, %dma_start3A_165] : memref<3x16x2048xf32, #tpu.memory_space<vmem>> -> memref<1x16x2048xf32, #tpu.memory_space<vmem>>
    %dma_start3A_167 = tpu.memref_squeeze %dma_start3A_166 : memref<1x16x2048xf32, #tpu.memory_space<vmem>> -> memref<16x2048xf32, #tpu.memory_space<vmem>>
    %dma_start3A_168 = arith.constant 0 : i32
    %dma_start3A_169 = tpu.memref_slice %arg5[%dma_start3A_161, %dma_start3A_168] : memref<16x16xi32, #tpu.memory_space<vmem>> -> memref<1x16xi32, #tpu.memory_space<vmem>>
    %dma_start3A_170 = tpu.memref_squeeze %dma_start3A_169 : memref<1x16xi32, #tpu.memory_space<vmem>> -> memref<16xi32, #tpu.memory_space<vmem>>
    %dma_start3A_171 = arith.constant 0 : i32
    %dma_start3A_172 = arith.constant 0 : i32
    %dma_start3A_173 = tpu.memref_slice %arg2[%dma_start3A_171, %dma_start3A_172] : memref<100000x2048xf32, #tpu.memory_space<hbm>> -> memref<100000x2048xf32, #tpu.memory_space<hbm>>
    %dma_start3A_174 = tpu.memref_slice %arg7[%dma_start3A_163] : memref<3x!tpu.dma_semaphore, #tpu.memory_space<semaphore_mem>> -> memref<1x!tpu.dma_semaphore, #tpu.memory_space<semaphore_mem>>
    %dma_start3A_175 = tpu.memref_squeeze %dma_start3A_174 : memref<1x!tpu.dma_semaphore, #tpu.memory_space<semaphore_mem>> -> memref<!tpu.dma_semaphore, #tpu.memory_space<semaphore_mem>>
    tpu.enqueue_indirect_dma source(%dma_start3A_173 : memref<100000x2048xf32, #tpu.memory_space<hbm>>) target(%dma_start3A_167 : memref<16x2048xf32, #tpu.memory_space<vmem>>) offsets(%dma_start3A_170 : memref<16xi32, #tpu.memory_space<vmem>>) semaphore(%dma_start3A_175 : memref<!tpu.dma_semaphore, #tpu.memory_space<semaphore_mem>>)
    %dma_wait3A_176 = arith.constant 3 : i32
    %dma_wait3A_177 = arith.constant 0 : i32
    %dma_wait3A_178 = arith.constant 0 : i32
    %dma_wait3A_179 = arith.constant 0 : i32
    %dma_wait3A_180 = arith.constant 0 : i32
    %dma_wait3A_181 = tpu.memref_slice %arg6[%dma_wait3A_177, %dma_wait3A_179, %dma_wait3A_180] : memref<3x16x2048xf32, #tpu.memory_space<vmem>> -> memref<1x16x2048xf32, #tpu.memory_space<vmem>>
    %dma_wait3A_182 = tpu.memref_squeeze %dma_wait3A_181 : memref<1x16x2048xf32, #tpu.memory_space<vmem>> -> memref<16x2048xf32, #tpu.memory_space<vmem>>
    %dma_wait3A_183 = arith.constant 0 : i32
    %dma_wait3A_184 = tpu.memref_slice %arg5[%dma_wait3A_176, %dma_wait3A_183] : memref<16x16xi32, #tpu.memory_space<vmem>> -> memref<1x16xi32, #tpu.memory_space<vmem>>
    %dma_wait3A_185 = tpu.memref_squeeze %dma_wait3A_184 : memref<1x16xi32, #tpu.memory_space<vmem>> -> memref<16xi32, #tpu.memory_space<vmem>>
    %dma_wait3A_186 = arith.constant 0 : i32
    %dma_wait3A_187 = arith.constant 0 : i32
    %dma_wait3A_188 = tpu.memref_slice %arg2[%dma_wait3A_186, %dma_wait3A_187] : memref<100000x2048xf32, #tpu.memory_space<hbm>> -> memref<100000x2048xf32, #tpu.memory_space<hbm>>
    %dma_wait3A_189 = tpu.memref_slice %arg7[%dma_wait3A_178] : memref<3x!tpu.dma_semaphore, #tpu.memory_space<semaphore_mem>> -> memref<1x!tpu.dma_semaphore, #tpu.memory_space<semaphore_mem>>
    %dma_wait3A_190 = tpu.memref_squeeze %dma_wait3A_189 : memref<1x!tpu.dma_semaphore, #tpu.memory_space<semaphore_mem>> -> memref<!tpu.dma_semaphore, #tpu.memory_space<semaphore_mem>>
    tpu.wait_indirect_dma semaphore(%dma_wait3A_190 : memref<!tpu.dma_semaphore, #tpu.memory_space<semaphore_mem>>) src(%dma_wait3A_188 : memref<100000x2048xf32, #tpu.memory_space<hbm>>) dst(%dma_wait3A_182 : memref<16x2048xf32, #tpu.memory_space<vmem>>)
    %add3A_191 = arith.constant 48 : i32
    %add3A_192 = arith.addi %mul3A_2, %add3A_191 : i32
    %dma_start3A_193 = arith.constant 0 : i32
    %dma_start3A_194 = arith.constant 0 : i32
    %dma_start3A_195 = arith.constant 0 : i32
    %dma_start3A_196 = arith.constant 0 : i32
    %dma_start3A_197 = tpu.memref_slice %arg6[%dma_start3A_193, %dma_start3A_195, %dma_start3A_196] : memref<3x16x2048xf32, #tpu.memory_space<vmem>> -> memref<1x16x2048xf32, #tpu.memory_space<vmem>>
    %dma_start3A_198 = tpu.memref_squeeze %dma_start3A_197 : memref<1x16x2048xf32, #tpu.memory_space<vmem>> -> memref<16x2048xf32, #tpu.memory_space<vmem>>
    %dma_start3A_199 = arith.constant 0 : i32
    %dma_start3A_200 = tpu.memref_slice %arg4[%add3A_192, %dma_start3A_199] : memref<8192x2048xf32, #tpu.memory_space<hbm>> -> memref<16x2048xf32, #tpu.memory_space<hbm>>
    %dma_start3A_201 = tpu.memref_slice %arg8[%dma_start3A_194] : memref<3x!tpu.dma_semaphore, #tpu.memory_space<semaphore_mem>> -> memref<1x!tpu.dma_semaphore, #tpu.memory_space<semaphore_mem>>
    %dma_start3A_202 = tpu.memref_squeeze %dma_start3A_201 : memref<1x!tpu.dma_semaphore, #tpu.memory_space<semaphore_mem>> -> memref<!tpu.dma_semaphore, #tpu.memory_space<semaphore_mem>>
    %dma_start3A_203 = arith.constant 0 : i32
    %dma_start3A_204 = tpu.memref_slice %arg4[%add3A_192, %dma_start3A_203] : memref<8192x2048xf32, #tpu.memory_space<hbm>> -> memref<16x2048xf32, #tpu.memory_space<hbm>>
    %dma_start3A_205 = arith.constant 0 : i32
    %dma_start3A_206 = arith.constant 0 : i32
    %dma_start3A_207 = tpu.memref_slice %arg6[%dma_start3A_193, %dma_start3A_205, %dma_start3A_206] : memref<3x16x2048xf32, #tpu.memory_space<vmem>> -> memref<1x16x2048xf32, #tpu.memory_space<vmem>>
    %dma_start3A_208 = tpu.memref_squeeze %dma_start3A_207 : memref<1x16x2048xf32, #tpu.memory_space<vmem>> -> memref<16x2048xf32, #tpu.memory_space<vmem>>
    tpu.enqueue_dma source(%dma_start3A_208 : memref<16x2048xf32, #tpu.memory_space<vmem>>) target(%dma_start3A_204 : memref<16x2048xf32, #tpu.memory_space<hbm>>) target_semaphore(%dma_start3A_202 : memref<!tpu.dma_semaphore, #tpu.memory_space<semaphore_mem>>)
    %dma_wait3A_209 = arith.constant 1 : i32
    %dma_wait3A_210 = arith.constant 1 : i32
    %dma_wait3A_211 = arith.constant 0 : i32
    %dma_wait3A_212 = arith.constant 0 : i32
    %dma_wait3A_213 = tpu.memref_slice %arg6[%dma_wait3A_209, %dma_wait3A_211, %dma_wait3A_212] : memref<3x16x2048xf32, #tpu.memory_space<vmem>> -> memref<1x16x2048xf32, #tpu.memory_space<vmem>>
    %dma_wait3A_214 = tpu.memref_squeeze %dma_wait3A_213 : memref<1x16x2048xf32, #tpu.memory_space<vmem>> -> memref<16x2048xf32, #tpu.memory_space<vmem>>
    %dma_wait3A_215 = arith.constant 0 : i32
    %dma_wait3A_216 = tpu.memref_slice %arg4[%add3A_80, %dma_wait3A_215] : memref<8192x2048xf32, #tpu.memory_space<hbm>> -> memref<16x2048xf32, #tpu.memory_space<hbm>>
    %dma_wait3A_217 = tpu.memref_slice %arg8[%dma_wait3A_210] : memref<3x!tpu.dma_semaphore, #tpu.memory_space<semaphore_mem>> -> memref<1x!tpu.dma_semaphore, #tpu.memory_space<semaphore_mem>>
    %dma_wait3A_218 = tpu.memref_squeeze %dma_wait3A_217 : memref<1x!tpu.dma_semaphore, #tpu.memory_space<semaphore_mem>> -> memref<!tpu.dma_semaphore, #tpu.memory_space<semaphore_mem>>
    %dma_wait3A_219 = arith.constant 0 : i32
    %dma_wait3A_220 = tpu.memref_slice %arg4[%add3A_80, %dma_wait3A_219] : memref<8192x2048xf32, #tpu.memory_space<hbm>> -> memref<16x2048xf32, #tpu.memory_space<hbm>>
    %dma_wait3A_221 = arith.constant 0 : i32
    %dma_wait3A_222 = arith.constant 0 : i32
    %dma_wait3A_223 = tpu.memref_slice %arg6[%dma_wait3A_209, %dma_wait3A_221, %dma_wait3A_222] : memref<3x16x2048xf32, #tpu.memory_space<vmem>> -> memref<1x16x2048xf32, #tpu.memory_space<vmem>>
    %dma_wait3A_224 = tpu.memref_squeeze %dma_wait3A_223 : memref<1x16x2048xf32, #tpu.memory_space<vmem>> -> memref<16x2048xf32, #tpu.memory_space<vmem>>
    tpu.wait_dma2 semaphore(%dma_wait3A_218 : memref<!tpu.dma_semaphore, #tpu.memory_space<semaphore_mem>>) src(%dma_wait3A_224 : memref<16x2048xf32, #tpu.memory_space<vmem>>) dst(%dma_wait3A_220 : memref<16x2048xf32, #tpu.memory_space<hbm>>)
    %dma_start3A_225 = arith.constant 4 : i32
    %dma_start3A_226 = arith.constant 1 : i32
    %dma_start3A_227 = arith.constant 1 : i32
    %dma_start3A_228 = arith.constant 0 : i32
    %dma_start3A_229 = arith.constant 0 : i32
    %dma_start3A_230 = tpu.memref_slice %arg6[%dma_start3A_226, %dma_start3A_228, %dma_start3A_229] : memref<3x16x2048xf32, #tpu.memory_space<vmem>> -> memref<1x16x2048xf32, #tpu.memory_space<vmem>>
    %dma_start3A_231 = tpu.memref_squeeze %dma_start3A_230 : memref<1x16x2048xf32, #tpu.memory_space<vmem>> -> memref<16x2048xf32, #tpu.memory_space<vmem>>
    %dma_start3A_232 = arith.constant 0 : i32
    %dma_start3A_233 = tpu.memref_slice %arg5[%dma_start3A_225, %dma_start3A_232] : memref<16x16xi32, #tpu.memory_space<vmem>> -> memref<1x16xi32, #tpu.memory_space<vmem>>
    %dma_start3A_234 = tpu.memref_squeeze %dma_start3A_233 : memref<1x16xi32, #tpu.memory_space<vmem>> -> memref<16xi32, #tpu.memory_space<vmem>>
    %dma_start3A_235 = arith.constant 0 : i32
    %dma_start3A_236 = arith.constant 0 : i32
    %dma_start3A_237 = tpu.memref_slice %arg2[%dma_start3A_235, %dma_start3A_236] : memref<100000x2048xf32, #tpu.memory_space<hbm>> -> memref<100000x2048xf32, #tpu.memory_space<hbm>>
    %dma_start3A_238 = tpu.memref_slice %arg7[%dma_start3A_227] : memref<3x!tpu.dma_semaphore, #tpu.memory_space<semaphore_mem>> -> memref<1x!tpu.dma_semaphore, #tpu.memory_space<semaphore_mem>>
    %dma_start3A_239 = tpu.memref_squeeze %dma_start3A_238 : memref<1x!tpu.dma_semaphore, #tpu.memory_space<semaphore_mem>> -> memref<!tpu.dma_semaphore, #tpu.memory_space<semaphore_mem>>
    tpu.enqueue_indirect_dma source(%dma_start3A_237 : memref<100000x2048xf32, #tpu.memory_space<hbm>>) target(%dma_start3A_231 : memref<16x2048xf32, #tpu.memory_space<vmem>>) offsets(%dma_start3A_234 : memref<16xi32, #tpu.memory_space<vmem>>) semaphore(%dma_start3A_239 : memref<!tpu.dma_semaphore, #tpu.memory_space<semaphore_mem>>)
    %dma_wait3A_240 = arith.constant 4 : i32
    %dma_wait3A_241 = arith.constant 1 : i32
    %dma_wait3A_242 = arith.constant 1 : i32
    %dma_wait3A_243 = arith.constant 0 : i32
    %dma_wait3A_244 = arith.constant 0 : i32
    %dma_wait3A_245 = tpu.memref_slice %arg6[%dma_wait3A_241, %dma_wait3A_243, %dma_wait3A_244] : memref<3x16x2048xf32, #tpu.memory_space<vmem>> -> memref<1x16x2048xf32, #tpu.memory_space<vmem>>
    %dma_wait3A_246 = tpu.memref_squeeze %dma_wait3A_245 : memref<1x16x2048xf32, #tpu.memory_space<vmem>> -> memref<16x2048xf32, #tpu.memory_space<vmem>>
    %dma_wait3A_247 = arith.constant 0 : i32
    %dma_wait3A_248 = tpu.memref_slice %arg5[%dma_wait3A_240, %dma_wait3A_247] : memref<16x16xi32, #tpu.memory_space<vmem>> -> memref<1x16xi32, #tpu.memory_space<vmem>>
    %dma_wait3A_249 = tpu.memref_squeeze %dma_wait3A_248 : memref<1x16xi32, #tpu.memory_space<vmem>> -> memref<16xi32, #tpu.memory_space<vmem>>
    %dma_wait3A_250 = arith.constant 0 : i32
    %dma_wait3A_251 = arith.constant 0 : i32
    %dma_wait3A_252 = tpu.memref_slice %arg2[%dma_wait3A_250, %dma_wait3A_251] : memref<100000x2048xf32, #tpu.memory_space<hbm>> -> memref<100000x2048xf32, #tpu.memory_space<hbm>>
    %dma_wait3A_253 = tpu.memref_slice %arg7[%dma_wait3A_242] : memref<3x!tpu.dma_semaphore, #tpu.memory_space<semaphore_mem>> -> memref<1x!tpu.dma_semaphore, #tpu.memory_space<semaphore_mem>>
    %dma_wait3A_254 = tpu.memref_squeeze %dma_wait3A_253 : memref<1x!tpu.dma_semaphore, #tpu.memory_space<semaphore_mem>> -> memref<!tpu.dma_semaphore, #tpu.memory_space<semaphore_mem>>
    tpu.wait_indirect_dma semaphore(%dma_wait3A_254 : memref<!tpu.dma_semaphore, #tpu.memory_space<semaphore_mem>>) src(%dma_wait3A_252 : memref<100000x2048xf32, #tpu.memory_space<hbm>>) dst(%dma_wait3A_246 : memref<16x2048xf32, #tpu.memory_space<vmem>>)
    %add3A_255 = arith.constant 64 : i32
    %add3A_256 = arith.addi %mul3A_2, %add3A_255 : i32
    %dma_start3A_257 = arith.constant 1 : i32
    %dma_start3A_258 = arith.constant 1 : i32
    %dma_start3A_259 = arith.constant 0 : i32
    %dma_start3A_260 = arith.constant 0 : i32
    %dma_start3A_261 = tpu.memref_slice %arg6[%dma_start3A_257, %dma_start3A_259, %dma_start3A_260] : memref<3x16x2048xf32, #tpu.memory_space<vmem>> -> memref<1x16x2048xf32, #tpu.memory_space<vmem>>
    %dma_start3A_262 = tpu.memref_squeeze %dma_start3A_261 : memref<1x16x2048xf32, #tpu.memory_space<vmem>> -> memref<16x2048xf32, #tpu.memory_space<vmem>>
    %dma_start3A_263 = arith.constant 0 : i32
    %dma_start3A_264 = tpu.memref_slice %arg4[%add3A_256, %dma_start3A_263] : memref<8192x2048xf32, #tpu.memory_space<hbm>> -> memref<16x2048xf32, #tpu.memory_space<hbm>>
    %dma_start3A_265 = tpu.memref_slice %arg8[%dma_start3A_258] : memref<3x!tpu.dma_semaphore, #tpu.memory_space<semaphore_mem>> -> memref<1x!tpu.dma_semaphore, #tpu.memory_space<semaphore_mem>>
    %dma_start3A_266 = tpu.memref_squeeze %dma_start3A_265 : memref<1x!tpu.dma_semaphore, #tpu.memory_space<semaphore_mem>> -> memref<!tpu.dma_semaphore, #tpu.memory_space<semaphore_mem>>
    %dma_start3A_267 = arith.constant 0 : i32
    %dma_start3A_268 = tpu.memref_slice %arg4[%add3A_256, %dma_start3A_267] : memref<8192x2048xf32, #tpu.memory_space<hbm>> -> memref<16x2048xf32, #tpu.memory_space<hbm>>
    %dma_start3A_269 = arith.constant 0 : i32
    %dma_start3A_270 = arith.constant 0 : i32
    %dma_start3A_271 = tpu.memref_slice %arg6[%dma_start3A_257, %dma_start3A_269, %dma_start3A_270] : memref<3x16x2048xf32, #tpu.memory_space<vmem>> -> memref<1x16x2048xf32, #tpu.memory_space<vmem>>
    %dma_start3A_272 = tpu.memref_squeeze %dma_start3A_271 : memref<1x16x2048xf32, #tpu.memory_space<vmem>> -> memref<16x2048xf32, #tpu.memory_space<vmem>>
    tpu.enqueue_dma source(%dma_start3A_272 : memref<16x2048xf32, #tpu.memory_space<vmem>>) target(%dma_start3A_268 : memref<16x2048xf32, #tpu.memory_space<hbm>>) target_semaphore(%dma_start3A_266 : memref<!tpu.dma_semaphore, #tpu.memory_space<semaphore_mem>>)
    %dma_wait3A_273 = arith.constant 2 : i32
    %dma_wait3A_274 = arith.constant 2 : i32
    %dma_wait3A_275 = arith.constant 0 : i32
    %dma_wait3A_276 = arith.constant 0 : i32
    %dma_wait3A_277 = tpu.memref_slice %arg6[%dma_wait3A_273, %dma_wait3A_275, %dma_wait3A_276] : memref<3x16x2048xf32, #tpu.memory_space<vmem>> -> memref<1x16x2048xf32, #tpu.memory_space<vmem>>
    %dma_wait3A_278 = tpu.memref_squeeze %dma_wait3A_277 : memref<1x16x2048xf32, #tpu.memory_space<vmem>> -> memref<16x2048xf32, #tpu.memory_space<vmem>>
    %dma_wait3A_279 = arith.constant 0 : i32
    %dma_wait3A_280 = tpu.memref_slice %arg4[%add3A_128, %dma_wait3A_279] : memref<8192x2048xf32, #tpu.memory_space<hbm>> -> memref<16x2048xf32, #tpu.memory_space<hbm>>
    %dma_wait3A_281 = tpu.memref_slice %arg8[%dma_wait3A_274] : memref<3x!tpu.dma_semaphore, #tpu.memory_space<semaphore_mem>> -> memref<1x!tpu.dma_semaphore, #tpu.memory_space<semaphore_mem>>
    %dma_wait3A_282 = tpu.memref_squeeze %dma_wait3A_281 : memref<1x!tpu.dma_semaphore, #tpu.memory_space<semaphore_mem>> -> memref<!tpu.dma_semaphore, #tpu.memory_space<semaphore_mem>>
    %dma_wait3A_283 = arith.constant 0 : i32
    %dma_wait3A_284 = tpu.memref_slice %arg4[%add3A_128, %dma_wait3A_283] : memref<8192x2048xf32, #tpu.memory_space<hbm>> -> memref<16x2048xf32, #tpu.memory_space<hbm>>
    %dma_wait3A_285 = arith.constant 0 : i32
    %dma_wait3A_286 = arith.constant 0 : i32
    %dma_wait3A_287 = tpu.memref_slice %arg6[%dma_wait3A_273, %dma_wait3A_285, %dma_wait3A_286] : memref<3x16x2048xf32, #tpu.memory_space<vmem>> -> memref<1x16x2048xf32, #tpu.memory_space<vmem>>
    %dma_wait3A_288 = tpu.memref_squeeze %dma_wait3A_287 : memref<1x16x2048xf32, #tpu.memory_space<vmem>> -> memref<16x2048xf32, #tpu.memory_space<vmem>>
    tpu.wait_dma2 semaphore(%dma_wait3A_282 : memref<!tpu.dma_semaphore, #tpu.memory_space<semaphore_mem>>) src(%dma_wait3A_288 : memref<16x2048xf32, #tpu.memory_space<vmem>>) dst(%dma_wait3A_284 : memref<16x2048xf32, #tpu.memory_space<hbm>>)
    %dma_start3A_289 = arith.constant 5 : i32
    %dma_start3A_290 = arith.constant 2 : i32
    %dma_start3A_291 = arith.constant 2 : i32
    %dma_start3A_292 = arith.constant 0 : i32
    %dma_start3A_293 = arith.constant 0 : i32
    %dma_start3A_294 = tpu.memref_slice %arg6[%dma_start3A_290, %dma_start3A_292, %dma_start3A_293] : memref<3x16x2048xf32, #tpu.memory_space<vmem>> -> memref<1x16x2048xf32, #tpu.memory_space<vmem>>
    %dma_start3A_295 = tpu.memref_squeeze %dma_start3A_294 : memref<1x16x2048xf32, #tpu.memory_space<vmem>> -> memref<16x2048xf32, #tpu.memory_space<vmem>>
    %dma_start3A_296 = arith.constant 0 : i32
    %dma_start3A_297 = tpu.memref_slice %arg5[%dma_start3A_289, %dma_start3A_296] : memref<16x16xi32, #tpu.memory_space<vmem>> -> memref<1x16xi32, #tpu.memory_space<vmem>>
    %dma_start3A_298 = tpu.memref_squeeze %dma_start3A_297 : memref<1x16xi32, #tpu.memory_space<vmem>> -> memref<16xi32, #tpu.memory_space<vmem>>
    %dma_start3A_299 = arith.constant 0 : i32
    %dma_start3A_300 = arith.constant 0 : i32
    %dma_start3A_301 = tpu.memref_slice %arg2[%dma_start3A_299, %dma_start3A_300] : memref<100000x2048xf32, #tpu.memory_space<hbm>> -> memref<100000x2048xf32, #tpu.memory_space<hbm>>
    %dma_start3A_302 = tpu.memref_slice %arg7[%dma_start3A_291] : memref<3x!tpu.dma_semaphore, #tpu.memory_space<semaphore_mem>> -> memref<1x!tpu.dma_semaphore, #tpu.memory_space<semaphore_mem>>
    %dma_start3A_303 = tpu.memref_squeeze %dma_start3A_302 : memref<1x!tpu.dma_semaphore, #tpu.memory_space<semaphore_mem>> -> memref<!tpu.dma_semaphore, #tpu.memory_space<semaphore_mem>>
    tpu.enqueue_indirect_dma source(%dma_start3A_301 : memref<100000x2048xf32, #tpu.memory_space<hbm>>) target(%dma_start3A_295 : memref<16x2048xf32, #tpu.memory_space<vmem>>) offsets(%dma_start3A_298 : memref<16xi32, #tpu.memory_space<vmem>>) semaphore(%dma_start3A_303 : memref<!tpu.dma_semaphore, #tpu.memory_space<semaphore_mem>>)
    %dma_wait3A_304 = arith.constant 5 : i32
    %dma_wait3A_305 = arith.constant 2 : i32
    %dma_wait3A_306 = arith.constant 2 : i32
    %dma_wait3A_307 = arith.constant 0 : i32
    %dma_wait3A_308 = arith.constant 0 : i32
    %dma_wait3A_309 = tpu.memref_slice %arg6[%dma_wait3A_305, %dma_wait3A_307, %dma_wait3A_308] : memref<3x16x2048xf32, #tpu.memory_space<vmem>> -> memref<1x16x2048xf32, #tpu.memory_space<vmem>>
    %dma_wait3A_310 = tpu.memref_squeeze %dma_wait3A_309 : memref<1x16x2048xf32, #tpu.memory_space<vmem>> -> memref<16x2048xf32, #tpu.memory_space<vmem>>
    %dma_wait3A_311 = arith.constant 0 : i32
    %dma_wait3A_312 = tpu.memref_slice %arg5[%dma_wait3A_304, %dma_wait3A_311] : memref<16x16xi32, #tpu.memory_space<vmem>> -> memref<1x16xi32, #tpu.memory_space<vmem>>
    %dma_wait3A_313 = tpu.memref_squeeze %dma_wait3A_312 : memref<1x16xi32, #tpu.memory_space<vmem>> -> memref<16xi32, #tpu.memory_space<vmem>>
    %dma_wait3A_314 = arith.constant 0 : i32
    %dma_wait3A_315 = arith.constant 0 : i32
    %dma_wait3A_316 = tpu.memref_slice %arg2[%dma_wait3A_314, %dma_wait3A_315] : memref<100000x2048xf32, #tpu.memory_space<hbm>> -> memref<100000x2048xf32, #tpu.memory_space<hbm>>
    %dma_wait3A_317 = tpu.memref_slice %arg7[%dma_wait3A_306] : memref<3x!tpu.dma_semaphore, #tpu.memory_space<semaphore_mem>> -> memref<1x!tpu.dma_semaphore, #tpu.memory_space<semaphore_mem>>
    %dma_wait3A_318 = tpu.memref_squeeze %dma_wait3A_317 : memref<1x!tpu.dma_semaphore, #tpu.memory_space<semaphore_mem>> -> memref<!tpu.dma_semaphore, #tpu.memory_space<semaphore_mem>>
    tpu.wait_indirect_dma semaphore(%dma_wait3A_318 : memref<!tpu.dma_semaphore, #tpu.memory_space<semaphore_mem>>) src(%dma_wait3A_316 : memref<100000x2048xf32, #tpu.memory_space<hbm>>) dst(%dma_wait3A_310 : memref<16x2048xf32, #tpu.memory_space<vmem>>)
    %add3A_319 = arith.constant 80 : i32
    %add3A_320 = arith.addi %mul3A_2, %add3A_319 : i32
    %dma_start3A_321 = arith.constant 2 : i32
    %dma_start3A_322 = arith.constant 2 : i32
    %dma_start3A_323 = arith.constant 0 : i32
    %dma_start3A_324 = arith.constant 0 : i32
    %dma_start3A_325 = tpu.memref_slice %arg6[%dma_start3A_321, %dma_start3A_323, %dma_start3A_324] : memref<3x16x2048xf32, #tpu.memory_space<vmem>> -> memref<1x16x2048xf32, #tpu.memory_space<vmem>>
    %dma_start3A_326 = tpu.memref_squeeze %dma_start3A_325 : memref<1x16x2048xf32, #tpu.memory_space<vmem>> -> memref<16x2048xf32, #tpu.memory_space<vmem>>
    %dma_start3A_327 = arith.constant 0 : i32
    %dma_start3A_328 = tpu.memref_slice %arg4[%add3A_320, %dma_start3A_327] : memref<8192x2048xf32, #tpu.memory_space<hbm>> -> memref<16x2048xf32, #tpu.memory_space<hbm>>
    %dma_start3A_329 = tpu.memref_slice %arg8[%dma_start3A_322] : memref<3x!tpu.dma_semaphore, #tpu.memory_space<semaphore_mem>> -> memref<1x!tpu.dma_semaphore, #tpu.memory_space<semaphore_mem>>
    %dma_start3A_330 = tpu.memref_squeeze %dma_start3A_329 : memref<1x!tpu.dma_semaphore, #tpu.memory_space<semaphore_mem>> -> memref<!tpu.dma_semaphore, #tpu.memory_space<semaphore_mem>>
    %dma_start3A_331 = arith.constant 0 : i32
    %dma_start3A_332 = tpu.memref_slice %arg4[%add3A_320, %dma_start3A_331] : memref<8192x2048xf32, #tpu.memory_space<hbm>> -> memref<16x2048xf32, #tpu.memory_space<hbm>>
    %dma_start3A_333 = arith.constant 0 : i32
    %dma_start3A_334 = arith.constant 0 : i32
    %dma_start3A_335 = tpu.memref_slice %arg6[%dma_start3A_321, %dma_start3A_333, %dma_start3A_334] : memref<3x16x2048xf32, #tpu.memory_space<vmem>> -> memref<1x16x2048xf32, #tpu.memory_space<vmem>>
    %dma_start3A_336 = tpu.memref_squeeze %dma_start3A_335 : memref<1x16x2048xf32, #tpu.memory_space<vmem>> -> memref<16x2048xf32, #tpu.memory_space<vmem>>
    tpu.enqueue_dma source(%dma_start3A_336 : memref<16x2048xf32, #tpu.memory_space<vmem>>) target(%dma_start3A_332 : memref<16x2048xf32, #tpu.memory_space<hbm>>) target_semaphore(%dma_start3A_330 : memref<!tpu.dma_semaphore, #tpu.memory_space<semaphore_mem>>)
    %dma_wait3A_337 = arith.constant 0 : i32
    %dma_wait3A_338 = arith.constant 0 : i32
    %dma_wait3A_339 = arith.constant 0 : i32
    %dma_wait3A_340 = arith.constant 0 : i32
    %dma_wait3A_341 = tpu.memref_slice %arg6[%dma_wait3A_337, %dma_wait3A_339, %dma_wait3A_340] : memref<3x16x2048xf32, #tpu.memory_space<vmem>> -> memref<1x16x2048xf32, #tpu.memory_space<vmem>>
    %dma_wait3A_342 = tpu.memref_squeeze %dma_wait3A_341 : memref<1x16x2048xf32, #tpu.memory_space<vmem>> -> memref<16x2048xf32, #tpu.memory_space<vmem>>
    %dma_wait3A_343 = arith.constant 0 : i32
    %dma_wait3A_344 = tpu.memref_slice %arg4[%add3A_192, %dma_wait3A_343] : memref<8192x2048xf32, #tpu.memory_space<hbm>> -> memref<16x2048xf32, #tpu.memory_space<hbm>>
    %dma_wait3A_345 = tpu.memref_slice %arg8[%dma_wait3A_338] : memref<3x!tpu.dma_semaphore, #tpu.memory_space<semaphore_mem>> -> memref<1x!tpu.dma_semaphore, #tpu.memory_space<semaphore_mem>>
    %dma_wait3A_346 = tpu.memref_squeeze %dma_wait3A_345 : memref<1x!tpu.dma_semaphore, #tpu.memory_space<semaphore_mem>> -> memref<!tpu.dma_semaphore, #tpu.memory_space<semaphore_mem>>
    %dma_wait3A_347 = arith.constant 0 : i32
    %dma_wait3A_348 = tpu.memref_slice %arg4[%add3A_192, %dma_wait3A_347] : memref<8192x2048xf32, #tpu.memory_space<hbm>> -> memref<16x2048xf32, #tpu.memory_space<hbm>>
    %dma_wait3A_349 = arith.constant 0 : i32
    %dma_wait3A_350 = arith.constant 0 : i32
    %dma_wait3A_351 = tpu.memref_slice %arg6[%dma_wait3A_337, %dma_wait3A_349, %dma_wait3A_350] : memref<3x16x2048xf32, #tpu.memory_space<vmem>> -> memref<1x16x2048xf32, #tpu.memory_space<vmem>>
    %dma_wait3A_352 = tpu.memref_squeeze %dma_wait3A_351 : memref<1x16x2048xf32, #tpu.memory_space<vmem>> -> memref<16x2048xf32, #tpu.memory_space<vmem>>
    tpu.wait_dma2 semaphore(%dma_wait3A_346 : memref<!tpu.dma_semaphore, #tpu.memory_space<semaphore_mem>>) src(%dma_wait3A_352 : memref<16x2048xf32, #tpu.memory_space<vmem>>) dst(%dma_wait3A_348 : memref<16x2048xf32, #tpu.memory_space<hbm>>)
    %dma_start3A_353 = arith.constant 6 : i32
    %dma_start3A_354 = arith.constant 0 : i32
    %dma_start3A_355 = arith.constant 0 : i32
    %dma_start3A_356 = arith.constant 0 : i32
    %dma_start3A_357 = arith.constant 0 : i32
    %dma_start3A_358 = tpu.memref_slice %arg6[%dma_start3A_354, %dma_start3A_356, %dma_start3A_357] : memref<3x16x2048xf32, #tpu.memory_space<vmem>> -> memref<1x16x2048xf32, #tpu.memory_space<vmem>>
    %dma_start3A_359 = tpu.memref_squeeze %dma_start3A_358 : memref<1x16x2048xf32, #tpu.memory_space<vmem>> -> memref<16x2048xf32, #tpu.memory_space<vmem>>
    %dma_start3A_360 = arith.constant 0 : i32
    %dma_start3A_361 = tpu.memref_slice %arg5[%dma_start3A_353, %dma_start3A_360] : memref<16x16xi32, #tpu.memory_space<vmem>> -> memref<1x16xi32, #tpu.memory_space<vmem>>
    %dma_start3A_362 = tpu.memref_squeeze %dma_start3A_361 : memref<1x16xi32, #tpu.memory_space<vmem>> -> memref<16xi32, #tpu.memory_space<vmem>>
    %dma_start3A_363 = arith.constant 0 : i32
    %dma_start3A_364 = arith.constant 0 : i32
    %dma_start3A_365 = tpu.memref_slice %arg2[%dma_start3A_363, %dma_start3A_364] : memref<100000x2048xf32, #tpu.memory_space<hbm>> -> memref<100000x2048xf32, #tpu.memory_space<hbm>>
    %dma_start3A_366 = tpu.memref_slice %arg7[%dma_start3A_355] : memref<3x!tpu.dma_semaphore, #tpu.memory_space<semaphore_mem>> -> memref<1x!tpu.dma_semaphore, #tpu.memory_space<semaphore_mem>>
    %dma_start3A_367 = tpu.memref_squeeze %dma_start3A_366 : memref<1x!tpu.dma_semaphore, #tpu.memory_space<semaphore_mem>> -> memref<!tpu.dma_semaphore, #tpu.memory_space<semaphore_mem>>
    tpu.enqueue_indirect_dma source(%dma_start3A_365 : memref<100000x2048xf32, #tpu.memory_space<hbm>>) target(%dma_start3A_359 : memref<16x2048xf32, #tpu.memory_space<vmem>>) offsets(%dma_start3A_362 : memref<16xi32, #tpu.memory_space<vmem>>) semaphore(%dma_start3A_367 : memref<!tpu.dma_semaphore, #tpu.memory_space<semaphore_mem>>)
    %dma_wait3A_368 = arith.constant 6 : i32
    %dma_wait3A_369 = arith.constant 0 : i32
    %dma_wait3A_370 = arith.constant 0 : i32
    %dma_wait3A_371 = arith.constant 0 : i32
    %dma_wait3A_372 = arith.constant 0 : i32
    %dma_wait3A_373 = tpu.memref_slice %arg6[%dma_wait3A_369, %dma_wait3A_371, %dma_wait3A_372] : memref<3x16x2048xf32, #tpu.memory_space<vmem>> -> memref<1x16x2048xf32, #tpu.memory_space<vmem>>
    %dma_wait3A_374 = tpu.memref_squeeze %dma_wait3A_373 : memref<1x16x2048xf32, #tpu.memory_space<vmem>> -> memref<16x2048xf32, #tpu.memory_space<vmem>>
    %dma_wait3A_375 = arith.constant 0 : i32
    %dma_wait3A_376 = tpu.memref_slice %arg5[%dma_wait3A_368, %dma_wait3A_375] : memref<16x16xi32, #tpu.memory_space<vmem>> -> memref<1x16xi32, #tpu.memory_space<vmem>>
    %dma_wait3A_377 = tpu.memref_squeeze %dma_wait3A_376 : memref<1x16xi32, #tpu.memory_space<vmem>> -> memref<16xi32, #tpu.memory_space<vmem>>
    %dma_wait3A_378 = arith.constant 0 : i32
    %dma_wait3A_379 = arith.constant 0 : i32
    %dma_wait3A_380 = tpu.memref_slice %arg2[%dma_wait3A_378, %dma_wait3A_379] : memref<100000x2048xf32, #tpu.memory_space<hbm>> -> memref<100000x2048xf32, #tpu.memory_space<hbm>>
    %dma_wait3A_381 = tpu.memref_slice %arg7[%dma_wait3A_370] : memref<3x!tpu.dma_semaphore, #tpu.memory_space<semaphore_mem>> -> memref<1x!tpu.dma_semaphore, #tpu.memory_space<semaphore_mem>>
    %dma_wait3A_382 = tpu.memref_squeeze %dma_wait3A_381 : memref<1x!tpu.dma_semaphore, #tpu.memory_space<semaphore_mem>> -> memref<!tpu.dma_semaphore, #tpu.memory_space<semaphore_mem>>
    tpu.wait_indirect_dma semaphore(%dma_wait3A_382 : memref<!tpu.dma_semaphore, #tpu.memory_space<semaphore_mem>>) src(%dma_wait3A_380 : memref<100000x2048xf32, #tpu.memory_space<hbm>>) dst(%dma_wait3A_374 : memref<16x2048xf32, #tpu.memory_space<vmem>>)
    %add3A_383 = arith.constant 96 : i32
    %add3A_384 = arith.addi %mul3A_2, %add3A_383 : i32
    %dma_start3A_385 = arith.constant 0 : i32
    %dma_start3A_386 = arith.constant 0 : i32
    %dma_start3A_387 = arith.constant 0 : i32
    %dma_start3A_388 = arith.constant 0 : i32
    %dma_start3A_389 = tpu.memref_slice %arg6[%dma_start3A_385, %dma_start3A_387, %dma_start3A_388] : memref<3x16x2048xf32, #tpu.memory_space<vmem>> -> memref<1x16x2048xf32, #tpu.memory_space<vmem>>
    %dma_start3A_390 = tpu.memref_squeeze %dma_start3A_389 : memref<1x16x2048xf32, #tpu.memory_space<vmem>> -> memref<16x2048xf32, #tpu.memory_space<vmem>>
    %dma_start3A_391 = arith.constant 0 : i32
    %dma_start3A_392 = tpu.memref_slice %arg4[%add3A_384, %dma_start3A_391] : memref<8192x2048xf32, #tpu.memory_space<hbm>> -> memref<16x2048xf32, #tpu.memory_space<hbm>>
    %dma_start3A_393 = tpu.memref_slice %arg8[%dma_start3A_386] : memref<3x!tpu.dma_semaphore, #tpu.memory_space<semaphore_mem>> -> memref<1x!tpu.dma_semaphore, #tpu.memory_space<semaphore_mem>>
    %dma_start3A_394 = tpu.memref_squeeze %dma_start3A_393 : memref<1x!tpu.dma_semaphore, #tpu.memory_space<semaphore_mem>> -> memref<!tpu.dma_semaphore, #tpu.memory_space<semaphore_mem>>
    %dma_start3A_395 = arith.constant 0 : i32
    %dma_start3A_396 = tpu.memref_slice %arg4[%add3A_384, %dma_start3A_395] : memref<8192x2048xf32, #tpu.memory_space<hbm>> -> memref<16x2048xf32, #tpu.memory_space<hbm>>
    %dma_start3A_397 = arith.constant 0 : i32
    %dma_start3A_398 = arith.constant 0 : i32
    %dma_start3A_399 = tpu.memref_slice %arg6[%dma_start3A_385, %dma_start3A_397, %dma_start3A_398] : memref<3x16x2048xf32, #tpu.memory_space<vmem>> -> memref<1x16x2048xf32, #tpu.memory_space<vmem>>
    %dma_start3A_400 = tpu.memref_squeeze %dma_start3A_399 : memref<1x16x2048xf32, #tpu.memory_space<vmem>> -> memref<16x2048xf32, #tpu.memory_space<vmem>>
    tpu.enqueue_dma source(%dma_start3A_400 : memref<16x2048xf32, #tpu.memory_space<vmem>>) target(%dma_start3A_396 : memref<16x2048xf32, #tpu.memory_space<hbm>>) target_semaphore(%dma_start3A_394 : memref<!tpu.dma_semaphore, #tpu.memory_space<semaphore_mem>>)
    %dma_wait3A_401 = arith.constant 1 : i32
    %dma_wait3A_402 = arith.constant 1 : i32
    %dma_wait3A_403 = arith.constant 0 : i32
    %dma_wait3A_404 = arith.constant 0 : i32
    %dma_wait3A_405 = tpu.memref_slice %arg6[%dma_wait3A_401, %dma_wait3A_403, %dma_wait3A_404] : memref<3x16x2048xf32, #tpu.memory_space<vmem>> -> memref<1x16x2048xf32, #tpu.memory_space<vmem>>
    %dma_wait3A_406 = tpu.memref_squeeze %dma_wait3A_405 : memref<1x16x2048xf32, #tpu.memory_space<vmem>> -> memref<16x2048xf32, #tpu.memory_space<vmem>>
    %dma_wait3A_407 = arith.constant 0 : i32
    %dma_wait3A_408 = tpu.memref_slice %arg4[%add3A_256, %dma_wait3A_407] : memref<8192x2048xf32, #tpu.memory_space<hbm>> -> memref<16x2048xf32, #tpu.memory_space<hbm>>
    %dma_wait3A_409 = tpu.memref_slice %arg8[%dma_wait3A_402] : memref<3x!tpu.dma_semaphore, #tpu.memory_space<semaphore_mem>> -> memref<1x!tpu.dma_semaphore, #tpu.memory_space<semaphore_mem>>
    %dma_wait3A_410 = tpu.memref_squeeze %dma_wait3A_409 : memref<1x!tpu.dma_semaphore, #tpu.memory_space<semaphore_mem>> -> memref<!tpu.dma_semaphore, #tpu.memory_space<semaphore_mem>>
    %dma_wait3A_411 = arith.constant 0 : i32
    %dma_wait3A_412 = tpu.memref_slice %arg4[%add3A_256, %dma_wait3A_411] : memref<8192x2048xf32, #tpu.memory_space<hbm>> -> memref<16x2048xf32, #tpu.memory_space<hbm>>
    %dma_wait3A_413 = arith.constant 0 : i32
    %dma_wait3A_414 = arith.constant 0 : i32
    %dma_wait3A_415 = tpu.memref_slice %arg6[%dma_wait3A_401, %dma_wait3A_413, %dma_wait3A_414] : memref<3x16x2048xf32, #tpu.memory_space<vmem>> -> memref<1x16x2048xf32, #tpu.memory_space<vmem>>
    %dma_wait3A_416 = tpu.memref_squeeze %dma_wait3A_415 : memref<1x16x2048xf32, #tpu.memory_space<vmem>> -> memref<16x2048xf32, #tpu.memory_space<vmem>>
    tpu.wait_dma2 semaphore(%dma_wait3A_410 : memref<!tpu.dma_semaphore, #tpu.memory_space<semaphore_mem>>) src(%dma_wait3A_416 : memref<16x2048xf32, #tpu.memory_space<vmem>>) dst(%dma_wait3A_412 : memref<16x2048xf32, #tpu.memory_space<hbm>>)
    %dma_start3A_417 = arith.constant 7 : i32
    %dma_start3A_418 = arith.constant 1 : i32
    %dma_start3A_419 = arith.constant 1 : i32
    %dma_start3A_420 = arith.constant 0 : i32
    %dma_start3A_421 = arith.constant 0 : i32
    %dma_start3A_422 = tpu.memref_slice %arg6[%dma_start3A_418, %dma_start3A_420, %dma_start3A_421] : memref<3x16x2048xf32, #tpu.memory_space<vmem>> -> memref<1x16x2048xf32, #tpu.memory_space<vmem>>
    %dma_start3A_423 = tpu.memref_squeeze %dma_start3A_422 : memref<1x16x2048xf32, #tpu.memory_space<vmem>> -> memref<16x2048xf32, #tpu.memory_space<vmem>>
    %dma_start3A_424 = arith.constant 0 : i32
    %dma_start3A_425 = tpu.memref_slice %arg5[%dma_start3A_417, %dma_start3A_424] : memref<16x16xi32, #tpu.memory_space<vmem>> -> memref<1x16xi32, #tpu.memory_space<vmem>>
    %dma_start3A_426 = tpu.memref_squeeze %dma_start3A_425 : memref<1x16xi32, #tpu.memory_space<vmem>> -> memref<16xi32, #tpu.memory_space<vmem>>
    %dma_start3A_427 = arith.constant 0 : i32
    %dma_start3A_428 = arith.constant 0 : i32
    %dma_start3A_429 = tpu.memref_slice %arg2[%dma_start3A_427, %dma_start3A_428] : memref<100000x2048xf32, #tpu.memory_space<hbm>> -> memref<100000x2048xf32, #tpu.memory_space<hbm>>
    %dma_start3A_430 = tpu.memref_slice %arg7[%dma_start3A_419] : memref<3x!tpu.dma_semaphore, #tpu.memory_space<semaphore_mem>> -> memref<1x!tpu.dma_semaphore, #tpu.memory_space<semaphore_mem>>
    %dma_start3A_431 = tpu.memref_squeeze %dma_start3A_430 : memref<1x!tpu.dma_semaphore, #tpu.memory_space<semaphore_mem>> -> memref<!tpu.dma_semaphore, #tpu.memory_space<semaphore_mem>>
    tpu.enqueue_indirect_dma source(%dma_start3A_429 : memref<100000x2048xf32, #tpu.memory_space<hbm>>) target(%dma_start3A_423 : memref<16x2048xf32, #tpu.memory_space<vmem>>) offsets(%dma_start3A_426 : memref<16xi32, #tpu.memory_space<vmem>>) semaphore(%dma_start3A_431 : memref<!tpu.dma_semaphore, #tpu.memory_space<semaphore_mem>>)
    %dma_wait3A_432 = arith.constant 7 : i32
    %dma_wait3A_433 = arith.constant 1 : i32
    %dma_wait3A_434 = arith.constant 1 : i32
    %dma_wait3A_435 = arith.constant 0 : i32
    %dma_wait3A_436 = arith.constant 0 : i32
    %dma_wait3A_437 = tpu.memref_slice %arg6[%dma_wait3A_433, %dma_wait3A_435, %dma_wait3A_436] : memref<3x16x2048xf32, #tpu.memory_space<vmem>> -> memref<1x16x2048xf32, #tpu.memory_space<vmem>>
    %dma_wait3A_438 = tpu.memref_squeeze %dma_wait3A_437 : memref<1x16x2048xf32, #tpu.memory_space<vmem>> -> memref<16x2048xf32, #tpu.memory_space<vmem>>
    %dma_wait3A_439 = arith.constant 0 : i32
    %dma_wait3A_440 = tpu.memref_slice %arg5[%dma_wait3A_432, %dma_wait3A_439] : memref<16x16xi32, #tpu.memory_space<vmem>> -> memref<1x16xi32, #tpu.memory_space<vmem>>
    %dma_wait3A_441 = tpu.memref_squeeze %dma_wait3A_440 : memref<1x16xi32, #tpu.memory_space<vmem>> -> memref<16xi32, #tpu.memory_space<vmem>>
    %dma_wait3A_442 = arith.constant 0 : i32
    %dma_wait3A_443 = arith.constant 0 : i32
    %dma_wait3A_444 = tpu.memref_slice %arg2[%dma_wait3A_442, %dma_wait3A_443] : memref<100000x2048xf32, #tpu.memory_space<hbm>> -> memref<100000x2048xf32, #tpu.memory_space<hbm>>
    %dma_wait3A_445 = tpu.memref_slice %arg7[%dma_wait3A_434] : memref<3x!tpu.dma_semaphore, #tpu.memory_space<semaphore_mem>> -> memref<1x!tpu.dma_semaphore, #tpu.memory_space<semaphore_mem>>
    %dma_wait3A_446 = tpu.memref_squeeze %dma_wait3A_445 : memref<1x!tpu.dma_semaphore, #tpu.memory_space<semaphore_mem>> -> memref<!tpu.dma_semaphore, #tpu.memory_space<semaphore_mem>>
    tpu.wait_indirect_dma semaphore(%dma_wait3A_446 : memref<!tpu.dma_semaphore, #tpu.memory_space<semaphore_mem>>) src(%dma_wait3A_444 : memref<100000x2048xf32, #tpu.memory_space<hbm>>) dst(%dma_wait3A_438 : memref<16x2048xf32, #tpu.memory_space<vmem>>)
    %add3A_447 = arith.constant 112 : i32
    %add3A_448 = arith.addi %mul3A_2, %add3A_447 : i32
    %dma_start3A_449 = arith.constant 1 : i32
    %dma_start3A_450 = arith.constant 1 : i32
    %dma_start3A_451 = arith.constant 0 : i32
    %dma_start3A_452 = arith.constant 0 : i32
    %dma_start3A_453 = tpu.memref_slice %arg6[%dma_start3A_449, %dma_start3A_451, %dma_start3A_452] : memref<3x16x2048xf32, #tpu.memory_space<vmem>> -> memref<1x16x2048xf32, #tpu.memory_space<vmem>>
    %dma_start3A_454 = tpu.memref_squeeze %dma_start3A_453 : memref<1x16x2048xf32, #tpu.memory_space<vmem>> -> memref<16x2048xf32, #tpu.memory_space<vmem>>
    %dma_start3A_455 = arith.constant 0 : i32
    %dma_start3A_456 = tpu.memref_slice %arg4[%add3A_448, %dma_start3A_455] : memref<8192x2048xf32, #tpu.memory_space<hbm>> -> memref<16x2048xf32, #tpu.memory_space<hbm>>
    %dma_start3A_457 = tpu.memref_slice %arg8[%dma_start3A_450] : memref<3x!tpu.dma_semaphore, #tpu.memory_space<semaphore_mem>> -> memref<1x!tpu.dma_semaphore, #tpu.memory_space<semaphore_mem>>
    %dma_start3A_458 = tpu.memref_squeeze %dma_start3A_457 : memref<1x!tpu.dma_semaphore, #tpu.memory_space<semaphore_mem>> -> memref<!tpu.dma_semaphore, #tpu.memory_space<semaphore_mem>>
    %dma_start3A_459 = arith.constant 0 : i32
    %dma_start3A_460 = tpu.memref_slice %arg4[%add3A_448, %dma_start3A_459] : memref<8192x2048xf32, #tpu.memory_space<hbm>> -> memref<16x2048xf32, #tpu.memory_space<hbm>>
    %dma_start3A_461 = arith.constant 0 : i32
    %dma_start3A_462 = arith.constant 0 : i32
    %dma_start3A_463 = tpu.memref_slice %arg6[%dma_start3A_449, %dma_start3A_461, %dma_start3A_462] : memref<3x16x2048xf32, #tpu.memory_space<vmem>> -> memref<1x16x2048xf32, #tpu.memory_space<vmem>>
    %dma_start3A_464 = tpu.memref_squeeze %dma_start3A_463 : memref<1x16x2048xf32, #tpu.memory_space<vmem>> -> memref<16x2048xf32, #tpu.memory_space<vmem>>
    tpu.enqueue_dma source(%dma_start3A_464 : memref<16x2048xf32, #tpu.memory_space<vmem>>) target(%dma_start3A_460 : memref<16x2048xf32, #tpu.memory_space<hbm>>) target_semaphore(%dma_start3A_458 : memref<!tpu.dma_semaphore, #tpu.memory_space<semaphore_mem>>)
    %dma_wait3A_465 = arith.constant 2 : i32
    %dma_wait3A_466 = arith.constant 2 : i32
    %dma_wait3A_467 = arith.constant 0 : i32
    %dma_wait3A_468 = arith.constant 0 : i32
    %dma_wait3A_469 = tpu.memref_slice %arg6[%dma_wait3A_465, %dma_wait3A_467, %dma_wait3A_468] : memref<3x16x2048xf32, #tpu.memory_space<vmem>> -> memref<1x16x2048xf32, #tpu.memory_space<vmem>>
    %dma_wait3A_470 = tpu.memref_squeeze %dma_wait3A_469 : memref<1x16x2048xf32, #tpu.memory_space<vmem>> -> memref<16x2048xf32, #tpu.memory_space<vmem>>
    %dma_wait3A_471 = arith.constant 0 : i32
    %dma_wait3A_472 = tpu.memref_slice %arg4[%add3A_320, %dma_wait3A_471] : memref<8192x2048xf32, #tpu.memory_space<hbm>> -> memref<16x2048xf32, #tpu.memory_space<hbm>>
    %dma_wait3A_473 = tpu.memref_slice %arg8[%dma_wait3A_466] : memref<3x!tpu.dma_semaphore, #tpu.memory_space<semaphore_mem>> -> memref<1x!tpu.dma_semaphore, #tpu.memory_space<semaphore_mem>>
    %dma_wait3A_474 = tpu.memref_squeeze %dma_wait3A_473 : memref<1x!tpu.dma_semaphore, #tpu.memory_space<semaphore_mem>> -> memref<!tpu.dma_semaphore, #tpu.memory_space<semaphore_mem>>
    %dma_wait3A_475 = arith.constant 0 : i32
    %dma_wait3A_476 = tpu.memref_slice %arg4[%add3A_320, %dma_wait3A_475] : memref<8192x2048xf32, #tpu.memory_space<hbm>> -> memref<16x2048xf32, #tpu.memory_space<hbm>>
    %dma_wait3A_477 = arith.constant 0 : i32
    %dma_wait3A_478 = arith.constant 0 : i32
    %dma_wait3A_479 = tpu.memref_slice %arg6[%dma_wait3A_465, %dma_wait3A_477, %dma_wait3A_478] : memref<3x16x2048xf32, #tpu.memory_space<vmem>> -> memref<1x16x2048xf32, #tpu.memory_space<vmem>>
    %dma_wait3A_480 = tpu.memref_squeeze %dma_wait3A_479 : memref<1x16x2048xf32, #tpu.memory_space<vmem>> -> memref<16x2048xf32, #tpu.memory_space<vmem>>
    tpu.wait_dma2 semaphore(%dma_wait3A_474 : memref<!tpu.dma_semaphore, #tpu.memory_space<semaphore_mem>>) src(%dma_wait3A_480 : memref<16x2048xf32, #tpu.memory_space<vmem>>) dst(%dma_wait3A_476 : memref<16x2048xf32, #tpu.memory_space<hbm>>)
    %dma_start3A_481 = arith.constant 8 : i32
    %dma_start3A_482 = arith.constant 2 : i32
    %dma_start3A_483 = arith.constant 2 : i32
    %dma_start3A_484 = arith.constant 0 : i32
    %dma_start3A_485 = arith.constant 0 : i32
    %dma_start3A_486 = tpu.memref_slice %arg6[%dma_start3A_482, %dma_start3A_484, %dma_start3A_485] : memref<3x16x2048xf32, #tpu.memory_space<vmem>> -> memref<1x16x2048xf32, #tpu.memory_space<vmem>>
    %dma_start3A_487 = tpu.memref_squeeze %dma_start3A_486 : memref<1x16x2048xf32, #tpu.memory_space<vmem>> -> memref<16x2048xf32, #tpu.memory_space<vmem>>
    %dma_start3A_488 = arith.constant 0 : i32
    %dma_start3A_489 = tpu.memref_slice %arg5[%dma_start3A_481, %dma_start3A_488] : memref<16x16xi32, #tpu.memory_space<vmem>> -> memref<1x16xi32, #tpu.memory_space<vmem>>
    %dma_start3A_490 = tpu.memref_squeeze %dma_start3A_489 : memref<1x16xi32, #tpu.memory_space<vmem>> -> memref<16xi32, #tpu.memory_space<vmem>>
    %dma_start3A_491 = arith.constant 0 : i32
    %dma_start3A_492 = arith.constant 0 : i32
    %dma_start3A_493 = tpu.memref_slice %arg2[%dma_start3A_491, %dma_start3A_492] : memref<100000x2048xf32, #tpu.memory_space<hbm>> -> memref<100000x2048xf32, #tpu.memory_space<hbm>>
    %dma_start3A_494 = tpu.memref_slice %arg7[%dma_start3A_483] : memref<3x!tpu.dma_semaphore, #tpu.memory_space<semaphore_mem>> -> memref<1x!tpu.dma_semaphore, #tpu.memory_space<semaphore_mem>>
    %dma_start3A_495 = tpu.memref_squeeze %dma_start3A_494 : memref<1x!tpu.dma_semaphore, #tpu.memory_space<semaphore_mem>> -> memref<!tpu.dma_semaphore, #tpu.memory_space<semaphore_mem>>
    tpu.enqueue_indirect_dma source(%dma_start3A_493 : memref<100000x2048xf32, #tpu.memory_space<hbm>>) target(%dma_start3A_487 : memref<16x2048xf32, #tpu.memory_space<vmem>>) offsets(%dma_start3A_490 : memref<16xi32, #tpu.memory_space<vmem>>) semaphore(%dma_start3A_495 : memref<!tpu.dma_semaphore, #tpu.memory_space<semaphore_mem>>)
    %dma_wait3A_496 = arith.constant 8 : i32
    %dma_wait3A_497 = arith.constant 2 : i32
    %dma_wait3A_498 = arith.constant 2 : i32
    %dma_wait3A_499 = arith.constant 0 : i32
    %dma_wait3A_500 = arith.constant 0 : i32
    %dma_wait3A_501 = tpu.memref_slice %arg6[%dma_wait3A_497, %dma_wait3A_499, %dma_wait3A_500] : memref<3x16x2048xf32, #tpu.memory_space<vmem>> -> memref<1x16x2048xf32, #tpu.memory_space<vmem>>
    %dma_wait3A_502 = tpu.memref_squeeze %dma_wait3A_501 : memref<1x16x2048xf32, #tpu.memory_space<vmem>> -> memref<16x2048xf32, #tpu.memory_space<vmem>>
    %dma_wait3A_503 = arith.constant 0 : i32
    %dma_wait3A_504 = tpu.memref_slice %arg5[%dma_wait3A_496, %dma_wait3A_503] : memref<16x16xi32, #tpu.memory_space<vmem>> -> memref<1x16xi32, #tpu.memory_space<vmem>>
    %dma_wait3A_505 = tpu.memref_squeeze %dma_wait3A_504 : memref<1x16xi32, #tpu.memory_space<vmem>> -> memref<16xi32, #tpu.memory_space<vmem>>
    %dma_wait3A_506 = arith.constant 0 : i32
    %dma_wait3A_507 = arith.constant 0 : i32
    %dma_wait3A_508 = tpu.memref_slice %arg2[%dma_wait3A_506, %dma_wait3A_507] : memref<100000x2048xf32, #tpu.memory_space<hbm>> -> memref<100000x2048xf32, #tpu.memory_space<hbm>>
    %dma_wait3A_509 = tpu.memref_slice %arg7[%dma_wait3A_498] : memref<3x!tpu.dma_semaphore, #tpu.memory_space<semaphore_mem>> -> memref<1x!tpu.dma_semaphore, #tpu.memory_space<semaphore_mem>>
    %dma_wait3A_510 = tpu.memref_squeeze %dma_wait3A_509 : memref<1x!tpu.dma_semaphore, #tpu.memory_space<semaphore_mem>> -> memref<!tpu.dma_semaphore, #tpu.memory_space<semaphore_mem>>
    tpu.wait_indirect_dma semaphore(%dma_wait3A_510 : memref<!tpu.dma_semaphore, #tpu.memory_space<semaphore_mem>>) src(%dma_wait3A_508 : memref<100000x2048xf32, #tpu.memory_space<hbm>>) dst(%dma_wait3A_502 : memref<16x2048xf32, #tpu.memory_space<vmem>>)
    %add3A_511 = arith.constant 128 : i32
    %add3A_512 = arith.addi %mul3A_2, %add3A_511 : i32
    %dma_start3A_513 = arith.constant 2 : i32
    %dma_start3A_514 = arith.constant 2 : i32
    %dma_start3A_515 = arith.constant 0 : i32
    %dma_start3A_516 = arith.constant 0 : i32
    %dma_start3A_517 = tpu.memref_slice %arg6[%dma_start3A_513, %dma_start3A_515, %dma_start3A_516] : memref<3x16x2048xf32, #tpu.memory_space<vmem>> -> memref<1x16x2048xf32, #tpu.memory_space<vmem>>
    %dma_start3A_518 = tpu.memref_squeeze %dma_start3A_517 : memref<1x16x2048xf32, #tpu.memory_space<vmem>> -> memref<16x2048xf32, #tpu.memory_space<vmem>>
    %dma_start3A_519 = arith.constant 0 : i32
    %dma_start3A_520 = tpu.memref_slice %arg4[%add3A_512, %dma_start3A_519] : memref<8192x2048xf32, #tpu.memory_space<hbm>> -> memref<16x2048xf32, #tpu.memory_space<hbm>>
    %dma_start3A_521 = tpu.memref_slice %arg8[%dma_start3A_514] : memref<3x!tpu.dma_semaphore, #tpu.memory_space<semaphore_mem>> -> memref<1x!tpu.dma_semaphore, #tpu.memory_space<semaphore_mem>>
    %dma_start3A_522 = tpu.memref_squeeze %dma_start3A_521 : memref<1x!tpu.dma_semaphore, #tpu.memory_space<semaphore_mem>> -> memref<!tpu.dma_semaphore, #tpu.memory_space<semaphore_mem>>
    %dma_start3A_523 = arith.constant 0 : i32
    %dma_start3A_524 = tpu.memref_slice %arg4[%add3A_512, %dma_start3A_523] : memref<8192x2048xf32, #tpu.memory_space<hbm>> -> memref<16x2048xf32, #tpu.memory_space<hbm>>
    %dma_start3A_525 = arith.constant 0 : i32
    %dma_start3A_526 = arith.constant 0 : i32
    %dma_start3A_527 = tpu.memref_slice %arg6[%dma_start3A_513, %dma_start3A_525, %dma_start3A_526] : memref<3x16x2048xf32, #tpu.memory_space<vmem>> -> memref<1x16x2048xf32, #tpu.memory_space<vmem>>
    %dma_start3A_528 = tpu.memref_squeeze %dma_start3A_527 : memref<1x16x2048xf32, #tpu.memory_space<vmem>> -> memref<16x2048xf32, #tpu.memory_space<vmem>>
    tpu.enqueue_dma source(%dma_start3A_528 : memref<16x2048xf32, #tpu.memory_space<vmem>>) target(%dma_start3A_524 : memref<16x2048xf32, #tpu.memory_space<hbm>>) target_semaphore(%dma_start3A_522 : memref<!tpu.dma_semaphore, #tpu.memory_space<semaphore_mem>>)
    %dma_wait3A_529 = arith.constant 0 : i32
    %dma_wait3A_530 = arith.constant 0 : i32
    %dma_wait3A_531 = arith.constant 0 : i32
    %dma_wait3A_532 = arith.constant 0 : i32
    %dma_wait3A_533 = tpu.memref_slice %arg6[%dma_wait3A_529, %dma_wait3A_531, %dma_wait3A_532] : memref<3x16x2048xf32, #tpu.memory_space<vmem>> -> memref<1x16x2048xf32, #tpu.memory_space<vmem>>
    %dma_wait3A_534 = tpu.memref_squeeze %dma_wait3A_533 : memref<1x16x2048xf32, #tpu.memory_space<vmem>> -> memref<16x2048xf32, #tpu.memory_space<vmem>>
    %dma_wait3A_535 = arith.constant 0 : i32
    %dma_wait3A_536 = tpu.memref_slice %arg4[%add3A_384, %dma_wait3A_535] : memref<8192x2048xf32, #tpu.memory_space<hbm>> -> memref<16x2048xf32, #tpu.memory_space<hbm>>
    %dma_wait3A_537 = tpu.memref_slice %arg8[%dma_wait3A_530] : memref<3x!tpu.dma_semaphore, #tpu.memory_space<semaphore_mem>> -> memref<1x!tpu.dma_semaphore, #tpu.memory_space<semaphore_mem>>
    %dma_wait3A_538 = tpu.memref_squeeze %dma_wait3A_537 : memref<1x!tpu.dma_semaphore, #tpu.memory_space<semaphore_mem>> -> memref<!tpu.dma_semaphore, #tpu.memory_space<semaphore_mem>>
    %dma_wait3A_539 = arith.constant 0 : i32
    %dma_wait3A_540 = tpu.memref_slice %arg4[%add3A_384, %dma_wait3A_539] : memref<8192x2048xf32, #tpu.memory_space<hbm>> -> memref<16x2048xf32, #tpu.memory_space<hbm>>
    %dma_wait3A_541 = arith.constant 0 : i32
    %dma_wait3A_542 = arith.constant 0 : i32
    %dma_wait3A_543 = tpu.memref_slice %arg6[%dma_wait3A_529, %dma_wait3A_541, %dma_wait3A_542] : memref<3x16x2048xf32, #tpu.memory_space<vmem>> -> memref<1x16x2048xf32, #tpu.memory_space<vmem>>
    %dma_wait3A_544 = tpu.memref_squeeze %dma_wait3A_543 : memref<1x16x2048xf32, #tpu.memory_space<vmem>> -> memref<16x2048xf32, #tpu.memory_space<vmem>>
    tpu.wait_dma2 semaphore(%dma_wait3A_538 : memref<!tpu.dma_semaphore, #tpu.memory_space<semaphore_mem>>) src(%dma_wait3A_544 : memref<16x2048xf32, #tpu.memory_space<vmem>>) dst(%dma_wait3A_540 : memref<16x2048xf32, #tpu.memory_space<hbm>>)
    %dma_start3A_545 = arith.constant 9 : i32
    %dma_start3A_546 = arith.constant 0 : i32
    %dma_start3A_547 = arith.constant 0 : i32
    %dma_start3A_548 = arith.constant 0 : i32
    %dma_start3A_549 = arith.constant 0 : i32
    %dma_start3A_550 = tpu.memref_slice %arg6[%dma_start3A_546, %dma_start3A_548, %dma_start3A_549] : memref<3x16x2048xf32, #tpu.memory_space<vmem>> -> memref<1x16x2048xf32, #tpu.memory_space<vmem>>
    %dma_start3A_551 = tpu.memref_squeeze %dma_start3A_550 : memref<1x16x2048xf32, #tpu.memory_space<vmem>> -> memref<16x2048xf32, #tpu.memory_space<vmem>>
    %dma_start3A_552 = arith.constant 0 : i32
    %dma_start3A_553 = tpu.memref_slice %arg5[%dma_start3A_545, %dma_start3A_552] : memref<16x16xi32, #tpu.memory_space<vmem>> -> memref<1x16xi32, #tpu.memory_space<vmem>>
    %dma_start3A_554 = tpu.memref_squeeze %dma_start3A_553 : memref<1x16xi32, #tpu.memory_space<vmem>> -> memref<16xi32, #tpu.memory_space<vmem>>
    %dma_start3A_555 = arith.constant 0 : i32
    %dma_start3A_556 = arith.constant 0 : i32
    %dma_start3A_557 = tpu.memref_slice %arg2[%dma_start3A_555, %dma_start3A_556] : memref<100000x2048xf32, #tpu.memory_space<hbm>> -> memref<100000x2048xf32, #tpu.memory_space<hbm>>
    %dma_start3A_558 = tpu.memref_slice %arg7[%dma_start3A_547] : memref<3x!tpu.dma_semaphore, #tpu.memory_space<semaphore_mem>> -> memref<1x!tpu.dma_semaphore, #tpu.memory_space<semaphore_mem>>
    %dma_start3A_559 = tpu.memref_squeeze %dma_start3A_558 : memref<1x!tpu.dma_semaphore, #tpu.memory_space<semaphore_mem>> -> memref<!tpu.dma_semaphore, #tpu.memory_space<semaphore_mem>>
    tpu.enqueue_indirect_dma source(%dma_start3A_557 : memref<100000x2048xf32, #tpu.memory_space<hbm>>) target(%dma_start3A_551 : memref<16x2048xf32, #tpu.memory_space<vmem>>) offsets(%dma_start3A_554 : memref<16xi32, #tpu.memory_space<vmem>>) semaphore(%dma_start3A_559 : memref<!tpu.dma_semaphore, #tpu.memory_space<semaphore_mem>>)
    %dma_wait3A_560 = arith.constant 9 : i32
    %dma_wait3A_561 = arith.constant 0 : i32
    %dma_wait3A_562 = arith.constant 0 : i32
    %dma_wait3A_563 = arith.constant 0 : i32
    %dma_wait3A_564 = arith.constant 0 : i32
    %dma_wait3A_565 = tpu.memref_slice %arg6[%dma_wait3A_561, %dma_wait3A_563, %dma_wait3A_564] : memref<3x16x2048xf32, #tpu.memory_space<vmem>> -> memref<1x16x2048xf32, #tpu.memory_space<vmem>>
    %dma_wait3A_566 = tpu.memref_squeeze %dma_wait3A_565 : memref<1x16x2048xf32, #tpu.memory_space<vmem>> -> memref<16x2048xf32, #tpu.memory_space<vmem>>
    %dma_wait3A_567 = arith.constant 0 : i32
    %dma_wait3A_568 = tpu.memref_slice %arg5[%dma_wait3A_560, %dma_wait3A_567] : memref<16x16xi32, #tpu.memory_space<vmem>> -> memref<1x16xi32, #tpu.memory_space<vmem>>
    %dma_wait3A_569 = tpu.memref_squeeze %dma_wait3A_568 : memref<1x16xi32, #tpu.memory_space<vmem>> -> memref<16xi32, #tpu.memory_space<vmem>>
    %dma_wait3A_570 = arith.constant 0 : i32
    %dma_wait3A_571 = arith.constant 0 : i32
    %dma_wait3A_572 = tpu.memref_slice %arg2[%dma_wait3A_570, %dma_wait3A_571] : memref<100000x2048xf32, #tpu.memory_space<hbm>> -> memref<100000x2048xf32, #tpu.memory_space<hbm>>
    %dma_wait3A_573 = tpu.memref_slice %arg7[%dma_wait3A_562] : memref<3x!tpu.dma_semaphore, #tpu.memory_space<semaphore_mem>> -> memref<1x!tpu.dma_semaphore, #tpu.memory_space<semaphore_mem>>
    %dma_wait3A_574 = tpu.memref_squeeze %dma_wait3A_573 : memref<1x!tpu.dma_semaphore, #tpu.memory_space<semaphore_mem>> -> memref<!tpu.dma_semaphore, #tpu.memory_space<semaphore_mem>>
    tpu.wait_indirect_dma semaphore(%dma_wait3A_574 : memref<!tpu.dma_semaphore, #tpu.memory_space<semaphore_mem>>) src(%dma_wait3A_572 : memref<100000x2048xf32, #tpu.memory_space<hbm>>) dst(%dma_wait3A_566 : memref<16x2048xf32, #tpu.memory_space<vmem>>)
    %add3A_575 = arith.constant 144 : i32
    %add3A_576 = arith.addi %mul3A_2, %add3A_575 : i32
    %dma_start3A_577 = arith.constant 0 : i32
    %dma_start3A_578 = arith.constant 0 : i32
    %dma_start3A_579 = arith.constant 0 : i32
    %dma_start3A_580 = arith.constant 0 : i32
    %dma_start3A_581 = tpu.memref_slice %arg6[%dma_start3A_577, %dma_start3A_579, %dma_start3A_580] : memref<3x16x2048xf32, #tpu.memory_space<vmem>> -> memref<1x16x2048xf32, #tpu.memory_space<vmem>>
    %dma_start3A_582 = tpu.memref_squeeze %dma_start3A_581 : memref<1x16x2048xf32, #tpu.memory_space<vmem>> -> memref<16x2048xf32, #tpu.memory_space<vmem>>
    %dma_start3A_583 = arith.constant 0 : i32
    %dma_start3A_584 = tpu.memref_slice %arg4[%add3A_576, %dma_start3A_583] : memref<8192x2048xf32, #tpu.memory_space<hbm>> -> memref<16x2048xf32, #tpu.memory_space<hbm>>
    %dma_start3A_585 = tpu.memref_slice %arg8[%dma_start3A_578] : memref<3x!tpu.dma_semaphore, #tpu.memory_space<semaphore_mem>> -> memref<1x!tpu.dma_semaphore, #tpu.memory_space<semaphore_mem>>
    %dma_start3A_586 = tpu.memref_squeeze %dma_start3A_585 : memref<1x!tpu.dma_semaphore, #tpu.memory_space<semaphore_mem>> -> memref<!tpu.dma_semaphore, #tpu.memory_space<semaphore_mem>>
    %dma_start3A_587 = arith.constant 0 : i32
    %dma_start3A_588 = tpu.memref_slice %arg4[%add3A_576, %dma_start3A_587] : memref<8192x2048xf32, #tpu.memory_space<hbm>> -> memref<16x2048xf32, #tpu.memory_space<hbm>>
    %dma_start3A_589 = arith.constant 0 : i32
    %dma_start3A_590 = arith.constant 0 : i32
    %dma_start3A_591 = tpu.memref_slice %arg6[%dma_start3A_577, %dma_start3A_589, %dma_start3A_590] : memref<3x16x2048xf32, #tpu.memory_space<vmem>> -> memref<1x16x2048xf32, #tpu.memory_space<vmem>>
    %dma_start3A_592 = tpu.memref_squeeze %dma_start3A_591 : memref<1x16x2048xf32, #tpu.memory_space<vmem>> -> memref<16x2048xf32, #tpu.memory_space<vmem>>
    tpu.enqueue_dma source(%dma_start3A_592 : memref<16x2048xf32, #tpu.memory_space<vmem>>) target(%dma_start3A_588 : memref<16x2048xf32, #tpu.memory_space<hbm>>) target_semaphore(%dma_start3A_586 : memref<!tpu.dma_semaphore, #tpu.memory_space<semaphore_mem>>)
    %dma_wait3A_593 = arith.constant 1 : i32
    %dma_wait3A_594 = arith.constant 1 : i32
    %dma_wait3A_595 = arith.constant 0 : i32
    %dma_wait3A_596 = arith.constant 0 : i32
    %dma_wait3A_597 = tpu.memref_slice %arg6[%dma_wait3A_593, %dma_wait3A_595, %dma_wait3A_596] : memref<3x16x2048xf32, #tpu.memory_space<vmem>> -> memref<1x16x2048xf32, #tpu.memory_space<vmem>>
    %dma_wait3A_598 = tpu.memref_squeeze %dma_wait3A_597 : memref<1x16x2048xf32, #tpu.memory_space<vmem>> -> memref<16x2048xf32, #tpu.memory_space<vmem>>
    %dma_wait3A_599 = arith.constant 0 : i32
    %dma_wait3A_600 = tpu.memref_slice %arg4[%add3A_448, %dma_wait3A_599] : memref<8192x2048xf32, #tpu.memory_space<hbm>> -> memref<16x2048xf32, #tpu.memory_space<hbm>>
    %dma_wait3A_601 = tpu.memref_slice %arg8[%dma_wait3A_594] : memref<3x!tpu.dma_semaphore, #tpu.memory_space<semaphore_mem>> -> memref<1x!tpu.dma_semaphore, #tpu.memory_space<semaphore_mem>>
    %dma_wait3A_602 = tpu.memref_squeeze %dma_wait3A_601 : memref<1x!tpu.dma_semaphore, #tpu.memory_space<semaphore_mem>> -> memref<!tpu.dma_semaphore, #tpu.memory_space<semaphore_mem>>
    %dma_wait3A_603 = arith.constant 0 : i32
    %dma_wait3A_604 = tpu.memref_slice %arg4[%add3A_448, %dma_wait3A_603] : memref<8192x2048xf32, #tpu.memory_space<hbm>> -> memref<16x2048xf32, #tpu.memory_space<hbm>>
    %dma_wait3A_605 = arith.constant 0 : i32
    %dma_wait3A_606 = arith.constant 0 : i32
    %dma_wait3A_607 = tpu.memref_slice %arg6[%dma_wait3A_593, %dma_wait3A_605, %dma_wait3A_606] : memref<3x16x2048xf32, #tpu.memory_space<vmem>> -> memref<1x16x2048xf32, #tpu.memory_space<vmem>>
    %dma_wait3A_608 = tpu.memref_squeeze %dma_wait3A_607 : memref<1x16x2048xf32, #tpu.memory_space<vmem>> -> memref<16x2048xf32, #tpu.memory_space<vmem>>
    tpu.wait_dma2 semaphore(%dma_wait3A_602 : memref<!tpu.dma_semaphore, #tpu.memory_space<semaphore_mem>>) src(%dma_wait3A_608 : memref<16x2048xf32, #tpu.memory_space<vmem>>) dst(%dma_wait3A_604 : memref<16x2048xf32, #tpu.memory_space<hbm>>)
    %dma_start3A_609 = arith.constant 10 : i32
    %dma_start3A_610 = arith.constant 1 : i32
    %dma_start3A_611 = arith.constant 1 : i32
    %dma_start3A_612 = arith.constant 0 : i32
    %dma_start3A_613 = arith.constant 0 : i32
    %dma_start3A_614 = tpu.memref_slice %arg6[%dma_start3A_610, %dma_start3A_612, %dma_start3A_613] : memref<3x16x2048xf32, #tpu.memory_space<vmem>> -> memref<1x16x2048xf32, #tpu.memory_space<vmem>>
    %dma_start3A_615 = tpu.memref_squeeze %dma_start3A_614 : memref<1x16x2048xf32, #tpu.memory_space<vmem>> -> memref<16x2048xf32, #tpu.memory_space<vmem>>
    %dma_start3A_616 = arith.constant 0 : i32
    %dma_start3A_617 = tpu.memref_slice %arg5[%dma_start3A_609, %dma_start3A_616] : memref<16x16xi32, #tpu.memory_space<vmem>> -> memref<1x16xi32, #tpu.memory_space<vmem>>
    %dma_start3A_618 = tpu.memref_squeeze %dma_start3A_617 : memref<1x16xi32, #tpu.memory_space<vmem>> -> memref<16xi32, #tpu.memory_space<vmem>>
    %dma_start3A_619 = arith.constant 0 : i32
    %dma_start3A_620 = arith.constant 0 : i32
    %dma_start3A_621 = tpu.memref_slice %arg2[%dma_start3A_619, %dma_start3A_620] : memref<100000x2048xf32, #tpu.memory_space<hbm>> -> memref<100000x2048xf32, #tpu.memory_space<hbm>>
    %dma_start3A_622 = tpu.memref_slice %arg7[%dma_start3A_611] : memref<3x!tpu.dma_semaphore, #tpu.memory_space<semaphore_mem>> -> memref<1x!tpu.dma_semaphore, #tpu.memory_space<semaphore_mem>>
    %dma_start3A_623 = tpu.memref_squeeze %dma_start3A_622 : memref<1x!tpu.dma_semaphore, #tpu.memory_space<semaphore_mem>> -> memref<!tpu.dma_semaphore, #tpu.memory_space<semaphore_mem>>
    tpu.enqueue_indirect_dma source(%dma_start3A_621 : memref<100000x2048xf32, #tpu.memory_space<hbm>>) target(%dma_start3A_615 : memref<16x2048xf32, #tpu.memory_space<vmem>>) offsets(%dma_start3A_618 : memref<16xi32, #tpu.memory_space<vmem>>) semaphore(%dma_start3A_623 : memref<!tpu.dma_semaphore, #tpu.memory_space<semaphore_mem>>)
    %dma_wait3A_624 = arith.constant 10 : i32
    %dma_wait3A_625 = arith.constant 1 : i32
    %dma_wait3A_626 = arith.constant 1 : i32
    %dma_wait3A_627 = arith.constant 0 : i32
    %dma_wait3A_628 = arith.constant 0 : i32
    %dma_wait3A_629 = tpu.memref_slice %arg6[%dma_wait3A_625, %dma_wait3A_627, %dma_wait3A_628] : memref<3x16x2048xf32, #tpu.memory_space<vmem>> -> memref<1x16x2048xf32, #tpu.memory_space<vmem>>
    %dma_wait3A_630 = tpu.memref_squeeze %dma_wait3A_629 : memref<1x16x2048xf32, #tpu.memory_space<vmem>> -> memref<16x2048xf32, #tpu.memory_space<vmem>>
    %dma_wait3A_631 = arith.constant 0 : i32
    %dma_wait3A_632 = tpu.memref_slice %arg5[%dma_wait3A_624, %dma_wait3A_631] : memref<16x16xi32, #tpu.memory_space<vmem>> -> memref<1x16xi32, #tpu.memory_space<vmem>>
    %dma_wait3A_633 = tpu.memref_squeeze %dma_wait3A_632 : memref<1x16xi32, #tpu.memory_space<vmem>> -> memref<16xi32, #tpu.memory_space<vmem>>
    %dma_wait3A_634 = arith.constant 0 : i32
    %dma_wait3A_635 = arith.constant 0 : i32
    %dma_wait3A_636 = tpu.memref_slice %arg2[%dma_wait3A_634, %dma_wait3A_635] : memref<100000x2048xf32, #tpu.memory_space<hbm>> -> memref<100000x2048xf32, #tpu.memory_space<hbm>>
    %dma_wait3A_637 = tpu.memref_slice %arg7[%dma_wait3A_626] : memref<3x!tpu.dma_semaphore, #tpu.memory_space<semaphore_mem>> -> memref<1x!tpu.dma_semaphore, #tpu.memory_space<semaphore_mem>>
    %dma_wait3A_638 = tpu.memref_squeeze %dma_wait3A_637 : memref<1x!tpu.dma_semaphore, #tpu.memory_space<semaphore_mem>> -> memref<!tpu.dma_semaphore, #tpu.memory_space<semaphore_mem>>
    tpu.wait_indirect_dma semaphore(%dma_wait3A_638 : memref<!tpu.dma_semaphore, #tpu.memory_space<semaphore_mem>>) src(%dma_wait3A_636 : memref<100000x2048xf32, #tpu.memory_space<hbm>>) dst(%dma_wait3A_630 : memref<16x2048xf32, #tpu.memory_space<vmem>>)
    %add3A_639 = arith.constant 160 : i32
    %add3A_640 = arith.addi %mul3A_2, %add3A_639 : i32
    %dma_start3A_641 = arith.constant 1 : i32
    %dma_start3A_642 = arith.constant 1 : i32
    %dma_start3A_643 = arith.constant 0 : i32
    %dma_start3A_644 = arith.constant 0 : i32
    %dma_start3A_645 = tpu.memref_slice %arg6[%dma_start3A_641, %dma_start3A_643, %dma_start3A_644] : memref<3x16x2048xf32, #tpu.memory_space<vmem>> -> memref<1x16x2048xf32, #tpu.memory_space<vmem>>
    %dma_start3A_646 = tpu.memref_squeeze %dma_start3A_645 : memref<1x16x2048xf32, #tpu.memory_space<vmem>> -> memref<16x2048xf32, #tpu.memory_space<vmem>>
    %dma_start3A_647 = arith.constant 0 : i32
    %dma_start3A_648 = tpu.memref_slice %arg4[%add3A_640, %dma_start3A_647] : memref<8192x2048xf32, #tpu.memory_space<hbm>> -> memref<16x2048xf32, #tpu.memory_space<hbm>>
    %dma_start3A_649 = tpu.memref_slice %arg8[%dma_start3A_642] : memref<3x!tpu.dma_semaphore, #tpu.memory_space<semaphore_mem>> -> memref<1x!tpu.dma_semaphore, #tpu.memory_space<semaphore_mem>>
    %dma_start3A_650 = tpu.memref_squeeze %dma_start3A_649 : memref<1x!tpu.dma_semaphore, #tpu.memory_space<semaphore_mem>> -> memref<!tpu.dma_semaphore, #tpu.memory_space<semaphore_mem>>
    %dma_start3A_651 = arith.constant 0 : i32
    %dma_start3A_652 = tpu.memref_slice %arg4[%add3A_640, %dma_start3A_651] : memref<8192x2048xf32, #tpu.memory_space<hbm>> -> memref<16x2048xf32, #tpu.memory_space<hbm>>
    %dma_start3A_653 = arith.constant 0 : i32
    %dma_start3A_654 = arith.constant 0 : i32
    %dma_start3A_655 = tpu.memref_slice %arg6[%dma_start3A_641, %dma_start3A_653, %dma_start3A_654] : memref<3x16x2048xf32, #tpu.memory_space<vmem>> -> memref<1x16x2048xf32, #tpu.memory_space<vmem>>
    %dma_start3A_656 = tpu.memref_squeeze %dma_start3A_655 : memref<1x16x2048xf32, #tpu.memory_space<vmem>> -> memref<16x2048xf32, #tpu.memory_space<vmem>>
    tpu.enqueue_dma source(%dma_start3A_656 : memref<16x2048xf32, #tpu.memory_space<vmem>>) target(%dma_start3A_652 : memref<16x2048xf32, #tpu.memory_space<hbm>>) target_semaphore(%dma_start3A_650 : memref<!tpu.dma_semaphore, #tpu.memory_space<semaphore_mem>>)
    %dma_wait3A_657 = arith.constant 2 : i32
    %dma_wait3A_658 = arith.constant 2 : i32
    %dma_wait3A_659 = arith.constant 0 : i32
    %dma_wait3A_660 = arith.constant 0 : i32
    %dma_wait3A_661 = tpu.memref_slice %arg6[%dma_wait3A_657, %dma_wait3A_659, %dma_wait3A_660] : memref<3x16x2048xf32, #tpu.memory_space<vmem>> -> memref<1x16x2048xf32, #tpu.memory_space<vmem>>
    %dma_wait3A_662 = tpu.memref_squeeze %dma_wait3A_661 : memref<1x16x2048xf32, #tpu.memory_space<vmem>> -> memref<16x2048xf32, #tpu.memory_space<vmem>>
    %dma_wait3A_663 = arith.constant 0 : i32
    %dma_wait3A_664 = tpu.memref_slice %arg4[%add3A_512, %dma_wait3A_663] : memref<8192x2048xf32, #tpu.memory_space<hbm>> -> memref<16x2048xf32, #tpu.memory_space<hbm>>
    %dma_wait3A_665 = tpu.memref_slice %arg8[%dma_wait3A_658] : memref<3x!tpu.dma_semaphore, #tpu.memory_space<semaphore_mem>> -> memref<1x!tpu.dma_semaphore, #tpu.memory_space<semaphore_mem>>
    %dma_wait3A_666 = tpu.memref_squeeze %dma_wait3A_665 : memref<1x!tpu.dma_semaphore, #tpu.memory_space<semaphore_mem>> -> memref<!tpu.dma_semaphore, #tpu.memory_space<semaphore_mem>>
    %dma_wait3A_667 = arith.constant 0 : i32
    %dma_wait3A_668 = tpu.memref_slice %arg4[%add3A_512, %dma_wait3A_667] : memref<8192x2048xf32, #tpu.memory_space<hbm>> -> memref<16x2048xf32, #tpu.memory_space<hbm>>
    %dma_wait3A_669 = arith.constant 0 : i32
    %dma_wait3A_670 = arith.constant 0 : i32
    %dma_wait3A_671 = tpu.memref_slice %arg6[%dma_wait3A_657, %dma_wait3A_669, %dma_wait3A_670] : memref<3x16x2048xf32, #tpu.memory_space<vmem>> -> memref<1x16x2048xf32, #tpu.memory_space<vmem>>
    %dma_wait3A_672 = tpu.memref_squeeze %dma_wait3A_671 : memref<1x16x2048xf32, #tpu.memory_space<vmem>> -> memref<16x2048xf32, #tpu.memory_space<vmem>>
    tpu.wait_dma2 semaphore(%dma_wait3A_666 : memref<!tpu.dma_semaphore, #tpu.memory_space<semaphore_mem>>) src(%dma_wait3A_672 : memref<16x2048xf32, #tpu.memory_space<vmem>>) dst(%dma_wait3A_668 : memref<16x2048xf32, #tpu.memory_space<hbm>>)
    %dma_start3A_673 = arith.constant 11 : i32
    %dma_start3A_674 = arith.constant 2 : i32
    %dma_start3A_675 = arith.constant 2 : i32
    %dma_start3A_676 = arith.constant 0 : i32
    %dma_start3A_677 = arith.constant 0 : i32
    %dma_start3A_678 = tpu.memref_slice %arg6[%dma_start3A_674, %dma_start3A_676, %dma_start3A_677] : memref<3x16x2048xf32, #tpu.memory_space<vmem>> -> memref<1x16x2048xf32, #tpu.memory_space<vmem>>
    %dma_start3A_679 = tpu.memref_squeeze %dma_start3A_678 : memref<1x16x2048xf32, #tpu.memory_space<vmem>> -> memref<16x2048xf32, #tpu.memory_space<vmem>>
    %dma_start3A_680 = arith.constant 0 : i32
    %dma_start3A_681 = tpu.memref_slice %arg5[%dma_start3A_673, %dma_start3A_680] : memref<16x16xi32, #tpu.memory_space<vmem>> -> memref<1x16xi32, #tpu.memory_space<vmem>>
    %dma_start3A_682 = tpu.memref_squeeze %dma_start3A_681 : memref<1x16xi32, #tpu.memory_space<vmem>> -> memref<16xi32, #tpu.memory_space<vmem>>
    %dma_start3A_683 = arith.constant 0 : i32
    %dma_start3A_684 = arith.constant 0 : i32
    %dma_start3A_685 = tpu.memref_slice %arg2[%dma_start3A_683, %dma_start3A_684] : memref<100000x2048xf32, #tpu.memory_space<hbm>> -> memref<100000x2048xf32, #tpu.memory_space<hbm>>
    %dma_start3A_686 = tpu.memref_slice %arg7[%dma_start3A_675] : memref<3x!tpu.dma_semaphore, #tpu.memory_space<semaphore_mem>> -> memref<1x!tpu.dma_semaphore, #tpu.memory_space<semaphore_mem>>
    %dma_start3A_687 = tpu.memref_squeeze %dma_start3A_686 : memref<1x!tpu.dma_semaphore, #tpu.memory_space<semaphore_mem>> -> memref<!tpu.dma_semaphore, #tpu.memory_space<semaphore_mem>>
    tpu.enqueue_indirect_dma source(%dma_start3A_685 : memref<100000x2048xf32, #tpu.memory_space<hbm>>) target(%dma_start3A_679 : memref<16x2048xf32, #tpu.memory_space<vmem>>) offsets(%dma_start3A_682 : memref<16xi32, #tpu.memory_space<vmem>>) semaphore(%dma_start3A_687 : memref<!tpu.dma_semaphore, #tpu.memory_space<semaphore_mem>>)
    %dma_wait3A_688 = arith.constant 11 : i32
    %dma_wait3A_689 = arith.constant 2 : i32
    %dma_wait3A_690 = arith.constant 2 : i32
    %dma_wait3A_691 = arith.constant 0 : i32
    %dma_wait3A_692 = arith.constant 0 : i32
    %dma_wait3A_693 = tpu.memref_slice %arg6[%dma_wait3A_689, %dma_wait3A_691, %dma_wait3A_692] : memref<3x16x2048xf32, #tpu.memory_space<vmem>> -> memref<1x16x2048xf32, #tpu.memory_space<vmem>>
    %dma_wait3A_694 = tpu.memref_squeeze %dma_wait3A_693 : memref<1x16x2048xf32, #tpu.memory_space<vmem>> -> memref<16x2048xf32, #tpu.memory_space<vmem>>
    %dma_wait3A_695 = arith.constant 0 : i32
    %dma_wait3A_696 = tpu.memref_slice %arg5[%dma_wait3A_688, %dma_wait3A_695] : memref<16x16xi32, #tpu.memory_space<vmem>> -> memref<1x16xi32, #tpu.memory_space<vmem>>
    %dma_wait3A_697 = tpu.memref_squeeze %dma_wait3A_696 : memref<1x16xi32, #tpu.memory_space<vmem>> -> memref<16xi32, #tpu.memory_space<vmem>>
    %dma_wait3A_698 = arith.constant 0 : i32
    %dma_wait3A_699 = arith.constant 0 : i32
    %dma_wait3A_700 = tpu.memref_slice %arg2[%dma_wait3A_698, %dma_wait3A_699] : memref<100000x2048xf32, #tpu.memory_space<hbm>> -> memref<100000x2048xf32, #tpu.memory_space<hbm>>
    %dma_wait3A_701 = tpu.memref_slice %arg7[%dma_wait3A_690] : memref<3x!tpu.dma_semaphore, #tpu.memory_space<semaphore_mem>> -> memref<1x!tpu.dma_semaphore, #tpu.memory_space<semaphore_mem>>
    %dma_wait3A_702 = tpu.memref_squeeze %dma_wait3A_701 : memref<1x!tpu.dma_semaphore, #tpu.memory_space<semaphore_mem>> -> memref<!tpu.dma_semaphore, #tpu.memory_space<semaphore_mem>>
    tpu.wait_indirect_dma semaphore(%dma_wait3A_702 : memref<!tpu.dma_semaphore, #tpu.memory_space<semaphore_mem>>) src(%dma_wait3A_700 : memref<100000x2048xf32, #tpu.memory_space<hbm>>) dst(%dma_wait3A_694 : memref<16x2048xf32, #tpu.memory_space<vmem>>)
    %add3A_703 = arith.constant 176 : i32
    %add3A_704 = arith.addi %mul3A_2, %add3A_703 : i32
    %dma_start3A_705 = arith.constant 2 : i32
    %dma_start3A_706 = arith.constant 2 : i32
    %dma_start3A_707 = arith.constant 0 : i32
    %dma_start3A_708 = arith.constant 0 : i32
    %dma_start3A_709 = tpu.memref_slice %arg6[%dma_start3A_705, %dma_start3A_707, %dma_start3A_708] : memref<3x16x2048xf32, #tpu.memory_space<vmem>> -> memref<1x16x2048xf32, #tpu.memory_space<vmem>>
    %dma_start3A_710 = tpu.memref_squeeze %dma_start3A_709 : memref<1x16x2048xf32, #tpu.memory_space<vmem>> -> memref<16x2048xf32, #tpu.memory_space<vmem>>
    %dma_start3A_711 = arith.constant 0 : i32
    %dma_start3A_712 = tpu.memref_slice %arg4[%add3A_704, %dma_start3A_711] : memref<8192x2048xf32, #tpu.memory_space<hbm>> -> memref<16x2048xf32, #tpu.memory_space<hbm>>
    %dma_start3A_713 = tpu.memref_slice %arg8[%dma_start3A_706] : memref<3x!tpu.dma_semaphore, #tpu.memory_space<semaphore_mem>> -> memref<1x!tpu.dma_semaphore, #tpu.memory_space<semaphore_mem>>
    %dma_start3A_714 = tpu.memref_squeeze %dma_start3A_713 : memref<1x!tpu.dma_semaphore, #tpu.memory_space<semaphore_mem>> -> memref<!tpu.dma_semaphore, #tpu.memory_space<semaphore_mem>>
    %dma_start3A_715 = arith.constant 0 : i32
    %dma_start3A_716 = tpu.memref_slice %arg4[%add3A_704, %dma_start3A_715] : memref<8192x2048xf32, #tpu.memory_space<hbm>> -> memref<16x2048xf32, #tpu.memory_space<hbm>>
    %dma_start3A_717 = arith.constant 0 : i32
    %dma_start3A_718 = arith.constant 0 : i32
    %dma_start3A_719 = tpu.memref_slice %arg6[%dma_start3A_705, %dma_start3A_717, %dma_start3A_718] : memref<3x16x2048xf32, #tpu.memory_space<vmem>> -> memref<1x16x2048xf32, #tpu.memory_space<vmem>>
    %dma_start3A_720 = tpu.memref_squeeze %dma_start3A_719 : memref<1x16x2048xf32, #tpu.memory_space<vmem>> -> memref<16x2048xf32, #tpu.memory_space<vmem>>
    tpu.enqueue_dma source(%dma_start3A_720 : memref<16x2048xf32, #tpu.memory_space<vmem>>) target(%dma_start3A_716 : memref<16x2048xf32, #tpu.memory_space<hbm>>) target_semaphore(%dma_start3A_714 : memref<!tpu.dma_semaphore, #tpu.memory_space<semaphore_mem>>)
    %dma_wait3A_721 = arith.constant 0 : i32
    %dma_wait3A_722 = arith.constant 0 : i32
    %dma_wait3A_723 = arith.constant 0 : i32
    %dma_wait3A_724 = arith.constant 0 : i32
    %dma_wait3A_725 = tpu.memref_slice %arg6[%dma_wait3A_721, %dma_wait3A_723, %dma_wait3A_724] : memref<3x16x2048xf32, #tpu.memory_space<vmem>> -> memref<1x16x2048xf32, #tpu.memory_space<vmem>>
    %dma_wait3A_726 = tpu.memref_squeeze %dma_wait3A_725 : memref<1x16x2048xf32, #tpu.memory_space<vmem>> -> memref<16x2048xf32, #tpu.memory_space<vmem>>
    %dma_wait3A_727 = arith.constant 0 : i32
    %dma_wait3A_728 = tpu.memref_slice %arg4[%add3A_576, %dma_wait3A_727] : memref<8192x2048xf32, #tpu.memory_space<hbm>> -> memref<16x2048xf32, #tpu.memory_space<hbm>>
    %dma_wait3A_729 = tpu.memref_slice %arg8[%dma_wait3A_722] : memref<3x!tpu.dma_semaphore, #tpu.memory_space<semaphore_mem>> -> memref<1x!tpu.dma_semaphore, #tpu.memory_space<semaphore_mem>>
    %dma_wait3A_730 = tpu.memref_squeeze %dma_wait3A_729 : memref<1x!tpu.dma_semaphore, #tpu.memory_space<semaphore_mem>> -> memref<!tpu.dma_semaphore, #tpu.memory_space<semaphore_mem>>
    %dma_wait3A_731 = arith.constant 0 : i32
    %dma_wait3A_732 = tpu.memref_slice %arg4[%add3A_576, %dma_wait3A_731] : memref<8192x2048xf32, #tpu.memory_space<hbm>> -> memref<16x2048xf32, #tpu.memory_space<hbm>>
    %dma_wait3A_733 = arith.constant 0 : i32
    %dma_wait3A_734 = arith.constant 0 : i32
    %dma_wait3A_735 = tpu.memref_slice %arg6[%dma_wait3A_721, %dma_wait3A_733, %dma_wait3A_734] : memref<3x16x2048xf32, #tpu.memory_space<vmem>> -> memref<1x16x2048xf32, #tpu.memory_space<vmem>>
    %dma_wait3A_736 = tpu.memref_squeeze %dma_wait3A_735 : memref<1x16x2048xf32, #tpu.memory_space<vmem>> -> memref<16x2048xf32, #tpu.memory_space<vmem>>
    tpu.wait_dma2 semaphore(%dma_wait3A_730 : memref<!tpu.dma_semaphore, #tpu.memory_space<semaphore_mem>>) src(%dma_wait3A_736 : memref<16x2048xf32, #tpu.memory_space<vmem>>) dst(%dma_wait3A_732 : memref<16x2048xf32, #tpu.memory_space<hbm>>)
    %dma_start3A_737 = arith.constant 12 : i32
    %dma_start3A_738 = arith.constant 0 : i32
    %dma_start3A_739 = arith.constant 0 : i32
    %dma_start3A_740 = arith.constant 0 : i32
    %dma_start3A_741 = arith.constant 0 : i32
    %dma_start3A_742 = tpu.memref_slice %arg6[%dma_start3A_738, %dma_start3A_740, %dma_start3A_741] : memref<3x16x2048xf32, #tpu.memory_space<vmem>> -> memref<1x16x2048xf32, #tpu.memory_space<vmem>>
    %dma_start3A_743 = tpu.memref_squeeze %dma_start3A_742 : memref<1x16x2048xf32, #tpu.memory_space<vmem>> -> memref<16x2048xf32, #tpu.memory_space<vmem>>
    %dma_start3A_744 = arith.constant 0 : i32
    %dma_start3A_745 = tpu.memref_slice %arg5[%dma_start3A_737, %dma_start3A_744] : memref<16x16xi32, #tpu.memory_space<vmem>> -> memref<1x16xi32, #tpu.memory_space<vmem>>
    %dma_start3A_746 = tpu.memref_squeeze %dma_start3A_745 : memref<1x16xi32, #tpu.memory_space<vmem>> -> memref<16xi32, #tpu.memory_space<vmem>>
    %dma_start3A_747 = arith.constant 0 : i32
    %dma_start3A_748 = arith.constant 0 : i32
    %dma_start3A_749 = tpu.memref_slice %arg2[%dma_start3A_747, %dma_start3A_748] : memref<100000x2048xf32, #tpu.memory_space<hbm>> -> memref<100000x2048xf32, #tpu.memory_space<hbm>>
    %dma_start3A_750 = tpu.memref_slice %arg7[%dma_start3A_739] : memref<3x!tpu.dma_semaphore, #tpu.memory_space<semaphore_mem>> -> memref<1x!tpu.dma_semaphore, #tpu.memory_space<semaphore_mem>>
    %dma_start3A_751 = tpu.memref_squeeze %dma_start3A_750 : memref<1x!tpu.dma_semaphore, #tpu.memory_space<semaphore_mem>> -> memref<!tpu.dma_semaphore, #tpu.memory_space<semaphore_mem>>
    tpu.enqueue_indirect_dma source(%dma_start3A_749 : memref<100000x2048xf32, #tpu.memory_space<hbm>>) target(%dma_start3A_743 : memref<16x2048xf32, #tpu.memory_space<vmem>>) offsets(%dma_start3A_746 : memref<16xi32, #tpu.memory_space<vmem>>) semaphore(%dma_start3A_751 : memref<!tpu.dma_semaphore, #tpu.memory_space<semaphore_mem>>)
    %dma_wait3A_752 = arith.constant 12 : i32
    %dma_wait3A_753 = arith.constant 0 : i32
    %dma_wait3A_754 = arith.constant 0 : i32
    %dma_wait3A_755 = arith.constant 0 : i32
    %dma_wait3A_756 = arith.constant 0 : i32
    %dma_wait3A_757 = tpu.memref_slice %arg6[%dma_wait3A_753, %dma_wait3A_755, %dma_wait3A_756] : memref<3x16x2048xf32, #tpu.memory_space<vmem>> -> memref<1x16x2048xf32, #tpu.memory_space<vmem>>
    %dma_wait3A_758 = tpu.memref_squeeze %dma_wait3A_757 : memref<1x16x2048xf32, #tpu.memory_space<vmem>> -> memref<16x2048xf32, #tpu.memory_space<vmem>>
    %dma_wait3A_759 = arith.constant 0 : i32
    %dma_wait3A_760 = tpu.memref_slice %arg5[%dma_wait3A_752, %dma_wait3A_759] : memref<16x16xi32, #tpu.memory_space<vmem>> -> memref<1x16xi32, #tpu.memory_space<vmem>>
    %dma_wait3A_761 = tpu.memref_squeeze %dma_wait3A_760 : memref<1x16xi32, #tpu.memory_space<vmem>> -> memref<16xi32, #tpu.memory_space<vmem>>
    %dma_wait3A_762 = arith.constant 0 : i32
    %dma_wait3A_763 = arith.constant 0 : i32
    %dma_wait3A_764 = tpu.memref_slice %arg2[%dma_wait3A_762, %dma_wait3A_763] : memref<100000x2048xf32, #tpu.memory_space<hbm>> -> memref<100000x2048xf32, #tpu.memory_space<hbm>>
    %dma_wait3A_765 = tpu.memref_slice %arg7[%dma_wait3A_754] : memref<3x!tpu.dma_semaphore, #tpu.memory_space<semaphore_mem>> -> memref<1x!tpu.dma_semaphore, #tpu.memory_space<semaphore_mem>>
    %dma_wait3A_766 = tpu.memref_squeeze %dma_wait3A_765 : memref<1x!tpu.dma_semaphore, #tpu.memory_space<semaphore_mem>> -> memref<!tpu.dma_semaphore, #tpu.memory_space<semaphore_mem>>
    tpu.wait_indirect_dma semaphore(%dma_wait3A_766 : memref<!tpu.dma_semaphore, #tpu.memory_space<semaphore_mem>>) src(%dma_wait3A_764 : memref<100000x2048xf32, #tpu.memory_space<hbm>>) dst(%dma_wait3A_758 : memref<16x2048xf32, #tpu.memory_space<vmem>>)
    %add3A_767 = arith.constant 192 : i32
    %add3A_768 = arith.addi %mul3A_2, %add3A_767 : i32
    %dma_start3A_769 = arith.constant 0 : i32
    %dma_start3A_770 = arith.constant 0 : i32
    %dma_start3A_771 = arith.constant 0 : i32
    %dma_start3A_772 = arith.constant 0 : i32
    %dma_start3A_773 = tpu.memref_slice %arg6[%dma_start3A_769, %dma_start3A_771, %dma_start3A_772] : memref<3x16x2048xf32, #tpu.memory_space<vmem>> -> memref<1x16x2048xf32, #tpu.memory_space<vmem>>
    %dma_start3A_774 = tpu.memref_squeeze %dma_start3A_773 : memref<1x16x2048xf32, #tpu.memory_space<vmem>> -> memref<16x2048xf32, #tpu.memory_space<vmem>>
    %dma_start3A_775 = arith.constant 0 : i32
    %dma_start3A_776 = tpu.memref_slice %arg4[%add3A_768, %dma_start3A_775] : memref<8192x2048xf32, #tpu.memory_space<hbm>> -> memref<16x2048xf32, #tpu.memory_space<hbm>>
    %dma_start3A_777 = tpu.memref_slice %arg8[%dma_start3A_770] : memref<3x!tpu.dma_semaphore, #tpu.memory_space<semaphore_mem>> -> memref<1x!tpu.dma_semaphore, #tpu.memory_space<semaphore_mem>>
    %dma_start3A_778 = tpu.memref_squeeze %dma_start3A_777 : memref<1x!tpu.dma_semaphore, #tpu.memory_space<semaphore_mem>> -> memref<!tpu.dma_semaphore, #tpu.memory_space<semaphore_mem>>
    %dma_start3A_779 = arith.constant 0 : i32
    %dma_start3A_780 = tpu.memref_slice %arg4[%add3A_768, %dma_start3A_779] : memref<8192x2048xf32, #tpu.memory_space<hbm>> -> memref<16x2048xf32, #tpu.memory_space<hbm>>
    %dma_start3A_781 = arith.constant 0 : i32
    %dma_start3A_782 = arith.constant 0 : i32
    %dma_start3A_783 = tpu.memref_slice %arg6[%dma_start3A_769, %dma_start3A_781, %dma_start3A_782] : memref<3x16x2048xf32, #tpu.memory_space<vmem>> -> memref<1x16x2048xf32, #tpu.memory_space<vmem>>
    %dma_start3A_784 = tpu.memref_squeeze %dma_start3A_783 : memref<1x16x2048xf32, #tpu.memory_space<vmem>> -> memref<16x2048xf32, #tpu.memory_space<vmem>>
    tpu.enqueue_dma source(%dma_start3A_784 : memref<16x2048xf32, #tpu.memory_space<vmem>>) target(%dma_start3A_780 : memref<16x2048xf32, #tpu.memory_space<hbm>>) target_semaphore(%dma_start3A_778 : memref<!tpu.dma_semaphore, #tpu.memory_space<semaphore_mem>>)
    %dma_wait3A_785 = arith.constant 1 : i32
    %dma_wait3A_786 = arith.constant 1 : i32
    %dma_wait3A_787 = arith.constant 0 : i32
    %dma_wait3A_788 = arith.constant 0 : i32
    %dma_wait3A_789 = tpu.memref_slice %arg6[%dma_wait3A_785, %dma_wait3A_787, %dma_wait3A_788] : memref<3x16x2048xf32, #tpu.memory_space<vmem>> -> memref<1x16x2048xf32, #tpu.memory_space<vmem>>
    %dma_wait3A_790 = tpu.memref_squeeze %dma_wait3A_789 : memref<1x16x2048xf32, #tpu.memory_space<vmem>> -> memref<16x2048xf32, #tpu.memory_space<vmem>>
    %dma_wait3A_791 = arith.constant 0 : i32
    %dma_wait3A_792 = tpu.memref_slice %arg4[%add3A_640, %dma_wait3A_791] : memref<8192x2048xf32, #tpu.memory_space<hbm>> -> memref<16x2048xf32, #tpu.memory_space<hbm>>
    %dma_wait3A_793 = tpu.memref_slice %arg8[%dma_wait3A_786] : memref<3x!tpu.dma_semaphore, #tpu.memory_space<semaphore_mem>> -> memref<1x!tpu.dma_semaphore, #tpu.memory_space<semaphore_mem>>
    %dma_wait3A_794 = tpu.memref_squeeze %dma_wait3A_793 : memref<1x!tpu.dma_semaphore, #tpu.memory_space<semaphore_mem>> -> memref<!tpu.dma_semaphore, #tpu.memory_space<semaphore_mem>>
    %dma_wait3A_795 = arith.constant 0 : i32
    %dma_wait3A_796 = tpu.memref_slice %arg4[%add3A_640, %dma_wait3A_795] : memref<8192x2048xf32, #tpu.memory_space<hbm>> -> memref<16x2048xf32, #tpu.memory_space<hbm>>
    %dma_wait3A_797 = arith.constant 0 : i32
    %dma_wait3A_798 = arith.constant 0 : i32
    %dma_wait3A_799 = tpu.memref_slice %arg6[%dma_wait3A_785, %dma_wait3A_797, %dma_wait3A_798] : memref<3x16x2048xf32, #tpu.memory_space<vmem>> -> memref<1x16x2048xf32, #tpu.memory_space<vmem>>
    %dma_wait3A_800 = tpu.memref_squeeze %dma_wait3A_799 : memref<1x16x2048xf32, #tpu.memory_space<vmem>> -> memref<16x2048xf32, #tpu.memory_space<vmem>>
    tpu.wait_dma2 semaphore(%dma_wait3A_794 : memref<!tpu.dma_semaphore, #tpu.memory_space<semaphore_mem>>) src(%dma_wait3A_800 : memref<16x2048xf32, #tpu.memory_space<vmem>>) dst(%dma_wait3A_796 : memref<16x2048xf32, #tpu.memory_space<hbm>>)
    %dma_start3A_801 = arith.constant 13 : i32
    %dma_start3A_802 = arith.constant 1 : i32
    %dma_start3A_803 = arith.constant 1 : i32
    %dma_start3A_804 = arith.constant 0 : i32
    %dma_start3A_805 = arith.constant 0 : i32
    %dma_start3A_806 = tpu.memref_slice %arg6[%dma_start3A_802, %dma_start3A_804, %dma_start3A_805] : memref<3x16x2048xf32, #tpu.memory_space<vmem>> -> memref<1x16x2048xf32, #tpu.memory_space<vmem>>
    %dma_start3A_807 = tpu.memref_squeeze %dma_start3A_806 : memref<1x16x2048xf32, #tpu.memory_space<vmem>> -> memref<16x2048xf32, #tpu.memory_space<vmem>>
    %dma_start3A_808 = arith.constant 0 : i32
    %dma_start3A_809 = tpu.memref_slice %arg5[%dma_start3A_801, %dma_start3A_808] : memref<16x16xi32, #tpu.memory_space<vmem>> -> memref<1x16xi32, #tpu.memory_space<vmem>>
    %dma_start3A_810 = tpu.memref_squeeze %dma_start3A_809 : memref<1x16xi32, #tpu.memory_space<vmem>> -> memref<16xi32, #tpu.memory_space<vmem>>
    %dma_start3A_811 = arith.constant 0 : i32
    %dma_start3A_812 = arith.constant 0 : i32
    %dma_start3A_813 = tpu.memref_slice %arg2[%dma_start3A_811, %dma_start3A_812] : memref<100000x2048xf32, #tpu.memory_space<hbm>> -> memref<100000x2048xf32, #tpu.memory_space<hbm>>
    %dma_start3A_814 = tpu.memref_slice %arg7[%dma_start3A_803] : memref<3x!tpu.dma_semaphore, #tpu.memory_space<semaphore_mem>> -> memref<1x!tpu.dma_semaphore, #tpu.memory_space<semaphore_mem>>
    %dma_start3A_815 = tpu.memref_squeeze %dma_start3A_814 : memref<1x!tpu.dma_semaphore, #tpu.memory_space<semaphore_mem>> -> memref<!tpu.dma_semaphore, #tpu.memory_space<semaphore_mem>>
    tpu.enqueue_indirect_dma source(%dma_start3A_813 : memref<100000x2048xf32, #tpu.memory_space<hbm>>) target(%dma_start3A_807 : memref<16x2048xf32, #tpu.memory_space<vmem>>) offsets(%dma_start3A_810 : memref<16xi32, #tpu.memory_space<vmem>>) semaphore(%dma_start3A_815 : memref<!tpu.dma_semaphore, #tpu.memory_space<semaphore_mem>>)
    %dma_wait3A_816 = arith.constant 13 : i32
    %dma_wait3A_817 = arith.constant 1 : i32
    %dma_wait3A_818 = arith.constant 1 : i32
    %dma_wait3A_819 = arith.constant 0 : i32
    %dma_wait3A_820 = arith.constant 0 : i32
    %dma_wait3A_821 = tpu.memref_slice %arg6[%dma_wait3A_817, %dma_wait3A_819, %dma_wait3A_820] : memref<3x16x2048xf32, #tpu.memory_space<vmem>> -> memref<1x16x2048xf32, #tpu.memory_space<vmem>>
    %dma_wait3A_822 = tpu.memref_squeeze %dma_wait3A_821 : memref<1x16x2048xf32, #tpu.memory_space<vmem>> -> memref<16x2048xf32, #tpu.memory_space<vmem>>
    %dma_wait3A_823 = arith.constant 0 : i32
    %dma_wait3A_824 = tpu.memref_slice %arg5[%dma_wait3A_816, %dma_wait3A_823] : memref<16x16xi32, #tpu.memory_space<vmem>> -> memref<1x16xi32, #tpu.memory_space<vmem>>
    %dma_wait3A_825 = tpu.memref_squeeze %dma_wait3A_824 : memref<1x16xi32, #tpu.memory_space<vmem>> -> memref<16xi32, #tpu.memory_space<vmem>>
    %dma_wait3A_826 = arith.constant 0 : i32
    %dma_wait3A_827 = arith.constant 0 : i32
    %dma_wait3A_828 = tpu.memref_slice %arg2[%dma_wait3A_826, %dma_wait3A_827] : memref<100000x2048xf32, #tpu.memory_space<hbm>> -> memref<100000x2048xf32, #tpu.memory_space<hbm>>
    %dma_wait3A_829 = tpu.memref_slice %arg7[%dma_wait3A_818] : memref<3x!tpu.dma_semaphore, #tpu.memory_space<semaphore_mem>> -> memref<1x!tpu.dma_semaphore, #tpu.memory_space<semaphore_mem>>
    %dma_wait3A_830 = tpu.memref_squeeze %dma_wait3A_829 : memref<1x!tpu.dma_semaphore, #tpu.memory_space<semaphore_mem>> -> memref<!tpu.dma_semaphore, #tpu.memory_space<semaphore_mem>>
    tpu.wait_indirect_dma semaphore(%dma_wait3A_830 : memref<!tpu.dma_semaphore, #tpu.memory_space<semaphore_mem>>) src(%dma_wait3A_828 : memref<100000x2048xf32, #tpu.memory_space<hbm>>) dst(%dma_wait3A_822 : memref<16x2048xf32, #tpu.memory_space<vmem>>)
    %add3A_831 = arith.constant 208 : i32
    %add3A_832 = arith.addi %mul3A_2, %add3A_831 : i32
    %dma_start3A_833 = arith.constant 1 : i32
    %dma_start3A_834 = arith.constant 1 : i32
    %dma_start3A_835 = arith.constant 0 : i32
    %dma_start3A_836 = arith.constant 0 : i32
    %dma_start3A_837 = tpu.memref_slice %arg6[%dma_start3A_833, %dma_start3A_835, %dma_start3A_836] : memref<3x16x2048xf32, #tpu.memory_space<vmem>> -> memref<1x16x2048xf32, #tpu.memory_space<vmem>>
    %dma_start3A_838 = tpu.memref_squeeze %dma_start3A_837 : memref<1x16x2048xf32, #tpu.memory_space<vmem>> -> memref<16x2048xf32, #tpu.memory_space<vmem>>
    %dma_start3A_839 = arith.constant 0 : i32
    %dma_start3A_840 = tpu.memref_slice %arg4[%add3A_832, %dma_start3A_839] : memref<8192x2048xf32, #tpu.memory_space<hbm>> -> memref<16x2048xf32, #tpu.memory_space<hbm>>
    %dma_start3A_841 = tpu.memref_slice %arg8[%dma_start3A_834] : memref<3x!tpu.dma_semaphore, #tpu.memory_space<semaphore_mem>> -> memref<1x!tpu.dma_semaphore, #tpu.memory_space<semaphore_mem>>
    %dma_start3A_842 = tpu.memref_squeeze %dma_start3A_841 : memref<1x!tpu.dma_semaphore, #tpu.memory_space<semaphore_mem>> -> memref<!tpu.dma_semaphore, #tpu.memory_space<semaphore_mem>>
    %dma_start3A_843 = arith.constant 0 : i32
    %dma_start3A_844 = tpu.memref_slice %arg4[%add3A_832, %dma_start3A_843] : memref<8192x2048xf32, #tpu.memory_space<hbm>> -> memref<16x2048xf32, #tpu.memory_space<hbm>>
    %dma_start3A_845 = arith.constant 0 : i32
    %dma_start3A_846 = arith.constant 0 : i32
    %dma_start3A_847 = tpu.memref_slice %arg6[%dma_start3A_833, %dma_start3A_845, %dma_start3A_846] : memref<3x16x2048xf32, #tpu.memory_space<vmem>> -> memref<1x16x2048xf32, #tpu.memory_space<vmem>>
    %dma_start3A_848 = tpu.memref_squeeze %dma_start3A_847 : memref<1x16x2048xf32, #tpu.memory_space<vmem>> -> memref<16x2048xf32, #tpu.memory_space<vmem>>
    tpu.enqueue_dma source(%dma_start3A_848 : memref<16x2048xf32, #tpu.memory_space<vmem>>) target(%dma_start3A_844 : memref<16x2048xf32, #tpu.memory_space<hbm>>) target_semaphore(%dma_start3A_842 : memref<!tpu.dma_semaphore, #tpu.memory_space<semaphore_mem>>)
    %dma_wait3A_849 = arith.constant 2 : i32
    %dma_wait3A_850 = arith.constant 2 : i32
    %dma_wait3A_851 = arith.constant 0 : i32
    %dma_wait3A_852 = arith.constant 0 : i32
    %dma_wait3A_853 = tpu.memref_slice %arg6[%dma_wait3A_849, %dma_wait3A_851, %dma_wait3A_852] : memref<3x16x2048xf32, #tpu.memory_space<vmem>> -> memref<1x16x2048xf32, #tpu.memory_space<vmem>>
    %dma_wait3A_854 = tpu.memref_squeeze %dma_wait3A_853 : memref<1x16x2048xf32, #tpu.memory_space<vmem>> -> memref<16x2048xf32, #tpu.memory_space<vmem>>
    %dma_wait3A_855 = arith.constant 0 : i32
    %dma_wait3A_856 = tpu.memref_slice %arg4[%add3A_704, %dma_wait3A_855] : memref<8192x2048xf32, #tpu.memory_space<hbm>> -> memref<16x2048xf32, #tpu.memory_space<hbm>>
    %dma_wait3A_857 = tpu.memref_slice %arg8[%dma_wait3A_850] : memref<3x!tpu.dma_semaphore, #tpu.memory_space<semaphore_mem>> -> memref<1x!tpu.dma_semaphore, #tpu.memory_space<semaphore_mem>>
    %dma_wait3A_858 = tpu.memref_squeeze %dma_wait3A_857 : memref<1x!tpu.dma_semaphore, #tpu.memory_space<semaphore_mem>> -> memref<!tpu.dma_semaphore, #tpu.memory_space<semaphore_mem>>
    %dma_wait3A_859 = arith.constant 0 : i32
    %dma_wait3A_860 = tpu.memref_slice %arg4[%add3A_704, %dma_wait3A_859] : memref<8192x2048xf32, #tpu.memory_space<hbm>> -> memref<16x2048xf32, #tpu.memory_space<hbm>>
    %dma_wait3A_861 = arith.constant 0 : i32
    %dma_wait3A_862 = arith.constant 0 : i32
    %dma_wait3A_863 = tpu.memref_slice %arg6[%dma_wait3A_849, %dma_wait3A_861, %dma_wait3A_862] : memref<3x16x2048xf32, #tpu.memory_space<vmem>> -> memref<1x16x2048xf32, #tpu.memory_space<vmem>>
    %dma_wait3A_864 = tpu.memref_squeeze %dma_wait3A_863 : memref<1x16x2048xf32, #tpu.memory_space<vmem>> -> memref<16x2048xf32, #tpu.memory_space<vmem>>
    tpu.wait_dma2 semaphore(%dma_wait3A_858 : memref<!tpu.dma_semaphore, #tpu.memory_space<semaphore_mem>>) src(%dma_wait3A_864 : memref<16x2048xf32, #tpu.memory_space<vmem>>) dst(%dma_wait3A_860 : memref<16x2048xf32, #tpu.memory_space<hbm>>)
    %dma_start3A_865 = arith.constant 14 : i32
    %dma_start3A_866 = arith.constant 2 : i32
    %dma_start3A_867 = arith.constant 2 : i32
    %dma_start3A_868 = arith.constant 0 : i32
    %dma_start3A_869 = arith.constant 0 : i32
    %dma_start3A_870 = tpu.memref_slice %arg6[%dma_start3A_866, %dma_start3A_868, %dma_start3A_869] : memref<3x16x2048xf32, #tpu.memory_space<vmem>> -> memref<1x16x2048xf32, #tpu.memory_space<vmem>>
    %dma_start3A_871 = tpu.memref_squeeze %dma_start3A_870 : memref<1x16x2048xf32, #tpu.memory_space<vmem>> -> memref<16x2048xf32, #tpu.memory_space<vmem>>
    %dma_start3A_872 = arith.constant 0 : i32
    %dma_start3A_873 = tpu.memref_slice %arg5[%dma_start3A_865, %dma_start3A_872] : memref<16x16xi32, #tpu.memory_space<vmem>> -> memref<1x16xi32, #tpu.memory_space<vmem>>
    %dma_start3A_874 = tpu.memref_squeeze %dma_start3A_873 : memref<1x16xi32, #tpu.memory_space<vmem>> -> memref<16xi32, #tpu.memory_space<vmem>>
    %dma_start3A_875 = arith.constant 0 : i32
    %dma_start3A_876 = arith.constant 0 : i32
    %dma_start3A_877 = tpu.memref_slice %arg2[%dma_start3A_875, %dma_start3A_876] : memref<100000x2048xf32, #tpu.memory_space<hbm>> -> memref<100000x2048xf32, #tpu.memory_space<hbm>>
    %dma_start3A_878 = tpu.memref_slice %arg7[%dma_start3A_867] : memref<3x!tpu.dma_semaphore, #tpu.memory_space<semaphore_mem>> -> memref<1x!tpu.dma_semaphore, #tpu.memory_space<semaphore_mem>>
    %dma_start3A_879 = tpu.memref_squeeze %dma_start3A_878 : memref<1x!tpu.dma_semaphore, #tpu.memory_space<semaphore_mem>> -> memref<!tpu.dma_semaphore, #tpu.memory_space<semaphore_mem>>
    tpu.enqueue_indirect_dma source(%dma_start3A_877 : memref<100000x2048xf32, #tpu.memory_space<hbm>>) target(%dma_start3A_871 : memref<16x2048xf32, #tpu.memory_space<vmem>>) offsets(%dma_start3A_874 : memref<16xi32, #tpu.memory_space<vmem>>) semaphore(%dma_start3A_879 : memref<!tpu.dma_semaphore, #tpu.memory_space<semaphore_mem>>)
    %dma_wait3A_880 = arith.constant 14 : i32
    %dma_wait3A_881 = arith.constant 2 : i32
    %dma_wait3A_882 = arith.constant 2 : i32
    %dma_wait3A_883 = arith.constant 0 : i32
    %dma_wait3A_884 = arith.constant 0 : i32
    %dma_wait3A_885 = tpu.memref_slice %arg6[%dma_wait3A_881, %dma_wait3A_883, %dma_wait3A_884] : memref<3x16x2048xf32, #tpu.memory_space<vmem>> -> memref<1x16x2048xf32, #tpu.memory_space<vmem>>
    %dma_wait3A_886 = tpu.memref_squeeze %dma_wait3A_885 : memref<1x16x2048xf32, #tpu.memory_space<vmem>> -> memref<16x2048xf32, #tpu.memory_space<vmem>>
    %dma_wait3A_887 = arith.constant 0 : i32
    %dma_wait3A_888 = tpu.memref_slice %arg5[%dma_wait3A_880, %dma_wait3A_887] : memref<16x16xi32, #tpu.memory_space<vmem>> -> memref<1x16xi32, #tpu.memory_space<vmem>>
    %dma_wait3A_889 = tpu.memref_squeeze %dma_wait3A_888 : memref<1x16xi32, #tpu.memory_space<vmem>> -> memref<16xi32, #tpu.memory_space<vmem>>
    %dma_wait3A_890 = arith.constant 0 : i32
    %dma_wait3A_891 = arith.constant 0 : i32
    %dma_wait3A_892 = tpu.memref_slice %arg2[%dma_wait3A_890, %dma_wait3A_891] : memref<100000x2048xf32, #tpu.memory_space<hbm>> -> memref<100000x2048xf32, #tpu.memory_space<hbm>>
    %dma_wait3A_893 = tpu.memref_slice %arg7[%dma_wait3A_882] : memref<3x!tpu.dma_semaphore, #tpu.memory_space<semaphore_mem>> -> memref<1x!tpu.dma_semaphore, #tpu.memory_space<semaphore_mem>>
    %dma_wait3A_894 = tpu.memref_squeeze %dma_wait3A_893 : memref<1x!tpu.dma_semaphore, #tpu.memory_space<semaphore_mem>> -> memref<!tpu.dma_semaphore, #tpu.memory_space<semaphore_mem>>
    tpu.wait_indirect_dma semaphore(%dma_wait3A_894 : memref<!tpu.dma_semaphore, #tpu.memory_space<semaphore_mem>>) src(%dma_wait3A_892 : memref<100000x2048xf32, #tpu.memory_space<hbm>>) dst(%dma_wait3A_886 : memref<16x2048xf32, #tpu.memory_space<vmem>>)
    %add3A_895 = arith.constant 224 : i32
    %add3A_896 = arith.addi %mul3A_2, %add3A_895 : i32
    %dma_start3A_897 = arith.constant 2 : i32
    %dma_start3A_898 = arith.constant 2 : i32
    %dma_start3A_899 = arith.constant 0 : i32
    %dma_start3A_900 = arith.constant 0 : i32
    %dma_start3A_901 = tpu.memref_slice %arg6[%dma_start3A_897, %dma_start3A_899, %dma_start3A_900] : memref<3x16x2048xf32, #tpu.memory_space<vmem>> -> memref<1x16x2048xf32, #tpu.memory_space<vmem>>
    %dma_start3A_902 = tpu.memref_squeeze %dma_start3A_901 : memref<1x16x2048xf32, #tpu.memory_space<vmem>> -> memref<16x2048xf32, #tpu.memory_space<vmem>>
    %dma_start3A_903 = arith.constant 0 : i32
    %dma_start3A_904 = tpu.memref_slice %arg4[%add3A_896, %dma_start3A_903] : memref<8192x2048xf32, #tpu.memory_space<hbm>> -> memref<16x2048xf32, #tpu.memory_space<hbm>>
    %dma_start3A_905 = tpu.memref_slice %arg8[%dma_start3A_898] : memref<3x!tpu.dma_semaphore, #tpu.memory_space<semaphore_mem>> -> memref<1x!tpu.dma_semaphore, #tpu.memory_space<semaphore_mem>>
    %dma_start3A_906 = tpu.memref_squeeze %dma_start3A_905 : memref<1x!tpu.dma_semaphore, #tpu.memory_space<semaphore_mem>> -> memref<!tpu.dma_semaphore, #tpu.memory_space<semaphore_mem>>
    %dma_start3A_907 = arith.constant 0 : i32
    %dma_start3A_908 = tpu.memref_slice %arg4[%add3A_896, %dma_start3A_907] : memref<8192x2048xf32, #tpu.memory_space<hbm>> -> memref<16x2048xf32, #tpu.memory_space<hbm>>
    %dma_start3A_909 = arith.constant 0 : i32
    %dma_start3A_910 = arith.constant 0 : i32
    %dma_start3A_911 = tpu.memref_slice %arg6[%dma_start3A_897, %dma_start3A_909, %dma_start3A_910] : memref<3x16x2048xf32, #tpu.memory_space<vmem>> -> memref<1x16x2048xf32, #tpu.memory_space<vmem>>
    %dma_start3A_912 = tpu.memref_squeeze %dma_start3A_911 : memref<1x16x2048xf32, #tpu.memory_space<vmem>> -> memref<16x2048xf32, #tpu.memory_space<vmem>>
    tpu.enqueue_dma source(%dma_start3A_912 : memref<16x2048xf32, #tpu.memory_space<vmem>>) target(%dma_start3A_908 : memref<16x2048xf32, #tpu.memory_space<hbm>>) target_semaphore(%dma_start3A_906 : memref<!tpu.dma_semaphore, #tpu.memory_space<semaphore_mem>>)
    %dma_wait3A_913 = arith.constant 0 : i32
    %dma_wait3A_914 = arith.constant 0 : i32
    %dma_wait3A_915 = arith.constant 0 : i32
    %dma_wait3A_916 = arith.constant 0 : i32
    %dma_wait3A_917 = tpu.memref_slice %arg6[%dma_wait3A_913, %dma_wait3A_915, %dma_wait3A_916] : memref<3x16x2048xf32, #tpu.memory_space<vmem>> -> memref<1x16x2048xf32, #tpu.memory_space<vmem>>
    %dma_wait3A_918 = tpu.memref_squeeze %dma_wait3A_917 : memref<1x16x2048xf32, #tpu.memory_space<vmem>> -> memref<16x2048xf32, #tpu.memory_space<vmem>>
    %dma_wait3A_919 = arith.constant 0 : i32
    %dma_wait3A_920 = tpu.memref_slice %arg4[%add3A_768, %dma_wait3A_919] : memref<8192x2048xf32, #tpu.memory_space<hbm>> -> memref<16x2048xf32, #tpu.memory_space<hbm>>
    %dma_wait3A_921 = tpu.memref_slice %arg8[%dma_wait3A_914] : memref<3x!tpu.dma_semaphore, #tpu.memory_space<semaphore_mem>> -> memref<1x!tpu.dma_semaphore, #tpu.memory_space<semaphore_mem>>
    %dma_wait3A_922 = tpu.memref_squeeze %dma_wait3A_921 : memref<1x!tpu.dma_semaphore, #tpu.memory_space<semaphore_mem>> -> memref<!tpu.dma_semaphore, #tpu.memory_space<semaphore_mem>>
    %dma_wait3A_923 = arith.constant 0 : i32
    %dma_wait3A_924 = tpu.memref_slice %arg4[%add3A_768, %dma_wait3A_923] : memref<8192x2048xf32, #tpu.memory_space<hbm>> -> memref<16x2048xf32, #tpu.memory_space<hbm>>
    %dma_wait3A_925 = arith.constant 0 : i32
    %dma_wait3A_926 = arith.constant 0 : i32
    %dma_wait3A_927 = tpu.memref_slice %arg6[%dma_wait3A_913, %dma_wait3A_925, %dma_wait3A_926] : memref<3x16x2048xf32, #tpu.memory_space<vmem>> -> memref<1x16x2048xf32, #tpu.memory_space<vmem>>
    %dma_wait3A_928 = tpu.memref_squeeze %dma_wait3A_927 : memref<1x16x2048xf32, #tpu.memory_space<vmem>> -> memref<16x2048xf32, #tpu.memory_space<vmem>>
    tpu.wait_dma2 semaphore(%dma_wait3A_922 : memref<!tpu.dma_semaphore, #tpu.memory_space<semaphore_mem>>) src(%dma_wait3A_928 : memref<16x2048xf32, #tpu.memory_space<vmem>>) dst(%dma_wait3A_924 : memref<16x2048xf32, #tpu.memory_space<hbm>>)
    %dma_start3A_929 = arith.constant 15 : i32
    %dma_start3A_930 = arith.constant 0 : i32
    %dma_start3A_931 = arith.constant 0 : i32
    %dma_start3A_932 = arith.constant 0 : i32
    %dma_start3A_933 = arith.constant 0 : i32
    %dma_start3A_934 = tpu.memref_slice %arg6[%dma_start3A_930, %dma_start3A_932, %dma_start3A_933] : memref<3x16x2048xf32, #tpu.memory_space<vmem>> -> memref<1x16x2048xf32, #tpu.memory_space<vmem>>
    %dma_start3A_935 = tpu.memref_squeeze %dma_start3A_934 : memref<1x16x2048xf32, #tpu.memory_space<vmem>> -> memref<16x2048xf32, #tpu.memory_space<vmem>>
    %dma_start3A_936 = arith.constant 0 : i32
    %dma_start3A_937 = tpu.memref_slice %arg5[%dma_start3A_929, %dma_start3A_936] : memref<16x16xi32, #tpu.memory_space<vmem>> -> memref<1x16xi32, #tpu.memory_space<vmem>>
    %dma_start3A_938 = tpu.memref_squeeze %dma_start3A_937 : memref<1x16xi32, #tpu.memory_space<vmem>> -> memref<16xi32, #tpu.memory_space<vmem>>
    %dma_start3A_939 = arith.constant 0 : i32
    %dma_start3A_940 = arith.constant 0 : i32
    %dma_start3A_941 = tpu.memref_slice %arg2[%dma_start3A_939, %dma_start3A_940] : memref<100000x2048xf32, #tpu.memory_space<hbm>> -> memref<100000x2048xf32, #tpu.memory_space<hbm>>
    %dma_start3A_942 = tpu.memref_slice %arg7[%dma_start3A_931] : memref<3x!tpu.dma_semaphore, #tpu.memory_space<semaphore_mem>> -> memref<1x!tpu.dma_semaphore, #tpu.memory_space<semaphore_mem>>
    %dma_start3A_943 = tpu.memref_squeeze %dma_start3A_942 : memref<1x!tpu.dma_semaphore, #tpu.memory_space<semaphore_mem>> -> memref<!tpu.dma_semaphore, #tpu.memory_space<semaphore_mem>>
    tpu.enqueue_indirect_dma source(%dma_start3A_941 : memref<100000x2048xf32, #tpu.memory_space<hbm>>) target(%dma_start3A_935 : memref<16x2048xf32, #tpu.memory_space<vmem>>) offsets(%dma_start3A_938 : memref<16xi32, #tpu.memory_space<vmem>>) semaphore(%dma_start3A_943 : memref<!tpu.dma_semaphore, #tpu.memory_space<semaphore_mem>>)
    %dma_wait3A_944 = arith.constant 15 : i32
    %dma_wait3A_945 = arith.constant 0 : i32
    %dma_wait3A_946 = arith.constant 0 : i32
    %dma_wait3A_947 = arith.constant 0 : i32
    %dma_wait3A_948 = arith.constant 0 : i32
    %dma_wait3A_949 = tpu.memref_slice %arg6[%dma_wait3A_945, %dma_wait3A_947, %dma_wait3A_948] : memref<3x16x2048xf32, #tpu.memory_space<vmem>> -> memref<1x16x2048xf32, #tpu.memory_space<vmem>>
    %dma_wait3A_950 = tpu.memref_squeeze %dma_wait3A_949 : memref<1x16x2048xf32, #tpu.memory_space<vmem>> -> memref<16x2048xf32, #tpu.memory_space<vmem>>
    %dma_wait3A_951 = arith.constant 0 : i32
    %dma_wait3A_952 = tpu.memref_slice %arg5[%dma_wait3A_944, %dma_wait3A_951] : memref<16x16xi32, #tpu.memory_space<vmem>> -> memref<1x16xi32, #tpu.memory_space<vmem>>
    %dma_wait3A_953 = tpu.memref_squeeze %dma_wait3A_952 : memref<1x16xi32, #tpu.memory_space<vmem>> -> memref<16xi32, #tpu.memory_space<vmem>>
    %dma_wait3A_954 = arith.constant 0 : i32
    %dma_wait3A_955 = arith.constant 0 : i32
    %dma_wait3A_956 = tpu.memref_slice %arg2[%dma_wait3A_954, %dma_wait3A_955] : memref<100000x2048xf32, #tpu.memory_space<hbm>> -> memref<100000x2048xf32, #tpu.memory_space<hbm>>
    %dma_wait3A_957 = tpu.memref_slice %arg7[%dma_wait3A_946] : memref<3x!tpu.dma_semaphore, #tpu.memory_space<semaphore_mem>> -> memref<1x!tpu.dma_semaphore, #tpu.memory_space<semaphore_mem>>
    %dma_wait3A_958 = tpu.memref_squeeze %dma_wait3A_957 : memref<1x!tpu.dma_semaphore, #tpu.memory_space<semaphore_mem>> -> memref<!tpu.dma_semaphore, #tpu.memory_space<semaphore_mem>>
    tpu.wait_indirect_dma semaphore(%dma_wait3A_958 : memref<!tpu.dma_semaphore, #tpu.memory_space<semaphore_mem>>) src(%dma_wait3A_956 : memref<100000x2048xf32, #tpu.memory_space<hbm>>) dst(%dma_wait3A_950 : memref<16x2048xf32, #tpu.memory_space<vmem>>)
    %add3A_959 = arith.constant 240 : i32
    %add3A_960 = arith.addi %mul3A_2, %add3A_959 : i32
    %dma_start3A_961 = arith.constant 0 : i32
    %dma_start3A_962 = arith.constant 0 : i32
    %dma_start3A_963 = arith.constant 0 : i32
    %dma_start3A_964 = arith.constant 0 : i32
    %dma_start3A_965 = tpu.memref_slice %arg6[%dma_start3A_961, %dma_start3A_963, %dma_start3A_964] : memref<3x16x2048xf32, #tpu.memory_space<vmem>> -> memref<1x16x2048xf32, #tpu.memory_space<vmem>>
    %dma_start3A_966 = tpu.memref_squeeze %dma_start3A_965 : memref<1x16x2048xf32, #tpu.memory_space<vmem>> -> memref<16x2048xf32, #tpu.memory_space<vmem>>
    %dma_start3A_967 = arith.constant 0 : i32
    %dma_start3A_968 = tpu.memref_slice %arg4[%add3A_960, %dma_start3A_967] : memref<8192x2048xf32, #tpu.memory_space<hbm>> -> memref<16x2048xf32, #tpu.memory_space<hbm>>
    %dma_start3A_969 = tpu.memref_slice %arg8[%dma_start3A_962] : memref<3x!tpu.dma_semaphore, #tpu.memory_space<semaphore_mem>> -> memref<1x!tpu.dma_semaphore, #tpu.memory_space<semaphore_mem>>
    %dma_start3A_970 = tpu.memref_squeeze %dma_start3A_969 : memref<1x!tpu.dma_semaphore, #tpu.memory_space<semaphore_mem>> -> memref<!tpu.dma_semaphore, #tpu.memory_space<semaphore_mem>>
    %dma_start3A_971 = arith.constant 0 : i32
    %dma_start3A_972 = tpu.memref_slice %arg4[%add3A_960, %dma_start3A_971] : memref<8192x2048xf32, #tpu.memory_space<hbm>> -> memref<16x2048xf32, #tpu.memory_space<hbm>>
    %dma_start3A_973 = arith.constant 0 : i32
    %dma_start3A_974 = arith.constant 0 : i32
    %dma_start3A_975 = tpu.memref_slice %arg6[%dma_start3A_961, %dma_start3A_973, %dma_start3A_974] : memref<3x16x2048xf32, #tpu.memory_space<vmem>> -> memref<1x16x2048xf32, #tpu.memory_space<vmem>>
    %dma_start3A_976 = tpu.memref_squeeze %dma_start3A_975 : memref<1x16x2048xf32, #tpu.memory_space<vmem>> -> memref<16x2048xf32, #tpu.memory_space<vmem>>
    tpu.enqueue_dma source(%dma_start3A_976 : memref<16x2048xf32, #tpu.memory_space<vmem>>) target(%dma_start3A_972 : memref<16x2048xf32, #tpu.memory_space<hbm>>) target_semaphore(%dma_start3A_970 : memref<!tpu.dma_semaphore, #tpu.memory_space<semaphore_mem>>)
    %dma_wait3A_977 = arith.constant 1 : i32
    %dma_wait3A_978 = arith.constant 1 : i32
    %dma_wait3A_979 = arith.constant 0 : i32
    %dma_wait3A_980 = arith.constant 0 : i32
    %dma_wait3A_981 = tpu.memref_slice %arg6[%dma_wait3A_977, %dma_wait3A_979, %dma_wait3A_980] : memref<3x16x2048xf32, #tpu.memory_space<vmem>> -> memref<1x16x2048xf32, #tpu.memory_space<vmem>>
    %dma_wait3A_982 = tpu.memref_squeeze %dma_wait3A_981 : memref<1x16x2048xf32, #tpu.memory_space<vmem>> -> memref<16x2048xf32, #tpu.memory_space<vmem>>
    %dma_wait3A_983 = arith.constant 0 : i32
    %dma_wait3A_984 = tpu.memref_slice %arg4[%add3A_832, %dma_wait3A_983] : memref<8192x2048xf32, #tpu.memory_space<hbm>> -> memref<16x2048xf32, #tpu.memory_space<hbm>>
    %dma_wait3A_985 = tpu.memref_slice %arg8[%dma_wait3A_978] : memref<3x!tpu.dma_semaphore, #tpu.memory_space<semaphore_mem>> -> memref<1x!tpu.dma_semaphore, #tpu.memory_space<semaphore_mem>>
    %dma_wait3A_986 = tpu.memref_squeeze %dma_wait3A_985 : memref<1x!tpu.dma_semaphore, #tpu.memory_space<semaphore_mem>> -> memref<!tpu.dma_semaphore, #tpu.memory_space<semaphore_mem>>
    %dma_wait3A_987 = arith.constant 0 : i32
    %dma_wait3A_988 = tpu.memref_slice %arg4[%add3A_832, %dma_wait3A_987] : memref<8192x2048xf32, #tpu.memory_space<hbm>> -> memref<16x2048xf32, #tpu.memory_space<hbm>>
    %dma_wait3A_989 = arith.constant 0 : i32
    %dma_wait3A_990 = arith.constant 0 : i32
    %dma_wait3A_991 = tpu.memref_slice %arg6[%dma_wait3A_977, %dma_wait3A_989, %dma_wait3A_990] : memref<3x16x2048xf32, #tpu.memory_space<vmem>> -> memref<1x16x2048xf32, #tpu.memory_space<vmem>>
    %dma_wait3A_992 = tpu.memref_squeeze %dma_wait3A_991 : memref<1x16x2048xf32, #tpu.memory_space<vmem>> -> memref<16x2048xf32, #tpu.memory_space<vmem>>
    tpu.wait_dma2 semaphore(%dma_wait3A_986 : memref<!tpu.dma_semaphore, #tpu.memory_space<semaphore_mem>>) src(%dma_wait3A_992 : memref<16x2048xf32, #tpu.memory_space<vmem>>) dst(%dma_wait3A_988 : memref<16x2048xf32, #tpu.memory_space<hbm>>)
    %dma_wait3A_993 = arith.constant 2 : i32
    %dma_wait3A_994 = arith.constant 2 : i32
    %dma_wait3A_995 = arith.constant 0 : i32
    %dma_wait3A_996 = arith.constant 0 : i32
    %dma_wait3A_997 = tpu.memref_slice %arg6[%dma_wait3A_993, %dma_wait3A_995, %dma_wait3A_996] : memref<3x16x2048xf32, #tpu.memory_space<vmem>> -> memref<1x16x2048xf32, #tpu.memory_space<vmem>>
    %dma_wait3A_998 = tpu.memref_squeeze %dma_wait3A_997 : memref<1x16x2048xf32, #tpu.memory_space<vmem>> -> memref<16x2048xf32, #tpu.memory_space<vmem>>
    %dma_wait3A_999 = arith.constant 0 : i32
    %dma_wait3A_1000 = tpu.memref_slice %arg4[%add3A_896, %dma_wait3A_999] : memref<8192x2048xf32, #tpu.memory_space<hbm>> -> memref<16x2048xf32, #tpu.memory_space<hbm>>
    %dma_wait3A_1001 = tpu.memref_slice %arg8[%dma_wait3A_994] : memref<3x!tpu.dma_semaphore, #tpu.memory_space<semaphore_mem>> -> memref<1x!tpu.dma_semaphore, #tpu.memory_space<semaphore_mem>>
    %dma_wait3A_1002 = tpu.memref_squeeze %dma_wait3A_1001 : memref<1x!tpu.dma_semaphore, #tpu.memory_space<semaphore_mem>> -> memref<!tpu.dma_semaphore, #tpu.memory_space<semaphore_mem>>
    %dma_wait3A_1003 = arith.constant 0 : i32
    %dma_wait3A_1004 = tpu.memref_slice %arg4[%add3A_896, %dma_wait3A_1003] : memref<8192x2048xf32, #tpu.memory_space<hbm>> -> memref<16x2048xf32, #tpu.memory_space<hbm>>
    %dma_wait3A_1005 = arith.constant 0 : i32
    %dma_wait3A_1006 = arith.constant 0 : i32
    %dma_wait3A_1007 = tpu.memref_slice %arg6[%dma_wait3A_993, %dma_wait3A_1005, %dma_wait3A_1006] : memref<3x16x2048xf32, #tpu.memory_space<vmem>> -> memref<1x16x2048xf32, #tpu.memory_space<vmem>>
    %dma_wait3A_1008 = tpu.memref_squeeze %dma_wait3A_1007 : memref<1x16x2048xf32, #tpu.memory_space<vmem>> -> memref<16x2048xf32, #tpu.memory_space<vmem>>
    tpu.wait_dma2 semaphore(%dma_wait3A_1002 : memref<!tpu.dma_semaphore, #tpu.memory_space<semaphore_mem>>) src(%dma_wait3A_1008 : memref<16x2048xf32, #tpu.memory_space<vmem>>) dst(%dma_wait3A_1004 : memref<16x2048xf32, #tpu.memory_space<hbm>>)
    %dma_wait3A_1009 = arith.constant 0 : i32
    %dma_wait3A_1010 = arith.constant 0 : i32
    %dma_wait3A_1011 = arith.constant 0 : i32
    %dma_wait3A_1012 = arith.constant 0 : i32
    %dma_wait3A_1013 = tpu.memref_slice %arg6[%dma_wait3A_1009, %dma_wait3A_1011, %dma_wait3A_1012] : memref<3x16x2048xf32, #tpu.memory_space<vmem>> -> memref<1x16x2048xf32, #tpu.memory_space<vmem>>
    %dma_wait3A_1014 = tpu.memref_squeeze %dma_wait3A_1013 : memref<1x16x2048xf32, #tpu.memory_space<vmem>> -> memref<16x2048xf32, #tpu.memory_space<vmem>>
    %dma_wait3A_1015 = arith.constant 0 : i32
    %dma_wait3A_1016 = tpu.memref_slice %arg4[%add3A_960, %dma_wait3A_1015] : memref<8192x2048xf32, #tpu.memory_space<hbm>> -> memref<16x2048xf32, #tpu.memory_space<hbm>>
    %dma_wait3A_1017 = tpu.memref_slice %arg8[%dma_wait3A_1010] : memref<3x!tpu.dma_semaphore, #tpu.memory_space<semaphore_mem>> -> memref<1x!tpu.dma_semaphore, #tpu.memory_space<semaphore_mem>>
    %dma_wait3A_1018 = tpu.memref_squeeze %dma_wait3A_1017 : memref<1x!tpu.dma_semaphore, #tpu.memory_space<semaphore_mem>> -> memref<!tpu.dma_semaphore, #tpu.memory_space<semaphore_mem>>
    %dma_wait3A_1019 = arith.constant 0 : i32
    %dma_wait3A_1020 = tpu.memref_slice %arg4[%add3A_960, %dma_wait3A_1019] : memref<8192x2048xf32, #tpu.memory_space<hbm>> -> memref<16x2048xf32, #tpu.memory_space<hbm>>
    %dma_wait3A_1021 = arith.constant 0 : i32
    %dma_wait3A_1022 = arith.constant 0 : i32
    %dma_wait3A_1023 = tpu.memref_slice %arg6[%dma_wait3A_1009, %dma_wait3A_1021, %dma_wait3A_1022] : memref<3x16x2048xf32, #tpu.memory_space<vmem>> -> memref<1x16x2048xf32, #tpu.memory_space<vmem>>
    %dma_wait3A_1024 = tpu.memref_squeeze %dma_wait3A_1023 : memref<1x16x2048xf32, #tpu.memory_space<vmem>> -> memref<16x2048xf32, #tpu.memory_space<vmem>>
    tpu.wait_dma2 semaphore(%dma_wait3A_1018 : memref<!tpu.dma_semaphore, #tpu.memory_space<semaphore_mem>>) src(%dma_wait3A_1024 : memref<16x2048xf32, #tpu.memory_space<vmem>>) dst(%dma_wait3A_1020 : memref<16x2048xf32, #tpu.memory_space<hbm>>)
    return
  }
}

module attributes {stable_mosaic.version = 14 : i64} {
  func.func @_mask_body(%arg0: i32, %arg1: i32, %arg2: memref<1x1x2048xi32, #tpu.memory_space<vmem>>, %arg3: memref<1x1x256x2048xf32, #tpu.memory_space<vmem>>, %arg4: memref<256x2048xf32, #tpu.memory_space<vmem>>) attributes {dimension_semantics = [#tpu.dimension_semantics<arbitrary>, #tpu.dimension_semantics<arbitrary>], iteration_bounds = array<i64: 8, 4>, scalar_prefetch = 0 : i64, scratch_operands = 1 : i64, tpu.core_type = #tpu.core_type<tc>, window_params = [{transform_indices = @transform_0, window_bounds = array<i64: 1, 1, 2048>}, {transform_indices = @transform_1, window_bounds = array<i64: 1, 1, 256, 2048>}]} {
    %eq3A = arith.constant 0 : i32
    %eq3A_0 = arith.cmpi eq, %arg1, %eq3A : i32
    %convert_element_type3A = arith.extui %eq3A_0 : i1 to i32
    %cond3A = arith.constant 0 : i32
    %cond3A_1 = arith.cmpi ne, %convert_element_type3A, %cond3A : i32
    scf.if %cond3A_1 {
      %iota3A = tpu.iota {dimensions = array<i32: 0>} : vector<256x2048xi32>
      %mul3A = arith.constant 256 : i32
      %mul3A_21 = arith.muli %arg0, %mul3A : i32
      %add3A = vector.broadcast %mul3A_21 : i32 to vector<256x2048xi32>
      %add3A_22 = arith.addi %iota3A, %add3A : vector<256x2048xi32>
      %iota3A_23 = tpu.iota {dimensions = array<i32: 1>} : vector<256x2048xi32>
      %gt3A = arith.cmpi sgt, %iota3A_23, %add3A_22 : vector<256x2048xi32>
      %jit3A_24 = arith.constant 0xFF800000 : f32
      %jit3A_25 = arith.constant 0.000000e+00 : f32
      %broadcast_in_dim3A_26 = vector.broadcast %jit3A_24 : f32 to vector<256x2048xf32>
      %broadcast_in_dim3A_27 = vector.broadcast %jit3A_25 : f32 to vector<256x2048xf32>
      %select_n3A_28 = arith.select %gt3A, %broadcast_in_dim3A_26, %broadcast_in_dim3A_27 : vector<256x2048xi1>, vector<256x2048xf32>
      %swap3A_29 = arith.constant 0 : index
      %swap3A_30 = arith.constant 0 : index
      %swap3A_31 = vector.load %arg4[%swap3A_29, %swap3A_30] : memref<256x2048xf32, #tpu.memory_space<vmem>>, vector<256x2048xf32>
      tpu.vector_store %arg4[%swap3A_29, %swap3A_30], %select_n3A_28 {strides = array<i32>} : memref<256x2048xf32, #tpu.memory_space<vmem>>, vector<256x2048xf32>,
    } else {
    }
    %get3A = arith.constant 0 : index
    %get3A_2 = arith.constant 0 : index
    %get3A_3 = arith.constant 0 : index
    %get3A_4 = vector.load %arg2[%get3A, %get3A_2, %get3A_3] : memref<1x1x2048xi32, #tpu.memory_space<vmem>>, vector<1x1x2048xi32>
    %get3A_5 = vector.shape_cast %get3A_4 : vector<1x1x2048xi32> to vector<2048xi32>
    %eq3A_6 = arith.constant 0 : i32
    %eq3A_7 = vector.broadcast %eq3A_6 : i32 to vector<2048xi32>
    %eq3A_8 = arith.cmpi eq, %get3A_5, %eq3A_7 : vector<2048xi32>
    %broadcast_in_dim3A = vector.shape_cast %eq3A_8 : vector<2048xi1> to vector<1x2048xi1>
    %get3A_9 = arith.constant 0 : index
    %get3A_10 = arith.constant 0 : index
    %get3A_11 = vector.load %arg4[%get3A_9, %get3A_10] : memref<256x2048xf32, #tpu.memory_space<vmem>>, vector<256x2048xf32>
    %jit3A = arith.constant 0xFF800000 : f32
    %broadcast_in_dim3A_12 = vector.shape_cast %broadcast_in_dim3A : vector<1x2048xi1> to vector<1x2048xi1>
    %broadcast_in_dim3A_13 = vector.broadcast %broadcast_in_dim3A_12 : vector<1x2048xi1> to vector<256x2048xi1>
    %broadcast_in_dim3A_14 = vector.broadcast %jit3A : f32 to vector<256x2048xf32>
    %select_n3A = arith.select %broadcast_in_dim3A_13, %broadcast_in_dim3A_14, %get3A_11 : vector<256x2048xi1>, vector<256x2048xf32>
    %swap3A = arith.constant 0 : index
    %swap3A_15 = arith.constant 0 : index
    %swap3A_16 = arith.constant 0 : index
    %swap3A_17 = arith.constant 0 : index
    %swap3A_18 = vector.load %arg3[%swap3A, %swap3A_15, %swap3A_16, %swap3A_17] : memref<1x1x256x2048xf32, #tpu.memory_space<vmem>>, vector<1x1x256x2048xf32>
    %swap3A_19 = vector.shape_cast %swap3A_18 : vector<1x1x256x2048xf32> to vector<256x2048xf32>
    %swap3A_20 = vector.shape_cast %select_n3A : vector<256x2048xf32> to vector<1x1x256x2048xf32>
    tpu.vector_store %arg3[%swap3A, %swap3A_15, %swap3A_16, %swap3A_17], %swap3A_20 {strides = array<i32>} : memref<1x1x256x2048xf32, #tpu.memory_space<vmem>>, vector<1x1x256x2048xf32>,
    return
  }
  func.func @transform_0(%arg0: i32, %arg1: i32) -> (i32, i32, i32) {
    %c0_i32 = arith.constant 0 : i32
    %c0_i32_0 = arith.constant 0 : i32
    %c0_i32_1 = arith.constant 0 : i32
    return %arg1, %c0_i32, %c0_i32_0 : i32, i32, i32
  }
  func.func @transform_1(%arg0: i32, %arg1: i32) -> (i32, i32, i32, i32) {
    %c0_i32 = arith.constant 0 : i32
    %c0_i32_0 = arith.constant 0 : i32
    %c0_i32_1 = arith.constant 0 : i32
    return %arg1, %c0_i32, %arg0, %c0_i32_0 : i32, i32, i32, i32
  }
}

</mosaic_0001>

<sc_bundles>
// kernel: kernel.4.cloned.1.call-start
scs
__scs_entry_jumppad:
0x0: {  	(pc) =	sbr.rel $0x88, $3  }
0x1: {  	(tag) =	ssettag $0x0;
	lr =	simm.s32 $0x1  }
0x2: {  	[smem:$0x3F9E] =	sst lr;
	_ =	strace $0xD0000000  }
0x3: {  	_ = 	snop  }
0x4: {  	_ = 	snop  }
0x5: {  	_ = 	snop  }
0x6: {  	_ = 	snop  }
0x7: {  	_ = 	snop  }
__scs_overlays_trampoline_lowered:
0x8: {  	[smem:$0x3FAD] =	sst s0  }
0x9: {  	[smem:$0x3FAE] =	sst s1  }
0xa: {  	[smem:$0x3FAF] =	sst s2  }
0xb: {  	[smem:$0x3FB0] =	sst s3  }
0xc: {  	[smem:$0x3FB1] =	sst s4  }
0xd: {  	[smem:$0x3FB2] =	sst s5  }
0xe: {  	[smem:$0x3FB3] =	sst s6  }
0xf: {  	[smem:$0x3FB4] =	sst s7  }
0x10: {  	[smem:$0x3FB5] =	sst s8  }
0x11: {  	[smem:$0x3FB6] =	sst s9;
	s0 =	simm.s32 @!p0 $0x0  }
0x12: {  	s1 =	sld [smem:$0x3F9C];
	s0 =	simm.s32 @p0 $0x1  }
0x13: {  	[smem:$0x3FB7] =	sst s0;
	s0 =	simm.s32 @!p1 $0x0  }
0x14: {  	s2 =	sld [smem:$0x3F9B];
	s0 =	simm.s32 @p1 $0x1  }
0x15: {  	[smem:$0x3FB8] =	sst s0;
	s0 =	simm.s32 @!p2 $0x0  }
0x16: {  	s3 =	sld [smem:$0x3FDB];
	s0 =	simm.s32 @p2 $0x1  }
0x17: {  	s4 =	simm.s32 $0x1BF5;
	[smem:$0x3FBA] =	sst s0  }
0x18: {  	s0 =	sld [smem:$0x3F9D];
	_ =	swait.ge [sflag:s4], $0x0  }
0x19: {  	s7 =	sld [smem:$0x3F9E]  }
0x1a: {  	s8 =	sadd.s32 $0xFFFFE003, lr  }
0x1b: {  	s9 =	sadd.s32 $0xFFFFFEF7, lr;
	s5 =	simm.s32 $0xFFFFFFFF;
	p2 =	slt.u32 s8, $0xFFFFF086  }
0x1c: {  	p1 =	slt.u32 s9, $0xF7A;
	s5 =	simm.s32 @!p2 $0x0  }
0x1d: {  	s5 =	simm.s32 @p1 $0x1;
	p0 =	seq.s32 s7, s2  }
0x1e: {  	s7 =	smul.u32 @!p0 $0xF7A, s2;
	p2 =	seq.s32 @!p0 s5, $0x0  }
0x1f: {  	s9 =	smul.u32 $0xF7A, s1;
	s8 =	simm.s32 @!p0 $0x1BF5;
	p2 =	por !p2, p0  }
0x20: {  	[sflag:s8] =	ssyncset.s32 @!p0 $0xFFFFF086;
	s6 =	sadd.s32 @!p0 s3, s7;
	s7 =	simm.s32 @!p0 $0x108  }
0x21: {  	s3 =	sadd.s32 s3, s9;
	s6 =	sadd.s32 @!p0 $0x88, s6;
	s7 =	simm.s32 @p2 $0x1082  }
0x22: {  	[simem:s7], [sflag:s8] =	dma.local @!p0 [hbm:s6], $0xF7A  }
0x23: {  	s9 =	sor.u32 $0xD0000000, s2;
	s6 =	simm.s32 $0x108;
	_ =	swait.ge @!p0 [sflag:s8], $0x0  }
0x24: {  	s3 =	sadd.s32 $0x88, s3;
	s6 =	simm.s32 @!p1 $0x1082;
	[sflag:s4] =	ssyncset.s32 $0xFFFFF086  }
0x25: {  	[simem:s6], [sflag:s4] =	dma.local [hbm:s3], $0xF7A  }
0x26: {  	[smem:$0x3F9E] =	sst s1;
	(tag) =	ssettag s2;
	_ =	strace s9  }
0x27: {  	s1 =	sld [smem:$0x3FAE]  }
0x28: {  	s2 =	sld [smem:$0x3FAF]  }
0x29: {  	s4 =	sld [smem:$0x3FB1]  }
0x2a: {  	p0 =	seq.s32 s5, $0x0;
	s5 =	sld [smem:$0x3FB2]  }
0x2b: {  	s6 =	sld [smem:$0x3FB3]  }
0x2c: {  	s7 =	sld [smem:$0x3FB4]  }
0x2d: {  	s3 =	simm.s32 $0x108;
	s8 =	sld [smem:$0x3FB5]  }
0x2e: {  	s3 =	simm.s32 @!p0 $0x1082;
	s9 =	sld [smem:$0x3FB6]  }
0x2f: {  	lr =	sadd.s32 s0, s3;
	s0 =	sld [smem:$0x3FAD]  }
0x30: {  	s3 =	sld [smem:$0x3FB0]  }
0x31: {  	[smem:$0x3FB9] =	sst s10  }
0x32: {  	s10 =	sld [smem:$0x3FB7];
	_ =	sdelay $0x3  }
0x33: {  	p0 =	seq.s32 s10, $0x1;
	s10 =	sld [smem:$0x3FB9];
	_ =	sdelay $0x3  }
0x34: {  	[smem:$0x3FB9] =	sst s10  }
0x35: {  	s10 =	sld [smem:$0x3FB8];
	_ =	sdelay $0x3  }
0x36: {  	p1 =	seq.s32 s10, $0x1;
	s10 =	sld [smem:$0x3FB9];
	_ =	sdelay $0x3  }
0x37: {  	[smem:$0x3FB9] =	sst s10  }
0x38: {  	s10 =	sld [smem:$0x3FBA]  }
0x39: {  	_ = 	snop;
	(pc) =	sbr.ind lr, $3  }
0x3a: {  	_ = 	snop  }
0x3b: {  	_ = 	snop  }
0x3c: {  	p2 =	seq.s32 s10, $0x1;
	s10 =	sld [smem:$0x3FB9]  }
0x3d: {  	_ =	shalt  }
0x3e: {  	_ =	shalt  }
0x3f: {  	_ =	shalt  }
0x40: {  	_ =	shalt  }
0x41: {  	_ =	shalt  }
0x42: {  	_ =	shalt  }
0x43: {  	_ =	shalt  }
0x44: {  	_ =	shalt  }
0x45: {  	_ =	shalt  }
0x46: {  	_ =	shalt  }
0x47: {  	_ =	shalt  }
0x48: {  	_ =	shalt  }
0x49: {  	_ =	shalt  }
0x4a: {  	_ =	shalt  }
0x4b: {  	_ =	shalt  }
0x4c: {  	_ =	shalt  }
0x4d: {  	_ =	shalt  }
0x4e: {  	_ =	shalt  }
0x4f: {  	_ =	shalt  }
0x50: {  	_ =	shalt  }
0x51: {  	_ =	shalt  }
0x52: {  	_ =	shalt  }
0x53: {  	_ =	shalt  }
0x54: {  	_ =	shalt  }
0x55: {  	_ =	shalt  }
0x56: {  	_ =	shalt  }
0x57: {  	_ =	shalt  }
0x58: {  	_ =	shalt  }
0x59: {  	_ =	shalt  }
0x5a: {  	_ =	shalt  }
0x5b: {  	_ =	shalt  }
0x5c: {  	_ =	shalt  }
0x5d: {  	_ =	shalt  }
0x5e: {  	_ =	shalt  }
0x5f: {  	_ =	shalt  }
0x60: {  	_ =	shalt  }
0x61: {  	_ =	shalt  }
0x62: {  	_ =	shalt  }
0x63: {  	_ =	shalt  }
0x64: {  	_ =	shalt  }
0x65: {  	_ =	shalt  }
0x66: {  	_ =	shalt  }
0x67: {  	_ =	shalt  }
0x68: {  	_ =	shalt  }
0x69: {  	_ =	shalt  }
0x6a: {  	_ =	shalt  }
0x6b: {  	_ =	shalt  }
0x6c: {  	_ =	shalt  }
0x6d: {  	_ =	shalt  }
0x6e: {  	_ =	shalt  }
0x6f: {  	_ =	shalt  }
0x70: {  	_ =	shalt  }
0x71: {  	_ =	shalt  }
0x72: {  	_ =	shalt  }
0x73: {  	_ =	shalt  }
0x74: {  	_ =	shalt  }
0x75: {  	_ =	shalt  }
0x76: {  	_ =	shalt  }
0x77: {  	_ =	shalt  }
0x78: {  	_ =	shalt  }
0x79: {  	_ =	shalt  }
0x7a: {  	_ =	shalt  }
0x7b: {  	_ =	shalt  }
0x7c: {  	_ =	shalt  }
0x7d: {  	_ =	shalt  }
0x7e: {  	_ =	shalt  }
0x7f: {  	_ =	shalt  }
0x80: {  	_ =	shalt  }
0x81: {  	_ =	shalt  }
0x82: {  	_ =	shalt  }
0x83: {  	_ =	shalt  }
0x84: {  	_ =	shalt  }
0x85: {  	_ =	shalt  }
0x86: {  	_ =	shalt  }
0x87: {  	_ =	shalt  }
.Lfunc_end0:
.L_simem_size_0:
called_computation_lowered:
.L_overlay_start_0:
0x88: {  	s2 =	sld [smem:$0x3FD9]  }
0x89: {  	s3 =	sld [smem:$0x3FFE];
	_ =	sdelay $0x1  }
0x8a: {  	s1 =	srdreg.scid  }
0x8b: {  	s0 =	sand.u32 $0x1, s1  }
0x8c: {  	s14 =	sshll.u32 s0, $0xA;
	s2 =	sadd.s32 s3, s2  }
0x8d: {  	s2 =	sadd.s32 s2, s14  }
0x8e: {  	[smem:$0x3FC5] =	sst s2  }
0x8f: {  	_ = 	snop  }
0x90: {  	s2 =	sld [smem:$0x3FD0];
	_ =	sdelay $0x2  }
0x91: {  	s4 =	simm.s32 $0xA;
	s5 =	simm.s32 $0x10;
	s15 =	sld [smem:$0x3FC7]  }
0x92: {  	[smem:s5], [sflag:s4] =	dma.local [hbm:s2], $0x1  }
0x93: {  	_ =	swait.eq [sflag:s4], $0x1  }
0x94: {  	[sflag:s4] =	ssyncset.done $0x0  }
0x95: {  	[sflag:s4] =	ssyncadd.s32 $0xFFFFFFFF  }
0x96: {  	s16 =	sld [smem:$0x10];
	(tm) =	ssettm $0x1  }
0x97: {  	s17 =	sld [smem:$0x3FFB];
	_ =	sdelay $0x3  }
0x98: {  	_ =	strace s17  }
0x99: {  	s4 =	sld [smem:$0x3FFC];
	_ =	sdelay $0x3  }
0x9a: {  	_ =	strace s4  }
0x9b: {  	s4 =	sld [smem:$0x3FFD];
	_ =	sdelay $0x3  }
0x9c: {  	_ =	strace s4  }
0x9d: {  	_ =	strace $0x8FFFFFFF  }
0x9e: {  	s18 =	sld [smem:$0x3FDB];
	_ =	sdelay $0x1  }
0x9f: {  	s19 =	simm.s32 $_scs_section_size  }
0xa0: {  	s6 =	simm.s32 $_size__tile_overlayer_lowered;
	s7 =	simm.s32 $_tile_overlayer_lowered  }
0xa1: {  	s22 =	simm.s32 $0x1BFF;
	s21 =	sshll.u32 s7, $0x1;
	s4 =	sadd.s32 s19, s18  }
0xa2: {  	s8 =	simm.s32 $0x0;
	s20 =	sshll.u32 s6, $0x1;
	s6 =	sadd.s32 s21, s4  }
0xa3: {  	[timem:s8], [sflag:s22] =	dma.local [hbm:s6], s20  }
0xa4: {  	_ =	swait.ge [sflag:s22], s20  }
0xa5: {  	s5 =	ssub.s32 $0x0, s20;
	[sflag:s22] =	ssyncset.done $0x0  }
0xa6: {  	[sflag:s22] =	ssyncadd.s32 s5;
	_ =	sdelay $0x1  }
0xa7: {  	s23 =	simm.s32 $0x1B8B  }
0xa8: {  	_ =	swait.ge [sflag:s23], $0x1  }
0xa9: {  	[sflag:s23] =	ssyncset.done $0x0  }
0xaa: {  	s25 =	simm.s32 $0x1B8E;
	s24 =	sld [smem:$0x3FFE];
	[sflag:s23] =	ssyncadd.s32 $0xFFFFFFFF  }
0xab: {  	s26 =	simm.s32 $execute0_lowered;
	[smem:$0x3FD2] =	sst s25  }
0xac: {  	s6 =	sshll.u32 s26, $0x1;
	_ =	strace $0x80000046;
	[dreg:$0x1] =	wrdreg $0xFFFFFFFF  }
0xad: {  	s28 =	simm.s32 $_size_execute0_lowered;
	s4 =	sadd.s32 s4, s6;
	[dreg:$0x0] =	wrdreg $0x0  }
0xae: {  	s6 =	sshll.u32 s28, $0x1;
	[dreg:$0x2] =	wrdreg s4  }
0xaf: {  	[dreg:$0x3] =	wrdreg s6  }
0xb0: {  	[dreg:$0x4] =	wrdreg $0xC0  }
0xb1: {  	_ =	task [dreg:s8], $0x5FFFF  }
0xb2: {  	[dreg:$0x1] =	wrdreg $0xFFFFFFFF  }
0xb3: {  	[dreg:$0x0] =	wrdreg $0x60  }
0xb4: {  	[dreg:$0x2] =	wrdreg s15  }
0xb5: {  	[dreg:$0x3] =	wrdreg s24  }
0xb6: {  	[dreg:$0x4] =	wrdreg s16  }
0xb7: {  	[dreg:$0x5] =	wrdreg $0x9  }
0xb8: {  	_ =	task.clear_ibuf [dreg:s8], $0x6FFFF;
	_ =	strace $0x90000046  }
0xb9: {  	s29 =	simm.s32 $0x9;
	_ =	strace $0x80000048  }
0xba: {  	_ =	swait.ge [sflag:s29], $0x1  }
0xbb: {  	[sflag:s29] =	ssyncadd.s32 $0xFFFFFFFF  }
0xbc: {  	_ =	strace $0x90000048  }
0xbd: {  	_ =	sfence  }
0xbe: {  	s30 =	sld [smem:$0x0];
	_ =	sdelay $0x2  }
0xbf: {  	s31 =	sshll.u32 s1, $0xD;
	s1 =	sshrl.u32 s1, $0x2  }
0xc0: {  	s3 =	sand.u32 $0x4000, s31;
	s1 =	sadd.s32 s1, s30  }
0xc1: {  	s0 =	sor.u32 s3, s0;
	s1 =	sshll.u32 s1, $0x11  }
0xc2: {  	s0 =	sor.u32 s1, s0  }
0xc3: {  	s0 =	sadd.s32 $0x8F2B, s0  }
0xc4: {  	[sflag:s0] =	ssyncadd.remote.s32 $0x1  }
0xc5: {  	_ =	sfence.sel $0xFFFF  }
0xc6: {  	[dreg:$0x0] =	wrdreg $0xFFFFFFFF;
	(pc) =	sbr.abs _section_cstart, $3  }
0xc7: {  	[dreg:$0x1] =	wrdreg $0xFFFFFFFF  }
0xc8: {  	_ =	task.clear_ibuf [dreg:s8], $0x2FFFF;
	_ =	strace $0x9FFFFFFF  }
0xc9: {  	(tm) =	ssettm $0x7FFFFFFF  }
tec
execute0_lowered:
.L_overlay_start_1:
0x0: {  	(tag) =	ssettag $0x1  }
0x1: {  	s1 =	rddreg [dreg:$0x0]  }
0x2: {  	s0 =	srdreg.scid;
	s3 =	stileid.u32  }
0x3: {  	s2 =	rddreg [dreg:$0x1];
	s0 =	sand.u32 $0x1, s0;
	s3 =	sshll.u32 s3, $0x1  }
0x4: {  	s4 =	rddreg [dreg:$0x2];
	s5 =	sor.u32 s0, s3  }
0x5: {  	s3 =	simm.s32 $0x0;
	s6 =	sshll.u32 s5, $0x8;
	s5 =	sshll.u32 s5, $0x10  }
0x6: {  	[smem:$0x7FF] =	sst s3;
	s2 =	sadd.s32 s6, s2;
	s12 =	sadd.s32 s4, s5  }
0x7: {  	_ =	strace $0x80000047;
	s2 =	sadd.s32 $0x600, s2;
	[dreg:$0x14] =	wrdreg s12  }
0x8: {  	s14 =	sadd.s32 $0x1000, s12;
	[dreg:$0x4] =	wrdreg s2  }
0x9: {  	s15 =	sadd.s32 $0x2000, s12;
	[dreg:$0x5] =	wrdreg s14  }
0xa: {  	s31 =	simm.s32 $0x1;
	s16 =	sadd.s32 $0x3000, s12;
	[dreg:$0x6] =	wrdreg s15  }
0xb: {  	s13 =	simm.s32 $0x3;
	s17 =	sadd.s32 $0x4000, s12;
	[dreg:$0x7] =	wrdreg s16  }
0xc: {  	s7 =	sadd.s32 $0x300, s1;
	s18 =	sadd.s32 $0x5000, s12;
	[dreg:$0x8] =	wrdreg s17  }
0xd: {  	s8 =	sadd.s32 $0x400, s1;
	s19 =	sadd.s32 $0x6000, s12;
	[dreg:$0x9] =	wrdreg s18  }
0xe: {  	s9 =	sadd.s32 $0x500, s1;
	s21 =	sadd.s32 $0x7000, s12;
	[dreg:$0xa] =	wrdreg s19  }
0xf: {  	s10 =	sadd.s32 $0x600, s1;
	s22 =	sadd.s32 $0x8000, s12;
	[dreg:$0xb] =	wrdreg s21  }
0x10: {  	s11 =	sadd.s32 $0x700, s1;
	s23 =	sadd.s32 $0x9000, s12;
	[dreg:$0xc] =	wrdreg s22  }
0x11: {  	s0 =	ssub.s32 $0x2, s0;
	s24 =	sadd.s32 $0xA000, s12;
	[dreg:$0xd] =	wrdreg s23  }
0x12: {  	s20 =	sshrl.u32 s0, $0x1;
	s25 =	sadd.s32 $0xB000, s12;
	[dreg:$0xe] =	wrdreg s24  }
0x13: {  	s0 =	ssub.s32 s0, s20;
	s26 =	sadd.s32 $0xC000, s12;
	[dreg:$0xf] =	wrdreg s25  }
0x14: {  	s5 =	sadd.s32 $0x100, s1;
	s28 =	sadd.s32 $0xD000, s12;
	[dreg:$0x10] =	wrdreg s26  }
0x15: {  	s6 =	sadd.s32 $0x200, s1;
	s29 =	sadd.s32 $0xE000, s12;
	[dreg:$0x11] =	wrdreg s28  }
0x16: {  	v2 =	vlaneseq.u32;
	s30 =	sadd.s32 $0xF000, s12;
	s12 =	simm.s32 $0x800;
	[dreg:$0x12] =	wrdreg s29  }
0x17: {  	vm0 =	vmmov $0xffff;
	v1 =	vshrl.u32 v2, $0x3;
	[dreg:$0x13] =	wrdreg s30;
	s2 =	smax.u32 s0, $0x1;
	s0 =	simm.s32 $0x2  }
0x18: {  	v0 =	vand.u32 $0x7, v2;
	v2 =	vor.u32 $0x8, v2;
	v1 =	vmul.u32 $0x8, v1;
	s15 =	simm.s32 $0x4;
	s16 =	simm.s32 $0x5;
	s17 =	simm.s32 $0x6  }
.LBB2_1:
0x19: {  	[dreg:$0x15] =	wrdreg s2  }
0x1a: {  	s18 =	rddreg [dreg:$0x4];
	s29 =	simm.s32 $0x7  }
0x1b: {  	[tilespmem:s3], [sflag:$0x7] =	stream.linear.gather [hbm4b:s18+s3], $0x800, $0x38;
	[tilespmem:$0x18800] =	vst v63  }
0x1c: {  	_ =	swait.ge [sflag:s29], $0x800  }
0x1d: {  	[sflag:s29] =	ssyncset.done $0x0  }
0x1e: {  	[sflag:s29] =	ssyncadd.s32 $0xFFFFF800  }
0x1f: {  	v3 =	vld [tilespmem:$0x0];
	_ =	sdelay $0x4  }
0x20: {  	v4 =	vshll.u32 v3, $0x4  }
0x21: {  	v3 =	vand.u32 $0x7, v3;
	v4 =	vand.u32 $0xFFFFFF80, v4  }
0x22: {  	v3 =	vor.u32 v3, v4  }
0x23: {  	v4 =	vperm.xlane v3, v0;
	_ =	sdelay $0x1  }
0x24: {  	v4 =	vadd.s32 v1, v4;
	_ =	sdelay $0x4  }
0x25: {  	[tilespmem:s12], [sflag:$0x1] =	stream.indirect_vreg.gather [hbm4b:s1+s3], $0x80, v4, vm0, $0xb8;
	[tilespmem:$0x18800] =	vst v63  }
0x26: {  	s30 =	simm.s32 $0x1000  }
0x27: {  	[tilespmem:s30], [sflag:$0x1] =	stream.indirect_vreg.gather [hbm4b:s5+s3], $0x80, v4, vm0, $0xb8;
	[tilespmem:$0x18800] =	vst v63  }
0x28: {  	s2 =	simm.s32 $0x1800  }
0x29: {  	[tilespmem:s2], [sflag:$0x1] =	stream.indirect_vreg.gather [hbm4b:s6+s3], $0x80, v4, vm0, $0xb8;
	[tilespmem:$0x18800] =	vst v63  }
0x2a: {  	s4 =	simm.s32 $0x2000  }
0x2b: {  	[tilespmem:s4], [sflag:$0x1] =	stream.indirect_vreg.gather [hbm4b:s7+s3], $0x80, v4, vm0, $0xb8;
	[tilespmem:$0x18800] =	vst v63  }
0x2c: {  	s14 =	simm.s32 $0x2800  }
0x2d: {  	[tilespmem:s14], [sflag:$0x1] =	stream.indirect_vreg.gather [hbm4b:s8+s3], $0x80, v4, vm0, $0xb8;
	[tilespmem:$0x18800] =	vst v63  }
0x2e: {  	s19 =	simm.s32 $0x3000;
	v3 =	vperm.xlane v3, v2  }
0x2f: {  	[tilespmem:s19], [sflag:$0x1] =	stream.indirect_vreg.gather [hbm4b:s9+s3], $0x80, v4, vm0, $0xb8;
	[tilespmem:$0x18800] =	vst v63  }
0x30: {  	s20 =	simm.s32 $0x3800;
	v3 =	vadd.s32 v1, v3  }
0x31: {  	[tilespmem:s20], [sflag:$0x1] =	stream.indirect_vreg.gather [hbm4b:s10+s3], $0x80, v4, vm0, $0xb8;
	[tilespmem:$0x18800] =	vst v63  }
0x32: {  	s21 =	simm.s32 $0x4000  }
0x33: {  	[tilespmem:s21], [sflag:$0x1] =	stream.indirect_vreg.gather [hbm4b:s11+s3], $0x80, v4, vm0, $0xb8;
	[tilespmem:$0x18800] =	vst v63  }
0x34: {  	s22 =	simm.s32 $0x4800  }
0x35: {  	[tilespmem:s22], [sflag:$0x1] =	stream.indirect_vreg.gather [hbm4b:s1+s3], $0x80, v3, vm0, $0xb8;
	[tilespmem:$0x18800] =	vst v63  }
0x36: {  	s23 =	simm.s32 $0x5000  }
0x37: {  	[tilespmem:s23], [sflag:$0x1] =	stream.indirect_vreg.gather [hbm4b:s5+s3], $0x80, v3, vm0, $0xb8;
	[tilespmem:$0x18800] =	vst v63  }
0x38: {  	s24 =	simm.s32 $0x5800  }
0x39: {  	[tilespmem:s24], [sflag:$0x1] =	stream.indirect_vreg.gather [hbm4b:s6+s3], $0x80, v3, vm0, $0xb8;
	[tilespmem:$0x18800] =	vst v63  }
0x3a: {  	s25 =	simm.s32 $0x6000  }
0x3b: {  	[tilespmem:s25], [sflag:$0x1] =	stream.indirect_vreg.gather [hbm4b:s7+s3], $0x80, v3, vm0, $0xb8;
	[tilespmem:$0x18800] =	vst v63  }
0x3c: {  	s26 =	simm.s32 $0x6800  }
0x3d: {  	[tilespmem:s26], [sflag:$0x1] =	stream.indirect_vreg.gather [hbm4b:s8+s3], $0x80, v3, vm0, $0xb8;
	[tilespmem:$0x18800] =	vst v63  }
0x3e: {  	s28 =	simm.s32 $0x7000  }
0x3f: {  	[tilespmem:s28], [sflag:$0x1] =	stream.indirect_vreg.gather [hbm4b:s9+s3], $0x80, v3, vm0, $0xb8;
	[tilespmem:$0x18800] =	vst v63  }
0x40: {  	s29 =	simm.s32 $0x7800  }
0x41: {  	[tilespmem:s29], [sflag:$0x1] =	stream.indirect_vreg.gather [hbm4b:s10+s3], $0x80, v3, vm0, $0xb8;
	[tilespmem:$0x18800] =	vst v63  }
0x42: {  	s2 =	simm.s32 $0x8000  }
0x43: {  	[tilespmem:s2], [sflag:$0x1] =	stream.indirect_vreg.gather [hbm4b:s11+s3], $0x80, v3, vm0, $0xb8;
	[tilespmem:$0x18800] =	vst v63  }
0x44: {  	_ =	swait.ge [sflag:s31], $0x8000  }
0x45: {  	[sflag:s31] =	ssyncset.done $0x0  }
0x46: {  	s4 =	rddreg [dreg:$0x14];
	[sflag:s31] =	ssyncadd.s32 $0xFFFF8000  }
0x47: {  	[hbm4b:s4+s3] =	stream.linear.scatter [tilespmem:s12], [sflag:$0x4], $0x8000, $0x38;
	[tilespmem:$0x18800] =	vst v63  }
0x48: {  	v3 =	vld [tilespmem:$0x80];
	_ =	sdelay $0x4  }
0x49: {  	v49 =	vshll.u32 v3, $0x4  }
0x4a: {  	v3 =	vand.u32 $0x7, v3;
	v4 =	vand.u32 $0xFFFFFF80, v49  }
0x4b: {  	v3 =	vor.u32 v3, v4  }
0x4c: {  	v4 =	vperm.xlane v3, v0;
	_ =	sdelay $0x1  }
0x4d: {  	v4 =	vadd.s32 v1, v4;
	_ =	sdelay $0x3  }
0x4e: {  	s4 =	simm.s32 $0x8800  }
0x4f: {  	[tilespmem:s4], [sflag:$0x2] =	stream.indirect_vreg.gather [hbm4b:s1+s3], $0x80, v4, vm0, $0xb8;
	[tilespmem:$0x18800] =	vst v63  }
0x50: {  	s18 =	simm.s32 $0x9000  }
0x51: {  	[tilespmem:s18], [sflag:$0x2] =	stream.indirect_vreg.gather [hbm4b:s5+s3], $0x80, v4, vm0, $0xb8;
	[tilespmem:$0x18800] =	vst v63  }
0x52: {  	s21 =	simm.s32 $0x9800  }
0x53: {  	[tilespmem:s21], [sflag:$0x2] =	stream.indirect_vreg.gather [hbm4b:s6+s3], $0x80, v4, vm0, $0xb8;
	[tilespmem:$0x18800] =	vst v63  }
0x54: {  	s18 =	simm.s32 $0xA000  }
0x55: {  	[tilespmem:s18], [sflag:$0x2] =	stream.indirect_vreg.gather [hbm4b:s7+s3], $0x80, v4, vm0, $0xb8;
	[tilespmem:$0x18800] =	vst v63  }
0x56: {  	s21 =	simm.s32 $0xA800  }
0x57: {  	[tilespmem:s21], [sflag:$0x2] =	stream.indirect_vreg.gather [hbm4b:s8+s3], $0x80, v4, vm0, $0xb8;
	[tilespmem:$0x18800] =	vst v63  }
0x58: {  	v3 =	vperm.xlane v3, v2;
	s18 =	simm.s32 $0xB000  }
0x59: {  	[tilespmem:s18], [sflag:$0x2] =	stream.indirect_vreg.gather [hbm4b:s9+s3], $0x80, v4, vm0, $0xb8;
	[tilespmem:$0x18800] =	vst v63  }
0x5a: {  	v3 =	vadd.s32 v1, v3;
	s18 =	simm.s32 $0xB800  }
0x5b: {  	[tilespmem:s18], [sflag:$0x2] =	stream.indirect_vreg.gather [hbm4b:s10+s3], $0x80, v4, vm0, $0xb8;
	[tilespmem:$0x18800] =	vst v63  }
0x5c: {  	s18 =	simm.s32 $0xC000  }
0x5d: {  	[tilespmem:s18], [sflag:$0x2] =	stream.indirect_vreg.gather [hbm4b:s11+s3], $0x80, v4, vm0, $0xb8;
	[tilespmem:$0x18800] =	vst v63  }
0x5e: {  	s18 =	simm.s32 $0xC800  }
0x5f: {  	[tilespmem:s18], [sflag:$0x2] =	stream.indirect_vreg.gather [hbm4b:s1+s3], $0x80, v3, vm0, $0xb8;
	[tilespmem:$0x18800] =	vst v63  }
0x60: {  	s18 =	simm.s32 $0xD000  }
0x61: {  	[tilespmem:s18], [sflag:$0x2] =	stream.indirect_vreg.gather [hbm4b:s5+s3], $0x80, v3, vm0, $0xb8;
	[tilespmem:$0x18800] =	vst v63  }
0x62: {  	s18 =	simm.s32 $0xD800  }
0x63: {  	[tilespmem:s18], [sflag:$0x2] =	stream.indirect_vreg.gather [hbm4b:s6+s3], $0x80, v3, vm0, $0xb8;
	[tilespmem:$0x18800] =	vst v63  }
0x64: {  	s18 =	simm.s32 $0xE000  }
0x65: {  	[tilespmem:s18], [sflag:$0x2] =	stream.indirect_vreg.gather [hbm4b:s7+s3], $0x80, v3, vm0, $0xb8;
	[tilespmem:$0x18800] =	vst v63  }
0x66: {  	s18 =	simm.s32 $0xE800  }
0x67: {  	[tilespmem:s18], [sflag:$0x2] =	stream.indirect_vreg.gather [hbm4b:s8+s3], $0x80, v3, vm0, $0xb8;
	[tilespmem:$0x18800] =	vst v63  }
0x68: {  	s18 =	simm.s32 $0xF000  }
0x69: {  	[tilespmem:s18], [sflag:$0x2] =	stream.indirect_vreg.gather [hbm4b:s9+s3], $0x80, v3, vm0, $0xb8;
	[tilespmem:$0x18800] =	vst v63  }
0x6a: {  	s18 =	simm.s32 $0xF800  }
0x6b: {  	[tilespmem:s18], [sflag:$0x2] =	stream.indirect_vreg.gather [hbm4b:s10+s3], $0x80, v3, vm0, $0xb8;
	[tilespmem:$0x18800] =	vst v63  }
0x6c: {  	s18 =	simm.s32 $0x10000  }
0x6d: {  	[tilespmem:s18], [sflag:$0x2] =	stream.indirect_vreg.gather [hbm4b:s11+s3], $0x80, v3, vm0, $0xb8;
	[tilespmem:$0x18800] =	vst v63  }
0x6e: {  	_ =	swait.ge [sflag:s0], $0x8000  }
0x6f: {  	[sflag:s0] =	ssyncset.done $0x0  }
0x70: {  	s2 =	rddreg [dreg:$0x5];
	[sflag:s0] =	ssyncadd.s32 $0xFFFF8000  }
0x71: {  	[hbm4b:s2+s3] =	stream.linear.scatter [tilespmem:s4], [sflag:$0x5], $0x8000, $0x38;
	[tilespmem:$0x18800] =	vst v63  }
0x72: {  	v3 =	vld [tilespmem:$0x100];
	_ =	sdelay $0x4  }
0x73: {  	v50 =	vshll.u32 v3, $0x4  }
0x74: {  	v3 =	vand.u32 $0x7, v3;
	v4 =	vand.u32 $0xFFFFFF80, v50  }
0x75: {  	v3 =	vor.u32 v3, v4  }
0x76: {  	v4 =	vperm.xlane v3, v0;
	_ =	sdelay $0x1  }
0x77: {  	v4 =	vadd.s32 v1, v4;
	_ =	sdelay $0x3  }
0x78: {  	s2 =	simm.s32 $0x10800  }
0x79: {  	[tilespmem:s2], [sflag:$0x3] =	stream.indirect_vreg.gather [hbm4b:s1+s3], $0x80, v4, vm0, $0xb8;
	[tilespmem:$0x18800] =	vst v63  }
0x7a: {  	s18 =	simm.s32 $0x11000  }
0x7b: {  	[tilespmem:s18], [sflag:$0x3] =	stream.indirect_vreg.gather [hbm4b:s5+s3], $0x80, v4, vm0, $0xb8;
	[tilespmem:$0x18800] =	vst v63  }
0x7c: {  	s18 =	simm.s32 $0x11800  }
0x7d: {  	[tilespmem:s18], [sflag:$0x3] =	stream.indirect_vreg.gather [hbm4b:s6+s3], $0x80, v4, vm0, $0xb8;
	[tilespmem:$0x18800] =	vst v63  }
0x7e: {  	s18 =	simm.s32 $0x12000  }
0x7f: {  	[tilespmem:s18], [sflag:$0x3] =	stream.indirect_vreg.gather [hbm4b:s7+s3], $0x80, v4, vm0, $0xb8;
	[tilespmem:$0x18800] =	vst v63  }
0x80: {  	s18 =	simm.s32 $0x12800  }
0x81: {  	[tilespmem:s18], [sflag:$0x3] =	stream.indirect_vreg.gather [hbm4b:s8+s3], $0x80, v4, vm0, $0xb8;
	[tilespmem:$0x18800] =	vst v63  }
0x82: {  	v3 =	vperm.xlane v3, v2;
	s18 =	simm.s32 $0x13000  }
0x83: {  	[tilespmem:s18], [sflag:$0x3] =	stream.indirect_vreg.gather [hbm4b:s9+s3], $0x80, v4, vm0, $0xb8;
	[tilespmem:$0x18800] =	vst v63  }
0x84: {  	v3 =	vadd.s32 v1, v3;
	s18 =	simm.s32 $0x13800  }
0x85: {  	[tilespmem:s18], [sflag:$0x3] =	stream.indirect_vreg.gather [hbm4b:s10+s3], $0x80, v4, vm0, $0xb8;
	[tilespmem:$0x18800] =	vst v63  }
0x86: {  	s18 =	simm.s32 $0x14000  }
0x87: {  	[tilespmem:s18], [sflag:$0x3] =	stream.indirect_vreg.gather [hbm4b:s11+s3], $0x80, v4, vm0, $0xb8;
	[tilespmem:$0x18800] =	vst v63  }
0x88: {  	s18 =	simm.s32 $0x14800  }
0x89: {  	[tilespmem:s18], [sflag:$0x3] =	stream.indirect_vreg.gather [hbm4b:s1+s3], $0x80, v3, vm0, $0xb8;
	[tilespmem:$0x18800] =	vst v63  }
0x8a: {  	s18 =	simm.s32 $0x15000  }
0x8b: {  	[tilespmem:s18], [sflag:$0x3] =	stream.indirect_vreg.gather [hbm4b:s5+s3], $0x80, v3, vm0, $0xb8;
	[tilespmem:$0x18800] =	vst v63  }
0x8c: {  	s18 =	simm.s32 $0x15800  }
0x8d: {  	[tilespmem:s18], [sflag:$0x3] =	stream.indirect_vreg.gather [hbm4b:s6+s3], $0x80, v3, vm0, $0xb8;
	[tilespmem:$0x18800] =	vst v63  }
0x8e: {  	s18 =	simm.s32 $0x16000  }
0x8f: {  	[tilespmem:s18], [sflag:$0x3] =	stream.indirect_vreg.gather [hbm4b:s7+s3], $0x80, v3, vm0, $0xb8;
	[tilespmem:$0x18800] =	vst v63  }
0x90: {  	s18 =	simm.s32 $0x16800  }
0x91: {  	[tilespmem:s18], [sflag:$0x3] =	stream.indirect_vreg.gather [hbm4b:s8+s3], $0x80, v3, vm0, $0xb8;
	[tilespmem:$0x18800] =	vst v63  }
0x92: {  	s18 =	simm.s32 $0x17000  }
0x93: {  	[tilespmem:s18], [sflag:$0x3] =	stream.indirect_vreg.gather [hbm4b:s9+s3], $0x80, v3, vm0, $0xb8;
	[tilespmem:$0x18800] =	vst v63  }
0x94: {  	s18 =	simm.s32 $0x17800  }
0x95: {  	[tilespmem:s18], [sflag:$0x3] =	stream.indirect_vreg.gather [hbm4b:s10+s3], $0x80, v3, vm0, $0xb8;
	[tilespmem:$0x18800] =	vst v63  }
0x96: {  	s18 =	simm.s32 $0x18000  }
0x97: {  	[tilespmem:s18], [sflag:$0x3] =	stream.indirect_vreg.gather [hbm4b:s11+s3], $0x80, v3, vm0, $0xb8;
	[tilespmem:$0x18800] =	vst v63  }
0x98: {  	_ =	swait.ge [sflag:s13], $0x8000  }
0x99: {  	[sflag:s13] =	ssyncset.done $0x0  }
0x9a: {  	s18 =	rddreg [dreg:$0x6];
	[sflag:s13] =	ssyncadd.s32 $0xFFFF8000  }
0x9b: {  	[hbm4b:s18+s3] =	stream.linear.scatter [tilespmem:s2], [sflag:$0x6], $0x8000, $0x38;
	[tilespmem:$0x18800] =	vst v63  }
0x9c: {  	_ =	swait.ge [sflag:s15], $0x8000  }
0x9d: {  	[sflag:s15] =	ssyncset.done $0x0  }
0x9e: {  	[sflag:s15] =	ssyncadd.s32 $0xFFFF8000  }
0x9f: {  	v3 =	vld [tilespmem:$0x180];
	_ =	sdelay $0x4  }
0xa0: {  	v51 =	vshll.u32 v3, $0x4  }
0xa1: {  	v3 =	vand.u32 $0x7, v3;
	v4 =	vand.u32 $0xFFFFFF80, v51  }
0xa2: {  	v3 =	vor.u32 v3, v4  }
0xa3: {  	v4 =	vperm.xlane v3, v0;
	_ =	sdelay $0x1  }
0xa4: {  	v4 =	vadd.s32 v1, v4;
	_ =	sdelay $0x4  }
0xa5: {  	[tilespmem:s12], [sflag:$0x1] =	stream.indirect_vreg.gather [hbm4b:s1+s3], $0x80, v4, vm0, $0xb8;
	[tilespmem:$0x18800] =	vst v63  }
0xa6: {  	s18 =	simm.s32 $0x1000  }
0xa7: {  	[tilespmem:s18], [sflag:$0x1] =	stream.indirect_vreg.gather [hbm4b:s5+s3], $0x80, v4, vm0, $0xb8;
	[tilespmem:$0x18800] =	vst v63  }
0xa8: {  	s18 =	simm.s32 $0x1800  }
0xa9: {  	[tilespmem:s18], [sflag:$0x1] =	stream.indirect_vreg.gather [hbm4b:s6+s3], $0x80, v4, vm0, $0xb8;
	[tilespmem:$0x18800] =	vst v63  }
0xaa: {  	s18 =	simm.s32 $0x2000  }
0xab: {  	[tilespmem:s18], [sflag:$0x1] =	stream.indirect_vreg.gather [hbm4b:s7+s3], $0x80, v4, vm0, $0xb8;
	[tilespmem:$0x18800] =	vst v63  }
0xac: {  	s30 =	simm.s32 $0x2800  }
0xad: {  	[tilespmem:s30], [sflag:$0x1] =	stream.indirect_vreg.gather [hbm4b:s8+s3], $0x80, v4, vm0, $0xb8;
	[tilespmem:$0x18800] =	vst v63  }
0xae: {  	s19 =	simm.s32 $0x3000;
	v3 =	vperm.xlane v3, v2  }
0xaf: {  	[tilespmem:s19], [sflag:$0x1] =	stream.indirect_vreg.gather [hbm4b:s9+s3], $0x80, v4, vm0, $0xb8;
	[tilespmem:$0x18800] =	vst v63  }
0xb0: {  	v3 =	vadd.s32 v1, v3;
	s19 =	simm.s32 $0x3800  }
0xb1: {  	[tilespmem:s19], [sflag:$0x1] =	stream.indirect_vreg.gather [hbm4b:s10+s3], $0x80, v4, vm0, $0xb8;
	[tilespmem:$0x18800] =	vst v63  }
0xb2: {  	s14 =	simm.s32 $0x4000  }
0xb3: {  	[tilespmem:s14], [sflag:$0x1] =	stream.indirect_vreg.gather [hbm4b:s11+s3], $0x80, v4, vm0, $0xb8;
	[tilespmem:$0x18800] =	vst v63  }
0xb4: {  	s22 =	simm.s32 $0x4800  }
0xb5: {  	[tilespmem:s22], [sflag:$0x1] =	stream.indirect_vreg.gather [hbm4b:s1+s3], $0x80, v3, vm0, $0xb8;
	[tilespmem:$0x18800] =	vst v63  }
0xb6: {  	s23 =	simm.s32 $0x5000  }
0xb7: {  	[tilespmem:s23], [sflag:$0x1] =	stream.indirect_vreg.gather [hbm4b:s5+s3], $0x80, v3, vm0, $0xb8;
	[tilespmem:$0x18800] =	vst v63  }
0xb8: {  	s24 =	simm.s32 $0x5800  }
0xb9: {  	[tilespmem:s24], [sflag:$0x1] =	stream.indirect_vreg.gather [hbm4b:s6+s3], $0x80, v3, vm0, $0xb8;
	[tilespmem:$0x18800] =	vst v63  }
0xba: {  	s25 =	simm.s32 $0x6000  }
0xbb: {  	[tilespmem:s25], [sflag:$0x1] =	stream.indirect_vreg.gather [hbm4b:s7+s3], $0x80, v3, vm0, $0xb8;
	[tilespmem:$0x18800] =	vst v63  }
0xbc: {  	s26 =	simm.s32 $0x6800  }
0xbd: {  	[tilespmem:s26], [sflag:$0x1] =	stream.indirect_vreg.gather [hbm4b:s8+s3], $0x80, v3, vm0, $0xb8;
	[tilespmem:$0x18800] =	vst v63  }
0xbe: {  	s28 =	simm.s32 $0x7000  }
0xbf: {  	[tilespmem:s28], [sflag:$0x1] =	stream.indirect_vreg.gather [hbm4b:s9+s3], $0x80, v3, vm0, $0xb8;
	[tilespmem:$0x18800] =	vst v63  }
0xc0: {  	s29 =	simm.s32 $0x7800  }
0xc1: {  	[tilespmem:s29], [sflag:$0x1] =	stream.indirect_vreg.gather [hbm4b:s10+s3], $0x80, v3, vm0, $0xb8;
	[tilespmem:$0x18800] =	vst v63  }
0xc2: {  	s20 =	simm.s32 $0x8000  }
0xc3: {  	[tilespmem:s20], [sflag:$0x1] =	stream.indirect_vreg.gather [hbm4b:s11+s3], $0x80, v3, vm0, $0xb8;
	[tilespmem:$0x18800] =	vst v63  }
0xc4: {  	_ =	swait.ge [sflag:s31], $0x8000  }
0xc5: {  	[sflag:s31] =	ssyncset.done $0x0  }
0xc6: {  	s29 =	rddreg [dreg:$0x7];
	[sflag:s31] =	ssyncadd.s32 $0xFFFF8000  }
0xc7: {  	[hbm4b:s29+s3] =	stream.linear.scatter [tilespmem:s12], [sflag:$0x4], $0x8000, $0x38;
	[tilespmem:$0x18800] =	vst v63  }
0xc8: {  	_ =	swait.ge [sflag:s16], $0x8000  }
0xc9: {  	[sflag:s16] =	ssyncset.done $0x0  }
0xca: {  	[sflag:s16] =	ssyncadd.s32 $0xFFFF8000  }
0xcb: {  	v3 =	vld [tilespmem:$0x200];
	_ =	sdelay $0x4  }
0xcc: {  	v52 =	vshll.u32 v3, $0x4  }
0xcd: {  	v3 =	vand.u32 $0x7, v3;
	v4 =	vand.u32 $0xFFFFFF80, v52  }
0xce: {  	v3 =	vor.u32 v3, v4  }
0xcf: {  	v4 =	vperm.xlane v3, v0;
	_ =	sdelay $0x1  }
0xd0: {  	v4 =	vadd.s32 v1, v4;
	_ =	sdelay $0x4  }
0xd1: {  	[tilespmem:s4], [sflag:$0x2] =	stream.indirect_vreg.gather [hbm4b:s1+s3], $0x80, v4, vm0, $0xb8;
	[tilespmem:$0x18800] =	vst v63  }
0xd2: {  	s14 =	simm.s32 $0x9000  }
0xd3: {  	[tilespmem:s14], [sflag:$0x2] =	stream.indirect_vreg.gather [hbm4b:s5+s3], $0x80, v4, vm0, $0xb8;
	[tilespmem:$0x18800] =	vst v63  }
0xd4: {  	s22 =	simm.s32 $0x9800  }
0xd5: {  	[tilespmem:s22], [sflag:$0x2] =	stream.indirect_vreg.gather [hbm4b:s6+s3], $0x80, v4, vm0, $0xb8;
	[tilespmem:$0x18800] =	vst v63  }
0xd6: {  	s23 =	simm.s32 $0xA000  }
0xd7: {  	[tilespmem:s23], [sflag:$0x2] =	stream.indirect_vreg.gather [hbm4b:s7+s3], $0x80, v4, vm0, $0xb8;
	[tilespmem:$0x18800] =	vst v63  }
0xd8: {  	s21 =	simm.s32 $0xA800  }
0xd9: {  	[tilespmem:s21], [sflag:$0x2] =	stream.indirect_vreg.gather [hbm4b:s8+s3], $0x80, v4, vm0, $0xb8;
	[tilespmem:$0x18800] =	vst v63  }
0xda: {  	s30 =	simm.s32 $0xB000;
	v3 =	vperm.xlane v3, v2  }
0xdb: {  	[tilespmem:s30], [sflag:$0x2] =	stream.indirect_vreg.gather [hbm4b:s9+s3], $0x80, v4, vm0, $0xb8;
	[tilespmem:$0x18800] =	vst v63  }
0xdc: {  	s24 =	simm.s32 $0xB800;
	v3 =	vadd.s32 v1, v3  }
0xdd: {  	[tilespmem:s24], [sflag:$0x2] =	stream.indirect_vreg.gather [hbm4b:s10+s3], $0x80, v4, vm0, $0xb8;
	[tilespmem:$0x18800] =	vst v63  }
0xde: {  	s25 =	simm.s32 $0xC000  }
0xdf: {  	[tilespmem:s25], [sflag:$0x2] =	stream.indirect_vreg.gather [hbm4b:s11+s3], $0x80, v4, vm0, $0xb8;
	[tilespmem:$0x18800] =	vst v63  }
0xe0: {  	s26 =	simm.s32 $0xC800  }
0xe1: {  	[tilespmem:s26], [sflag:$0x2] =	stream.indirect_vreg.gather [hbm4b:s1+s3], $0x80, v3, vm0, $0xb8;
	[tilespmem:$0x18800] =	vst v63  }
0xe2: {  	s28 =	simm.s32 $0xD000  }
0xe3: {  	[tilespmem:s28], [sflag:$0x2] =	stream.indirect_vreg.gather [hbm4b:s5+s3], $0x80, v3, vm0, $0xb8;
	[tilespmem:$0x18800] =	vst v63  }
0xe4: {  	s29 =	simm.s32 $0xD800  }
0xe5: {  	[tilespmem:s29], [sflag:$0x2] =	stream.indirect_vreg.gather [hbm4b:s6+s3], $0x80, v3, vm0, $0xb8;
	[tilespmem:$0x18800] =	vst v63  }
0xe6: {  	s30 =	simm.s32 $0xE000  }
0xe7: {  	[tilespmem:s30], [sflag:$0x2] =	stream.indirect_vreg.gather [hbm4b:s7+s3], $0x80, v3, vm0, $0xb8;
	[tilespmem:$0x18800] =	vst v63  }
0xe8: {  	s19 =	simm.s32 $0xE800  }
0xe9: {  	[tilespmem:s19], [sflag:$0x2] =	stream.indirect_vreg.gather [hbm4b:s8+s3], $0x80, v3, vm0, $0xb8;
	[tilespmem:$0x18800] =	vst v63  }
0xea: {  	s20 =	simm.s32 $0xF000  }
0xeb: {  	[tilespmem:s20], [sflag:$0x2] =	stream.indirect_vreg.gather [hbm4b:s9+s3], $0x80, v3, vm0, $0xb8;
	[tilespmem:$0x18800] =	vst v63  }
0xec: {  	s21 =	simm.s32 $0xF800  }
0xed: {  	[tilespmem:s21], [sflag:$0x2] =	stream.indirect_vreg.gather [hbm4b:s10+s3], $0x80, v3, vm0, $0xb8;
	[tilespmem:$0x18800] =	vst v63  }
0xee: {  	s18 =	simm.s32 $0x10000  }
0xef: {  	[tilespmem:s18], [sflag:$0x2] =	stream.indirect_vreg.gather [hbm4b:s11+s3], $0x80, v3, vm0, $0xb8;
	[tilespmem:$0x18800] =	vst v63  }
0xf0: {  	_ =	swait.ge [sflag:s0], $0x8000  }
0xf1: {  	[sflag:s0] =	ssyncset.done $0x0  }
0xf2: {  	s18 =	rddreg [dreg:$0x8];
	[sflag:s0] =	ssyncadd.s32 $0xFFFF8000  }
0xf3: {  	[hbm4b:s18+s3] =	stream.linear.scatter [tilespmem:s4], [sflag:$0x5], $0x8000, $0x38;
	[tilespmem:$0x18800] =	vst v63  }
0xf4: {  	_ =	swait.ge [sflag:s17], $0x8000  }
0xf5: {  	[sflag:s17] =	ssyncset.done $0x0  }
0xf6: {  	[sflag:s17] =	ssyncadd.s32 $0xFFFF8000  }
0xf7: {  	v3 =	vld [tilespmem:$0x280];
	_ =	sdelay $0x4  }
0xf8: {  	v53 =	vshll.u32 v3, $0x4  }
0xf9: {  	v3 =	vand.u32 $0x7, v3;
	v4 =	vand.u32 $0xFFFFFF80, v53  }
0xfa: {  	v3 =	vor.u32 v3, v4  }
0xfb: {  	v4 =	vperm.xlane v3, v0;
	_ =	sdelay $0x1  }
0xfc: {  	v4 =	vadd.s32 v1, v4;
	_ =	sdelay $0x4  }
0xfd: {  	[tilespmem:s2], [sflag:$0x3] =	stream.indirect_vreg.gather [hbm4b:s1+s3], $0x80, v4, vm0, $0xb8;
	[tilespmem:$0x18800] =	vst v63  }
0xfe: {  	s18 =	simm.s32 $0x11000  }
0xff: {  	[tilespmem:s18], [sflag:$0x3] =	stream.indirect_vreg.gather [hbm4b:s5+s3], $0x80, v4, vm0, $0xb8;
	[tilespmem:$0x18800] =	vst v63  }
0x100: {  	s18 =	simm.s32 $0x11800  }
0x101: {  	[tilespmem:s18], [sflag:$0x3] =	stream.indirect_vreg.gather [hbm4b:s6+s3], $0x80, v4, vm0, $0xb8;
	[tilespmem:$0x18800] =	vst v63  }
0x102: {  	s18 =	simm.s32 $0x12000  }
0x103: {  	[tilespmem:s18], [sflag:$0x3] =	stream.indirect_vreg.gather [hbm4b:s7+s3], $0x80, v4, vm0, $0xb8;
	[tilespmem:$0x18800] =	vst v63  }
0x104: {  	s18 =	simm.s32 $0x12800  }
0x105: {  	[tilespmem:s18], [sflag:$0x3] =	stream.indirect_vreg.gather [hbm4b:s8+s3], $0x80, v4, vm0, $0xb8;
	[tilespmem:$0x18800] =	vst v63  }
0x106: {  	v3 =	vperm.xlane v3, v2;
	s18 =	simm.s32 $0x13000  }
0x107: {  	[tilespmem:s18], [sflag:$0x3] =	stream.indirect_vreg.gather [hbm4b:s9+s3], $0x80, v4, vm0, $0xb8;
	[tilespmem:$0x18800] =	vst v63  }
0x108: {  	v3 =	vadd.s32 v1, v3;
	s18 =	simm.s32 $0x13800  }
0x109: {  	[tilespmem:s18], [sflag:$0x3] =	stream.indirect_vreg.gather [hbm4b:s10+s3], $0x80, v4, vm0, $0xb8;
	[tilespmem:$0x18800] =	vst v63  }
0x10a: {  	s18 =	simm.s32 $0x14000  }
0x10b: {  	[tilespmem:s18], [sflag:$0x3] =	stream.indirect_vreg.gather [hbm4b:s11+s3], $0x80, v4, vm0, $0xb8;
	[tilespmem:$0x18800] =	vst v63  }
0x10c: {  	s18 =	simm.s32 $0x14800  }
0x10d: {  	[tilespmem:s18], [sflag:$0x3] =	stream.indirect_vreg.gather [hbm4b:s1+s3], $0x80, v3, vm0, $0xb8;
	[tilespmem:$0x18800] =	vst v63  }
0x10e: {  	s18 =	simm.s32 $0x15000  }
0x10f: {  	[tilespmem:s18], [sflag:$0x3] =	stream.indirect_vreg.gather [hbm4b:s5+s3], $0x80, v3, vm0, $0xb8;
	[tilespmem:$0x18800] =	vst v63  }
0x110: {  	s18 =	simm.s32 $0x15800  }
0x111: {  	[tilespmem:s18], [sflag:$0x3] =	stream.indirect_vreg.gather [hbm4b:s6+s3], $0x80, v3, vm0, $0xb8;
	[tilespmem:$0x18800] =	vst v63  }
0x112: {  	s18 =	simm.s32 $0x16000  }
0x113: {  	[tilespmem:s18], [sflag:$0x3] =	stream.indirect_vreg.gather [hbm4b:s7+s3], $0x80, v3, vm0, $0xb8;
	[tilespmem:$0x18800] =	vst v63  }
0x114: {  	s18 =	simm.s32 $0x16800  }
0x115: {  	[tilespmem:s18], [sflag:$0x3] =	stream.indirect_vreg.gather [hbm4b:s8+s3], $0x80, v3, vm0, $0xb8;
	[tilespmem:$0x18800] =	vst v63  }
0x116: {  	s18 =	simm.s32 $0x17000  }
0x117: {  	[tilespmem:s18], [sflag:$0x3] =	stream.indirect_vreg.gather [hbm4b:s9+s3], $0x80, v3, vm0, $0xb8;
	[tilespmem:$0x18800] =	vst v63  }
0x118: {  	s18 =	simm.s32 $0x17800  }
0x119: {  	[tilespmem:s18], [sflag:$0x3] =	stream.indirect_vreg.gather [hbm4b:s10+s3], $0x80, v3, vm0, $0xb8;
	[tilespmem:$0x18800] =	vst v63  }
0x11a: {  	s18 =	simm.s32 $0x18000  }
0x11b: {  	[tilespmem:s18], [sflag:$0x3] =	stream.indirect_vreg.gather [hbm4b:s11+s3], $0x80, v3, vm0, $0xb8;
	[tilespmem:$0x18800] =	vst v63  }
0x11c: {  	_ =	swait.ge [sflag:s13], $0x8000  }
0x11d: {  	[sflag:s13] =	ssyncset.done $0x0  }
0x11e: {  	s18 =	rddreg [dreg:$0x9];
	[sflag:s13] =	ssyncadd.s32 $0xFFFF8000  }
0x11f: {  	[hbm4b:s18+s3] =	stream.linear.scatter [tilespmem:s2], [sflag:$0x6], $0x8000, $0x38;
	[tilespmem:$0x18800] =	vst v63  }
0x120: {  	_ =	swait.ge [sflag:s15], $0x8000  }
0x121: {  	[sflag:s15] =	ssyncset.done $0x0  }
0x122: {  	[sflag:s15] =	ssyncadd.s32 $0xFFFF8000  }
0x123: {  	v3 =	vld [tilespmem:$0x300];
	_ =	sdelay $0x4  }
0x124: {  	v54 =	vshll.u32 v3, $0x4  }
0x125: {  	v3 =	vand.u32 $0x7, v3;
	v4 =	vand.u32 $0xFFFFFF80, v54  }
0x126: {  	v3 =	vor.u32 v3, v4  }
0x127: {  	v4 =	vperm.xlane v3, v0;
	_ =	sdelay $0x1  }
0x128: {  	v4 =	vadd.s32 v1, v4;
	_ =	sdelay $0x4  }
0x129: {  	[tilespmem:s12], [sflag:$0x1] =	stream.indirect_vreg.gather [hbm4b:s1+s3], $0x80, v4, vm0, $0xb8;
	[tilespmem:$0x18800] =	vst v63  }
0x12a: {  	s18 =	simm.s32 $0x1000  }
0x12b: {  	[tilespmem:s18], [sflag:$0x1] =	stream.indirect_vreg.gather [hbm4b:s5+s3], $0x80, v4, vm0, $0xb8;
	[tilespmem:$0x18800] =	vst v63  }
0x12c: {  	s18 =	simm.s32 $0x1800  }
0x12d: {  	[tilespmem:s18], [sflag:$0x1] =	stream.indirect_vreg.gather [hbm4b:s6+s3], $0x80, v4, vm0, $0xb8;
	[tilespmem:$0x18800] =	vst v63  }
0x12e: {  	s18 =	simm.s32 $0x2000  }
0x12f: {  	[tilespmem:s18], [sflag:$0x1] =	stream.indirect_vreg.gather [hbm4b:s7+s3], $0x80, v4, vm0, $0xb8;
	[tilespmem:$0x18800] =	vst v63  }
0x130: {  	s18 =	simm.s32 $0x2800  }
0x131: {  	[tilespmem:s18], [sflag:$0x1] =	stream.indirect_vreg.gather [hbm4b:s8+s3], $0x80, v4, vm0, $0xb8;
	[tilespmem:$0x18800] =	vst v63  }
0x132: {  	v3 =	vperm.xlane v3, v2;
	s18 =	simm.s32 $0x3000  }
0x133: {  	[tilespmem:s18], [sflag:$0x1] =	stream.indirect_vreg.gather [hbm4b:s9+s3], $0x80, v4, vm0, $0xb8;
	[tilespmem:$0x18800] =	vst v63  }
0x134: {  	v3 =	vadd.s32 v1, v3;
	s18 =	simm.s32 $0x3800  }
0x135: {  	[tilespmem:s18], [sflag:$0x1] =	stream.indirect_vreg.gather [hbm4b:s10+s3], $0x80, v4, vm0, $0xb8;
	[tilespmem:$0x18800] =	vst v63  }
0x136: {  	s18 =	simm.s32 $0x4000  }
0x137: {  	[tilespmem:s18], [sflag:$0x1] =	stream.indirect_vreg.gather [hbm4b:s11+s3], $0x80, v4, vm0, $0xb8;
	[tilespmem:$0x18800] =	vst v63  }
0x138: {  	s18 =	simm.s32 $0x4800  }
0x139: {  	[tilespmem:s18], [sflag:$0x1] =	stream.indirect_vreg.gather [hbm4b:s1+s3], $0x80, v3, vm0, $0xb8;
	[tilespmem:$0x18800] =	vst v63  }
0x13a: {  	s18 =	simm.s32 $0x5000  }
0x13b: {  	[tilespmem:s18], [sflag:$0x1] =	stream.indirect_vreg.gather [hbm4b:s5+s3], $0x80, v3, vm0, $0xb8;
	[tilespmem:$0x18800] =	vst v63  }
0x13c: {  	s18 =	simm.s32 $0x5800  }
0x13d: {  	[tilespmem:s18], [sflag:$0x1] =	stream.indirect_vreg.gather [hbm4b:s6+s3], $0x80, v3, vm0, $0xb8;
	[tilespmem:$0x18800] =	vst v63  }
0x13e: {  	s18 =	simm.s32 $0x6000  }
0x13f: {  	[tilespmem:s18], [sflag:$0x1] =	stream.indirect_vreg.gather [hbm4b:s7+s3], $0x80, v3, vm0, $0xb8;
	[tilespmem:$0x18800] =	vst v63  }
0x140: {  	s18 =	simm.s32 $0x6800  }
0x141: {  	[tilespmem:s18], [sflag:$0x1] =	stream.indirect_vreg.gather [hbm4b:s8+s3], $0x80, v3, vm0, $0xb8;
	[tilespmem:$0x18800] =	vst v63  }
0x142: {  	s18 =	simm.s32 $0x7000  }
0x143: {  	[tilespmem:s18], [sflag:$0x1] =	stream.indirect_vreg.gather [hbm4b:s9+s3], $0x80, v3, vm0, $0xb8;
	[tilespmem:$0x18800] =	vst v63  }
0x144: {  	s18 =	simm.s32 $0x7800  }
0x145: {  	[tilespmem:s18], [sflag:$0x1] =	stream.indirect_vreg.gather [hbm4b:s10+s3], $0x80, v3, vm0, $0xb8;
	[tilespmem:$0x18800] =	vst v63  }
0x146: {  	s18 =	simm.s32 $0x8000  }
0x147: {  	[tilespmem:s18], [sflag:$0x1] =	stream.indirect_vreg.gather [hbm4b:s11+s3], $0x80, v3, vm0, $0xb8;
	[tilespmem:$0x18800] =	vst v63  }
0x148: {  	_ =	swait.ge [sflag:s31], $0x8000  }
0x149: {  	[sflag:s31] =	ssyncset.done $0x0  }
0x14a: {  	s18 =	rddreg [dreg:$0xa];
	[sflag:s31] =	ssyncadd.s32 $0xFFFF8000  }
0x14b: {  	[hbm4b:s18+s3] =	stream.linear.scatter [tilespmem:s12], [sflag:$0x4], $0x8000, $0x38;
	[tilespmem:$0x18800] =	vst v63  }
0x14c: {  	_ =	swait.ge [sflag:s16], $0x8000  }
0x14d: {  	[sflag:s16] =	ssyncset.done $0x0  }
0x14e: {  	[sflag:s16] =	ssyncadd.s32 $0xFFFF8000  }
0x14f: {  	v3 =	vld [tilespmem:$0x380];
	_ =	sdelay $0x4  }
0x150: {  	v55 =	vshll.u32 v3, $0x4  }
0x151: {  	v3 =	vand.u32 $0x7, v3;
	v4 =	vand.u32 $0xFFFFFF80, v55  }
0x152: {  	v3 =	vor.u32 v3, v4  }
0x153: {  	v4 =	vperm.xlane v3, v0;
	_ =	sdelay $0x1  }
0x154: {  	v4 =	vadd.s32 v1, v4;
	_ =	sdelay $0x4  }
0x155: {  	[tilespmem:s4], [sflag:$0x2] =	stream.indirect_vreg.gather [hbm4b:s1+s3], $0x80, v4, vm0, $0xb8;
	[tilespmem:$0x18800] =	vst v63  }
0x156: {  	_ = 	snop  }
0x157: {  	[tilespmem:s14], [sflag:$0x2] =	stream.indirect_vreg.gather [hbm4b:s5+s3], $0x80, v4, vm0, $0xb8;
	[tilespmem:$0x18800] =	vst v63  }
0x158: {  	_ = 	snop  }
0x159: {  	[tilespmem:s22], [sflag:$0x2] =	stream.indirect_vreg.gather [hbm4b:s6+s3], $0x80, v4, vm0, $0xb8;
	[tilespmem:$0x18800] =	vst v63  }
0x15a: {  	_ = 	snop  }
0x15b: {  	[tilespmem:s23], [sflag:$0x2] =	stream.indirect_vreg.gather [hbm4b:s7+s3], $0x80, v4, vm0, $0xb8;
	[tilespmem:$0x18800] =	vst v63  }
0x15c: {  	s18 =	simm.s32 $0xA800  }
0x15d: {  	[tilespmem:s18], [sflag:$0x2] =	stream.indirect_vreg.gather [hbm4b:s8+s3], $0x80, v4, vm0, $0xb8;
	[tilespmem:$0x18800] =	vst v63  }
0x15e: {  	v3 =	vperm.xlane v3, v2;
	s18 =	simm.s32 $0xB000  }
0x15f: {  	[tilespmem:s18], [sflag:$0x2] =	stream.indirect_vreg.gather [hbm4b:s9+s3], $0x80, v4, vm0, $0xb8;
	[tilespmem:$0x18800] =	vst v63  }
0x160: {  	v3 =	vadd.s32 v1, v3  }
0x161: {  	[tilespmem:s24], [sflag:$0x2] =	stream.indirect_vreg.gather [hbm4b:s10+s3], $0x80, v4, vm0, $0xb8;
	[tilespmem:$0x18800] =	vst v63  }
0x162: {  	_ = 	snop  }
0x163: {  	[tilespmem:s25], [sflag:$0x2] =	stream.indirect_vreg.gather [hbm4b:s11+s3], $0x80, v4, vm0, $0xb8;
	[tilespmem:$0x18800] =	vst v63  }
0x164: {  	_ = 	snop  }
0x165: {  	[tilespmem:s26], [sflag:$0x2] =	stream.indirect_vreg.gather [hbm4b:s1+s3], $0x80, v3, vm0, $0xb8;
	[tilespmem:$0x18800] =	vst v63  }
0x166: {  	_ = 	snop  }
0x167: {  	[tilespmem:s28], [sflag:$0x2] =	stream.indirect_vreg.gather [hbm4b:s5+s3], $0x80, v3, vm0, $0xb8;
	[tilespmem:$0x18800] =	vst v63  }
0x168: {  	_ = 	snop  }
0x169: {  	[tilespmem:s29], [sflag:$0x2] =	stream.indirect_vreg.gather [hbm4b:s6+s3], $0x80, v3, vm0, $0xb8;
	[tilespmem:$0x18800] =	vst v63  }
0x16a: {  	_ = 	snop  }
0x16b: {  	[tilespmem:s30], [sflag:$0x2] =	stream.indirect_vreg.gather [hbm4b:s7+s3], $0x80, v3, vm0, $0xb8;
	[tilespmem:$0x18800] =	vst v63  }
0x16c: {  	_ = 	snop  }
0x16d: {  	[tilespmem:s19], [sflag:$0x2] =	stream.indirect_vreg.gather [hbm4b:s8+s3], $0x80, v3, vm0, $0xb8;
	[tilespmem:$0x18800] =	vst v63  }
0x16e: {  	_ = 	snop  }
0x16f: {  	[tilespmem:s20], [sflag:$0x2] =	stream.indirect_vreg.gather [hbm4b:s9+s3], $0x80, v3, vm0, $0xb8;
	[tilespmem:$0x18800] =	vst v63  }
0x170: {  	_ = 	snop  }
0x171: {  	[tilespmem:s21], [sflag:$0x2] =	stream.indirect_vreg.gather [hbm4b:s10+s3], $0x80, v3, vm0, $0xb8;
	[tilespmem:$0x18800] =	vst v63  }
0x172: {  	s19 =	simm.s32 $0x10000  }
0x173: {  	[tilespmem:s19], [sflag:$0x2] =	stream.indirect_vreg.gather [hbm4b:s11+s3], $0x80, v3, vm0, $0xb8;
	[tilespmem:$0x18800] =	vst v63  }
0x174: {  	_ =	swait.ge [sflag:s0], $0x8000  }
0x175: {  	[sflag:s0] =	ssyncset.done $0x0  }
0x176: {  	s19 =	rddreg [dreg:$0xb];
	[sflag:s0] =	ssyncadd.s32 $0xFFFF8000  }
0x177: {  	[hbm4b:s19+s3] =	stream.linear.scatter [tilespmem:s4], [sflag:$0x5], $0x8000, $0x38;
	[tilespmem:$0x18800] =	vst v63  }
0x178: {  	_ =	swait.ge [sflag:s17], $0x8000  }
0x179: {  	[sflag:s17] =	ssyncset.done $0x0  }
0x17a: {  	[sflag:s17] =	ssyncadd.s32 $0xFFFF8000  }
0x17b: {  	v3 =	vld [tilespmem:$0x400];
	_ =	sdelay $0x4  }
0x17c: {  	v56 =	vshll.u32 v3, $0x4  }
0x17d: {  	v3 =	vand.u32 $0x7, v3;
	v4 =	vand.u32 $0xFFFFFF80, v56  }
0x17e: {  	v3 =	vor.u32 v3, v4  }
0x17f: {  	v4 =	vperm.xlane v3, v0;
	_ =	sdelay $0x1  }
0x180: {  	v4 =	vadd.s32 v1, v4;
	_ =	sdelay $0x4  }
0x181: {  	[tilespmem:s2], [sflag:$0x3] =	stream.indirect_vreg.gather [hbm4b:s1+s3], $0x80, v4, vm0, $0xb8;
	[tilespmem:$0x18800] =	vst v63  }
0x182: {  	s19 =	simm.s32 $0x11000  }
0x183: {  	[tilespmem:s19], [sflag:$0x3] =	stream.indirect_vreg.gather [hbm4b:s5+s3], $0x80, v4, vm0, $0xb8;
	[tilespmem:$0x18800] =	vst v63  }
0x184: {  	s19 =	simm.s32 $0x11800  }
0x185: {  	[tilespmem:s19], [sflag:$0x3] =	stream.indirect_vreg.gather [hbm4b:s6+s3], $0x80, v4, vm0, $0xb8;
	[tilespmem:$0x18800] =	vst v63  }
0x186: {  	s19 =	simm.s32 $0x12000  }
0x187: {  	[tilespmem:s19], [sflag:$0x3] =	stream.indirect_vreg.gather [hbm4b:s7+s3], $0x80, v4, vm0, $0xb8;
	[tilespmem:$0x18800] =	vst v63  }
0x188: {  	s19 =	simm.s32 $0x12800  }
0x189: {  	[tilespmem:s19], [sflag:$0x3] =	stream.indirect_vreg.gather [hbm4b:s8+s3], $0x80, v4, vm0, $0xb8;
	[tilespmem:$0x18800] =	vst v63  }
0x18a: {  	v3 =	vperm.xlane v3, v2;
	s19 =	simm.s32 $0x13000  }
0x18b: {  	[tilespmem:s19], [sflag:$0x3] =	stream.indirect_vreg.gather [hbm4b:s9+s3], $0x80, v4, vm0, $0xb8;
	[tilespmem:$0x18800] =	vst v63  }
0x18c: {  	v3 =	vadd.s32 v1, v3;
	s19 =	simm.s32 $0x13800  }
0x18d: {  	[tilespmem:s19], [sflag:$0x3] =	stream.indirect_vreg.gather [hbm4b:s10+s3], $0x80, v4, vm0, $0xb8;
	[tilespmem:$0x18800] =	vst v63  }
0x18e: {  	s19 =	simm.s32 $0x14000  }
0x18f: {  	[tilespmem:s19], [sflag:$0x3] =	stream.indirect_vreg.gather [hbm4b:s11+s3], $0x80, v4, vm0, $0xb8;
	[tilespmem:$0x18800] =	vst v63  }
0x190: {  	s19 =	simm.s32 $0x14800  }
0x191: {  	[tilespmem:s19], [sflag:$0x3] =	stream.indirect_vreg.gather [hbm4b:s1+s3], $0x80, v3, vm0, $0xb8;
	[tilespmem:$0x18800] =	vst v63  }
0x192: {  	s19 =	simm.s32 $0x15000  }
0x193: {  	[tilespmem:s19], [sflag:$0x3] =	stream.indirect_vreg.gather [hbm4b:s5+s3], $0x80, v3, vm0, $0xb8;
	[tilespmem:$0x18800] =	vst v63  }
0x194: {  	s19 =	simm.s32 $0x15800  }
0x195: {  	[tilespmem:s19], [sflag:$0x3] =	stream.indirect_vreg.gather [hbm4b:s6+s3], $0x80, v3, vm0, $0xb8;
	[tilespmem:$0x18800] =	vst v63  }
0x196: {  	s19 =	simm.s32 $0x16000  }
0x197: {  	[tilespmem:s19], [sflag:$0x3] =	stream.indirect_vreg.gather [hbm4b:s7+s3], $0x80, v3, vm0, $0xb8;
	[tilespmem:$0x18800] =	vst v63  }
0x198: {  	s19 =	simm.s32 $0x16800  }
0x199: {  	[tilespmem:s19], [sflag:$0x3] =	stream.indirect_vreg.gather [hbm4b:s8+s3], $0x80, v3, vm0, $0xb8;
	[tilespmem:$0x18800] =	vst v63  }
0x19a: {  	s19 =	simm.s32 $0x17000  }
0x19b: {  	[tilespmem:s19], [sflag:$0x3] =	stream.indirect_vreg.gather [hbm4b:s9+s3], $0x80, v3, vm0, $0xb8;
	[tilespmem:$0x18800] =	vst v63  }
0x19c: {  	s19 =	simm.s32 $0x17800  }
0x19d: {  	[tilespmem:s19], [sflag:$0x3] =	stream.indirect_vreg.gather [hbm4b:s10+s3], $0x80, v3, vm0, $0xb8;
	[tilespmem:$0x18800] =	vst v63  }
0x19e: {  	s19 =	simm.s32 $0x18000  }
0x19f: {  	[tilespmem:s19], [sflag:$0x3] =	stream.indirect_vreg.gather [hbm4b:s11+s3], $0x80, v3, vm0, $0xb8;
	[tilespmem:$0x18800] =	vst v63  }
0x1a0: {  	_ =	swait.ge [sflag:s13], $0x8000  }
0x1a1: {  	[sflag:s13] =	ssyncset.done $0x0  }
0x1a2: {  	s19 =	rddreg [dreg:$0xc];
	[sflag:s13] =	ssyncadd.s32 $0xFFFF8000  }
0x1a3: {  	[hbm4b:s19+s3] =	stream.linear.scatter [tilespmem:s2], [sflag:$0x6], $0x8000, $0x38;
	[tilespmem:$0x18800] =	vst v63  }
0x1a4: {  	_ =	swait.ge [sflag:s15], $0x8000  }
0x1a5: {  	[sflag:s15] =	ssyncset.done $0x0  }
0x1a6: {  	[sflag:s15] =	ssyncadd.s32 $0xFFFF8000  }
0x1a7: {  	v3 =	vld [tilespmem:$0x480];
	_ =	sdelay $0x4  }
0x1a8: {  	v57 =	vshll.u32 v3, $0x4  }
0x1a9: {  	v3 =	vand.u32 $0x7, v3;
	v4 =	vand.u32 $0xFFFFFF80, v57  }
0x1aa: {  	v3 =	vor.u32 v3, v4  }
0x1ab: {  	v4 =	vperm.xlane v3, v0;
	_ =	sdelay $0x1  }
0x1ac: {  	v4 =	vadd.s32 v1, v4;
	_ =	sdelay $0x4  }
0x1ad: {  	[tilespmem:s12], [sflag:$0x1] =	stream.indirect_vreg.gather [hbm4b:s1+s3], $0x80, v4, vm0, $0xb8;
	[tilespmem:$0x18800] =	vst v63  }
0x1ae: {  	s19 =	simm.s32 $0x1000  }
0x1af: {  	[tilespmem:s19], [sflag:$0x1] =	stream.indirect_vreg.gather [hbm4b:s5+s3], $0x80, v4, vm0, $0xb8;
	[tilespmem:$0x18800] =	vst v63  }
0x1b0: {  	s19 =	simm.s32 $0x1800  }
0x1b1: {  	[tilespmem:s19], [sflag:$0x1] =	stream.indirect_vreg.gather [hbm4b:s6+s3], $0x80, v4, vm0, $0xb8;
	[tilespmem:$0x18800] =	vst v63  }
0x1b2: {  	s19 =	simm.s32 $0x2000  }
0x1b3: {  	[tilespmem:s19], [sflag:$0x1] =	stream.indirect_vreg.gather [hbm4b:s7+s3], $0x80, v4, vm0, $0xb8;
	[tilespmem:$0x18800] =	vst v63  }
0x1b4: {  	s19 =	simm.s32 $0x2800  }
0x1b5: {  	[tilespmem:s19], [sflag:$0x1] =	stream.indirect_vreg.gather [hbm4b:s8+s3], $0x80, v4, vm0, $0xb8;
	[tilespmem:$0x18800] =	vst v63  }
0x1b6: {  	v3 =	vperm.xlane v3, v2;
	s19 =	simm.s32 $0x3000  }
0x1b7: {  	[tilespmem:s19], [sflag:$0x1] =	stream.indirect_vreg.gather [hbm4b:s9+s3], $0x80, v4, vm0, $0xb8;
	[tilespmem:$0x18800] =	vst v63  }
0x1b8: {  	v3 =	vadd.s32 v1, v3;
	s19 =	simm.s32 $0x3800  }
0x1b9: {  	[tilespmem:s19], [sflag:$0x1] =	stream.indirect_vreg.gather [hbm4b:s10+s3], $0x80, v4, vm0, $0xb8;
	[tilespmem:$0x18800] =	vst v63  }
0x1ba: {  	s19 =	simm.s32 $0x4000  }
0x1bb: {  	[tilespmem:s19], [sflag:$0x1] =	stream.indirect_vreg.gather [hbm4b:s11+s3], $0x80, v4, vm0, $0xb8;
	[tilespmem:$0x18800] =	vst v63  }
0x1bc: {  	s19 =	simm.s32 $0x4800  }
0x1bd: {  	[tilespmem:s19], [sflag:$0x1] =	stream.indirect_vreg.gather [hbm4b:s1+s3], $0x80, v3, vm0, $0xb8;
	[tilespmem:$0x18800] =	vst v63  }
0x1be: {  	s19 =	simm.s32 $0x5000  }
0x1bf: {  	[tilespmem:s19], [sflag:$0x1] =	stream.indirect_vreg.gather [hbm4b:s5+s3], $0x80, v3, vm0, $0xb8;
	[tilespmem:$0x18800] =	vst v63  }
0x1c0: {  	s19 =	simm.s32 $0x5800  }
0x1c1: {  	[tilespmem:s19], [sflag:$0x1] =	stream.indirect_vreg.gather [hbm4b:s6+s3], $0x80, v3, vm0, $0xb8;
	[tilespmem:$0x18800] =	vst v63  }
0x1c2: {  	s19 =	simm.s32 $0x6000  }
0x1c3: {  	[tilespmem:s19], [sflag:$0x1] =	stream.indirect_vreg.gather [hbm4b:s7+s3], $0x80, v3, vm0, $0xb8;
	[tilespmem:$0x18800] =	vst v63  }
0x1c4: {  	s19 =	simm.s32 $0x6800  }
0x1c5: {  	[tilespmem:s19], [sflag:$0x1] =	stream.indirect_vreg.gather [hbm4b:s8+s3], $0x80, v3, vm0, $0xb8;
	[tilespmem:$0x18800] =	vst v63  }
0x1c6: {  	s19 =	simm.s32 $0x7000  }
0x1c7: {  	[tilespmem:s19], [sflag:$0x1] =	stream.indirect_vreg.gather [hbm4b:s9+s3], $0x80, v3, vm0, $0xb8;
	[tilespmem:$0x18800] =	vst v63  }
0x1c8: {  	s19 =	simm.s32 $0x7800  }
0x1c9: {  	[tilespmem:s19], [sflag:$0x1] =	stream.indirect_vreg.gather [hbm4b:s10+s3], $0x80, v3, vm0, $0xb8;
	[tilespmem:$0x18800] =	vst v63  }
0x1ca: {  	s19 =	simm.s32 $0x8000  }
0x1cb: {  	[tilespmem:s19], [sflag:$0x1] =	stream.indirect_vreg.gather [hbm4b:s11+s3], $0x80, v3, vm0, $0xb8;
	[tilespmem:$0x18800] =	vst v63  }
0x1cc: {  	_ =	swait.ge [sflag:s31], $0x8000  }
0x1cd: {  	[sflag:s31] =	ssyncset.done $0x0  }
0x1ce: {  	s19 =	rddreg [dreg:$0xd];
	[sflag:s31] =	ssyncadd.s32 $0xFFFF8000  }
0x1cf: {  	[hbm4b:s19+s3] =	stream.linear.scatter [tilespmem:s12], [sflag:$0x4], $0x8000, $0x38;
	[tilespmem:$0x18800] =	vst v63  }
0x1d0: {  	_ =	swait.ge [sflag:s16], $0x8000  }
0x1d1: {  	[sflag:s16] =	ssyncset.done $0x0  }
0x1d2: {  	[sflag:s16] =	ssyncadd.s32 $0xFFFF8000  }
0x1d3: {  	v3 =	vld [tilespmem:$0x500];
	_ =	sdelay $0x4  }
0x1d4: {  	v58 =	vshll.u32 v3, $0x4  }
0x1d5: {  	v3 =	vand.u32 $0x7, v3;
	v4 =	vand.u32 $0xFFFFFF80, v58  }
0x1d6: {  	v3 =	vor.u32 v3, v4  }
0x1d7: {  	v4 =	vperm.xlane v3, v0;
	_ =	sdelay $0x1  }
0x1d8: {  	v4 =	vadd.s32 v1, v4;
	_ =	sdelay $0x4  }
0x1d9: {  	[tilespmem:s4], [sflag:$0x2] =	stream.indirect_vreg.gather [hbm4b:s1+s3], $0x80, v4, vm0, $0xb8;
	[tilespmem:$0x18800] =	vst v63  }
0x1da: {  	s14 =	simm.s32 $0x9000  }
0x1db: {  	[tilespmem:s14], [sflag:$0x2] =	stream.indirect_vreg.gather [hbm4b:s5+s3], $0x80, v4, vm0, $0xb8;
	[tilespmem:$0x18800] =	vst v63  }
0x1dc: {  	s22 =	simm.s32 $0x9800  }
0x1dd: {  	[tilespmem:s22], [sflag:$0x2] =	stream.indirect_vreg.gather [hbm4b:s6+s3], $0x80, v4, vm0, $0xb8;
	[tilespmem:$0x18800] =	vst v63  }
0x1de: {  	s23 =	simm.s32 $0xA000  }
0x1df: {  	[tilespmem:s23], [sflag:$0x2] =	stream.indirect_vreg.gather [hbm4b:s7+s3], $0x80, v4, vm0, $0xb8;
	[tilespmem:$0x18800] =	vst v63  }
0x1e0: {  	s23 =	simm.s32 $0xA800  }
0x1e1: {  	[tilespmem:s23], [sflag:$0x2] =	stream.indirect_vreg.gather [hbm4b:s8+s3], $0x80, v4, vm0, $0xb8;
	[tilespmem:$0x18800] =	vst v63  }
0x1e2: {  	v3 =	vperm.xlane v3, v2;
	s23 =	simm.s32 $0xB000  }
0x1e3: {  	[tilespmem:s23], [sflag:$0x2] =	stream.indirect_vreg.gather [hbm4b:s9+s3], $0x80, v4, vm0, $0xb8;
	[tilespmem:$0x18800] =	vst v63  }
0x1e4: {  	s24 =	simm.s32 $0xB800;
	v3 =	vadd.s32 v1, v3  }
0x1e5: {  	[tilespmem:s24], [sflag:$0x2] =	stream.indirect_vreg.gather [hbm4b:s10+s3], $0x80, v4, vm0, $0xb8;
	[tilespmem:$0x18800] =	vst v63  }
0x1e6: {  	s25 =	simm.s32 $0xC000  }
0x1e7: {  	[tilespmem:s25], [sflag:$0x2] =	stream.indirect_vreg.gather [hbm4b:s11+s3], $0x80, v4, vm0, $0xb8;
	[tilespmem:$0x18800] =	vst v63  }
0x1e8: {  	s26 =	simm.s32 $0xC800  }
0x1e9: {  	[tilespmem:s26], [sflag:$0x2] =	stream.indirect_vreg.gather [hbm4b:s1+s3], $0x80, v3, vm0, $0xb8;
	[tilespmem:$0x18800] =	vst v63  }
0x1ea: {  	s28 =	simm.s32 $0xD000  }
0x1eb: {  	[tilespmem:s28], [sflag:$0x2] =	stream.indirect_vreg.gather [hbm4b:s5+s3], $0x80, v3, vm0, $0xb8;
	[tilespmem:$0x18800] =	vst v63  }
0x1ec: {  	s29 =	simm.s32 $0xD800  }
0x1ed: {  	[tilespmem:s29], [sflag:$0x2] =	stream.indirect_vreg.gather [hbm4b:s6+s3], $0x80, v3, vm0, $0xb8;
	[tilespmem:$0x18800] =	vst v63  }
0x1ee: {  	s30 =	simm.s32 $0xE000  }
0x1ef: {  	[tilespmem:s30], [sflag:$0x2] =	stream.indirect_vreg.gather [hbm4b:s7+s3], $0x80, v3, vm0, $0xb8;
	[tilespmem:$0x18800] =	vst v63  }
0x1f0: {  	s30 =	simm.s32 $0xE800  }
0x1f1: {  	[tilespmem:s30], [sflag:$0x2] =	stream.indirect_vreg.gather [hbm4b:s8+s3], $0x80, v3, vm0, $0xb8;
	[tilespmem:$0x18800] =	vst v63  }
0x1f2: {  	s20 =	simm.s32 $0xF000  }
0x1f3: {  	[tilespmem:s20], [sflag:$0x2] =	stream.indirect_vreg.gather [hbm4b:s9+s3], $0x80, v3, vm0, $0xb8;
	[tilespmem:$0x18800] =	vst v63  }
0x1f4: {  	s21 =	simm.s32 $0xF800  }
0x1f5: {  	[tilespmem:s21], [sflag:$0x2] =	stream.indirect_vreg.gather [hbm4b:s10+s3], $0x80, v3, vm0, $0xb8;
	[tilespmem:$0x18800] =	vst v63  }
0x1f6: {  	s18 =	simm.s32 $0x10000  }
0x1f7: {  	[tilespmem:s18], [sflag:$0x2] =	stream.indirect_vreg.gather [hbm4b:s11+s3], $0x80, v3, vm0, $0xb8;
	[tilespmem:$0x18800] =	vst v63  }
0x1f8: {  	_ =	swait.ge [sflag:s0], $0x8000  }
0x1f9: {  	[sflag:s0] =	ssyncset.done $0x0  }
0x1fa: {  	s18 =	rddreg [dreg:$0xe];
	[sflag:s0] =	ssyncadd.s32 $0xFFFF8000  }
0x1fb: {  	[hbm4b:s18+s3] =	stream.linear.scatter [tilespmem:s4], [sflag:$0x5], $0x8000, $0x38;
	[tilespmem:$0x18800] =	vst v63  }
0x1fc: {  	_ =	swait.ge [sflag:s17], $0x8000  }
0x1fd: {  	[sflag:s17] =	ssyncset.done $0x0  }
0x1fe: {  	[sflag:s17] =	ssyncadd.s32 $0xFFFF8000  }
0x1ff: {  	v3 =	vld [tilespmem:$0x580];
	_ =	sdelay $0x4  }
0x200: {  	v59 =	vshll.u32 v3, $0x4  }
0x201: {  	v3 =	vand.u32 $0x7, v3;
	v4 =	vand.u32 $0xFFFFFF80, v59  }
0x202: {  	v3 =	vor.u32 v3, v4  }
0x203: {  	v4 =	vperm.xlane v3, v0;
	_ =	sdelay $0x1  }
0x204: {  	v4 =	vadd.s32 v1, v4;
	_ =	sdelay $0x4  }
0x205: {  	[tilespmem:s2], [sflag:$0x3] =	stream.indirect_vreg.gather [hbm4b:s1+s3], $0x80, v4, vm0, $0xb8;
	[tilespmem:$0x18800] =	vst v63  }
0x206: {  	s18 =	simm.s32 $0x11000  }
0x207: {  	[tilespmem:s18], [sflag:$0x3] =	stream.indirect_vreg.gather [hbm4b:s5+s3], $0x80, v4, vm0, $0xb8;
	[tilespmem:$0x18800] =	vst v63  }
0x208: {  	s18 =	simm.s32 $0x11800  }
0x209: {  	[tilespmem:s18], [sflag:$0x3] =	stream.indirect_vreg.gather [hbm4b:s6+s3], $0x80, v4, vm0, $0xb8;
	[tilespmem:$0x18800] =	vst v63  }
0x20a: {  	s18 =	simm.s32 $0x12000  }
0x20b: {  	[tilespmem:s18], [sflag:$0x3] =	stream.indirect_vreg.gather [hbm4b:s7+s3], $0x80, v4, vm0, $0xb8;
	[tilespmem:$0x18800] =	vst v63  }
0x20c: {  	s18 =	simm.s32 $0x12800  }
0x20d: {  	[tilespmem:s18], [sflag:$0x3] =	stream.indirect_vreg.gather [hbm4b:s8+s3], $0x80, v4, vm0, $0xb8;
	[tilespmem:$0x18800] =	vst v63  }
0x20e: {  	v3 =	vperm.xlane v3, v2;
	s18 =	simm.s32 $0x13000  }
0x20f: {  	[tilespmem:s18], [sflag:$0x3] =	stream.indirect_vreg.gather [hbm4b:s9+s3], $0x80, v4, vm0, $0xb8;
	[tilespmem:$0x18800] =	vst v63  }
0x210: {  	v3 =	vadd.s32 v1, v3;
	s18 =	simm.s32 $0x13800  }
0x211: {  	[tilespmem:s18], [sflag:$0x3] =	stream.indirect_vreg.gather [hbm4b:s10+s3], $0x80, v4, vm0, $0xb8;
	[tilespmem:$0x18800] =	vst v63  }
0x212: {  	s18 =	simm.s32 $0x14000  }
0x213: {  	[tilespmem:s18], [sflag:$0x3] =	stream.indirect_vreg.gather [hbm4b:s11+s3], $0x80, v4, vm0, $0xb8;
	[tilespmem:$0x18800] =	vst v63  }
0x214: {  	s18 =	simm.s32 $0x14800  }
0x215: {  	[tilespmem:s18], [sflag:$0x3] =	stream.indirect_vreg.gather [hbm4b:s1+s3], $0x80, v3, vm0, $0xb8;
	[tilespmem:$0x18800] =	vst v63  }
0x216: {  	s18 =	simm.s32 $0x15000  }
0x217: {  	[tilespmem:s18], [sflag:$0x3] =	stream.indirect_vreg.gather [hbm4b:s5+s3], $0x80, v3, vm0, $0xb8;
	[tilespmem:$0x18800] =	vst v63  }
0x218: {  	s18 =	simm.s32 $0x15800  }
0x219: {  	[tilespmem:s18], [sflag:$0x3] =	stream.indirect_vreg.gather [hbm4b:s6+s3], $0x80, v3, vm0, $0xb8;
	[tilespmem:$0x18800] =	vst v63  }
0x21a: {  	s18 =	simm.s32 $0x16000  }
0x21b: {  	[tilespmem:s18], [sflag:$0x3] =	stream.indirect_vreg.gather [hbm4b:s7+s3], $0x80, v3, vm0, $0xb8;
	[tilespmem:$0x18800] =	vst v63  }
0x21c: {  	s18 =	simm.s32 $0x16800  }
0x21d: {  	[tilespmem:s18], [sflag:$0x3] =	stream.indirect_vreg.gather [hbm4b:s8+s3], $0x80, v3, vm0, $0xb8;
	[tilespmem:$0x18800] =	vst v63  }
0x21e: {  	s18 =	simm.s32 $0x17000  }
0x21f: {  	[tilespmem:s18], [sflag:$0x3] =	stream.indirect_vreg.gather [hbm4b:s9+s3], $0x80, v3, vm0, $0xb8;
	[tilespmem:$0x18800] =	vst v63  }
0x220: {  	s18 =	simm.s32 $0x17800  }
0x221: {  	[tilespmem:s18], [sflag:$0x3] =	stream.indirect_vreg.gather [hbm4b:s10+s3], $0x80, v3, vm0, $0xb8;
	[tilespmem:$0x18800] =	vst v63  }
0x222: {  	s18 =	simm.s32 $0x18000  }
0x223: {  	[tilespmem:s18], [sflag:$0x3] =	stream.indirect_vreg.gather [hbm4b:s11+s3], $0x80, v3, vm0, $0xb8;
	[tilespmem:$0x18800] =	vst v63  }
0x224: {  	_ =	swait.ge [sflag:s13], $0x8000  }
0x225: {  	[sflag:s13] =	ssyncset.done $0x0  }
0x226: {  	s18 =	rddreg [dreg:$0xf];
	[sflag:s13] =	ssyncadd.s32 $0xFFFF8000  }
0x227: {  	[hbm4b:s18+s3] =	stream.linear.scatter [tilespmem:s2], [sflag:$0x6], $0x8000, $0x38;
	[tilespmem:$0x18800] =	vst v63  }
0x228: {  	_ =	swait.ge [sflag:s15], $0x8000  }
0x229: {  	[sflag:s15] =	ssyncset.done $0x0  }
0x22a: {  	[sflag:s15] =	ssyncadd.s32 $0xFFFF8000  }
0x22b: {  	v3 =	vld [tilespmem:$0x600];
	_ =	sdelay $0x4  }
0x22c: {  	v60 =	vshll.u32 v3, $0x4  }
0x22d: {  	v3 =	vand.u32 $0x7, v3;
	v4 =	vand.u32 $0xFFFFFF80, v60  }
0x22e: {  	v3 =	vor.u32 v3, v4  }
0x22f: {  	v4 =	vperm.xlane v3, v0;
	_ =	sdelay $0x1  }
0x230: {  	v4 =	vadd.s32 v1, v4;
	_ =	sdelay $0x4  }
0x231: {  	[tilespmem:s12], [sflag:$0x1] =	stream.indirect_vreg.gather [hbm4b:s1+s3], $0x80, v4, vm0, $0xb8;
	[tilespmem:$0x18800] =	vst v63  }
0x232: {  	s18 =	simm.s32 $0x1000  }
0x233: {  	[tilespmem:s18], [sflag:$0x1] =	stream.indirect_vreg.gather [hbm4b:s5+s3], $0x80, v4, vm0, $0xb8;
	[tilespmem:$0x18800] =	vst v63  }
0x234: {  	s18 =	simm.s32 $0x1800  }
0x235: {  	[tilespmem:s18], [sflag:$0x1] =	stream.indirect_vreg.gather [hbm4b:s6+s3], $0x80, v4, vm0, $0xb8;
	[tilespmem:$0x18800] =	vst v63  }
0x236: {  	s18 =	simm.s32 $0x2000  }
0x237: {  	[tilespmem:s18], [sflag:$0x1] =	stream.indirect_vreg.gather [hbm4b:s7+s3], $0x80, v4, vm0, $0xb8;
	[tilespmem:$0x18800] =	vst v63  }
0x238: {  	s18 =	simm.s32 $0x2800  }
0x239: {  	[tilespmem:s18], [sflag:$0x1] =	stream.indirect_vreg.gather [hbm4b:s8+s3], $0x80, v4, vm0, $0xb8;
	[tilespmem:$0x18800] =	vst v63  }
0x23a: {  	v3 =	vperm.xlane v3, v2;
	s18 =	simm.s32 $0x3000  }
0x23b: {  	[tilespmem:s18], [sflag:$0x1] =	stream.indirect_vreg.gather [hbm4b:s9+s3], $0x80, v4, vm0, $0xb8;
	[tilespmem:$0x18800] =	vst v63  }
0x23c: {  	v3 =	vadd.s32 v1, v3;
	s18 =	simm.s32 $0x3800  }
0x23d: {  	[tilespmem:s18], [sflag:$0x1] =	stream.indirect_vreg.gather [hbm4b:s10+s3], $0x80, v4, vm0, $0xb8;
	[tilespmem:$0x18800] =	vst v63  }
0x23e: {  	s18 =	simm.s32 $0x4000  }
0x23f: {  	[tilespmem:s18], [sflag:$0x1] =	stream.indirect_vreg.gather [hbm4b:s11+s3], $0x80, v4, vm0, $0xb8;
	[tilespmem:$0x18800] =	vst v63  }
0x240: {  	s18 =	simm.s32 $0x4800  }
0x241: {  	[tilespmem:s18], [sflag:$0x1] =	stream.indirect_vreg.gather [hbm4b:s1+s3], $0x80, v3, vm0, $0xb8;
	[tilespmem:$0x18800] =	vst v63  }
0x242: {  	s18 =	simm.s32 $0x5000  }
0x243: {  	[tilespmem:s18], [sflag:$0x1] =	stream.indirect_vreg.gather [hbm4b:s5+s3], $0x80, v3, vm0, $0xb8;
	[tilespmem:$0x18800] =	vst v63  }
0x244: {  	s18 =	simm.s32 $0x5800  }
0x245: {  	[tilespmem:s18], [sflag:$0x1] =	stream.indirect_vreg.gather [hbm4b:s6+s3], $0x80, v3, vm0, $0xb8;
	[tilespmem:$0x18800] =	vst v63  }
0x246: {  	s18 =	simm.s32 $0x6000  }
0x247: {  	[tilespmem:s18], [sflag:$0x1] =	stream.indirect_vreg.gather [hbm4b:s7+s3], $0x80, v3, vm0, $0xb8;
	[tilespmem:$0x18800] =	vst v63  }
0x248: {  	s18 =	simm.s32 $0x6800  }
0x249: {  	[tilespmem:s18], [sflag:$0x1] =	stream.indirect_vreg.gather [hbm4b:s8+s3], $0x80, v3, vm0, $0xb8;
	[tilespmem:$0x18800] =	vst v63  }
0x24a: {  	s18 =	simm.s32 $0x7000  }
0x24b: {  	[tilespmem:s18], [sflag:$0x1] =	stream.indirect_vreg.gather [hbm4b:s9+s3], $0x80, v3, vm0, $0xb8;
	[tilespmem:$0x18800] =	vst v63  }
0x24c: {  	s18 =	simm.s32 $0x7800  }
0x24d: {  	[tilespmem:s18], [sflag:$0x1] =	stream.indirect_vreg.gather [hbm4b:s10+s3], $0x80, v3, vm0, $0xb8;
	[tilespmem:$0x18800] =	vst v63  }
0x24e: {  	s18 =	simm.s32 $0x8000  }
0x24f: {  	[tilespmem:s18], [sflag:$0x1] =	stream.indirect_vreg.gather [hbm4b:s11+s3], $0x80, v3, vm0, $0xb8;
	[tilespmem:$0x18800] =	vst v63  }
0x250: {  	_ =	swait.ge [sflag:s31], $0x8000  }
0x251: {  	[sflag:s31] =	ssyncset.done $0x0  }
0x252: {  	s18 =	rddreg [dreg:$0x10];
	[sflag:s31] =	ssyncadd.s32 $0xFFFF8000  }
0x253: {  	[hbm4b:s18+s3] =	stream.linear.scatter [tilespmem:s12], [sflag:$0x4], $0x8000, $0x38;
	[tilespmem:$0x18800] =	vst v63  }
0x254: {  	_ =	swait.ge [sflag:s16], $0x8000  }
0x255: {  	[sflag:s16] =	ssyncset.done $0x0  }
0x256: {  	[sflag:s16] =	ssyncadd.s32 $0xFFFF8000  }
0x257: {  	v3 =	vld [tilespmem:$0x680];
	_ =	sdelay $0x4  }
0x258: {  	v61 =	vshll.u32 v3, $0x4  }
0x259: {  	v3 =	vand.u32 $0x7, v3;
	v4 =	vand.u32 $0xFFFFFF80, v61  }
0x25a: {  	v3 =	vor.u32 v3, v4  }
0x25b: {  	v4 =	vperm.xlane v3, v0;
	_ =	sdelay $0x1  }
0x25c: {  	v4 =	vadd.s32 v1, v4;
	_ =	sdelay $0x4  }
0x25d: {  	[tilespmem:s4], [sflag:$0x2] =	stream.indirect_vreg.gather [hbm4b:s1+s3], $0x80, v4, vm0, $0xb8;
	[tilespmem:$0x18800] =	vst v63  }
0x25e: {  	s14 =	simm.s32 $0x9000  }
0x25f: {  	[tilespmem:s14], [sflag:$0x2] =	stream.indirect_vreg.gather [hbm4b:s5+s3], $0x80, v4, vm0, $0xb8;
	[tilespmem:$0x18800] =	vst v63  }
0x260: {  	s19 =	simm.s32 $0x9800  }
0x261: {  	[tilespmem:s19], [sflag:$0x2] =	stream.indirect_vreg.gather [hbm4b:s6+s3], $0x80, v4, vm0, $0xb8;
	[tilespmem:$0x18800] =	vst v63  }
0x262: {  	s22 =	simm.s32 $0xA000  }
0x263: {  	[tilespmem:s22], [sflag:$0x2] =	stream.indirect_vreg.gather [hbm4b:s7+s3], $0x80, v4, vm0, $0xb8;
	[tilespmem:$0x18800] =	vst v63  }
0x264: {  	s18 =	simm.s32 $0xA800  }
0x265: {  	[tilespmem:s18], [sflag:$0x2] =	stream.indirect_vreg.gather [hbm4b:s8+s3], $0x80, v4, vm0, $0xb8;
	[tilespmem:$0x18800] =	vst v63  }
0x266: {  	v3 =	vperm.xlane v3, v2;
	s19 =	simm.s32 $0xB000  }
0x267: {  	[tilespmem:s19], [sflag:$0x2] =	stream.indirect_vreg.gather [hbm4b:s9+s3], $0x80, v4, vm0, $0xb8;
	[tilespmem:$0x18800] =	vst v63  }
0x268: {  	s23 =	simm.s32 $0xB800;
	v3 =	vadd.s32 v1, v3  }
0x269: {  	[tilespmem:s23], [sflag:$0x2] =	stream.indirect_vreg.gather [hbm4b:s10+s3], $0x80, v4, vm0, $0xb8;
	[tilespmem:$0x18800] =	vst v63  }
0x26a: {  	s24 =	simm.s32 $0xC000  }
0x26b: {  	[tilespmem:s24], [sflag:$0x2] =	stream.indirect_vreg.gather [hbm4b:s11+s3], $0x80, v4, vm0, $0xb8;
	[tilespmem:$0x18800] =	vst v63  }
0x26c: {  	s25 =	simm.s32 $0xC800  }
0x26d: {  	[tilespmem:s25], [sflag:$0x2] =	stream.indirect_vreg.gather [hbm4b:s1+s3], $0x80, v3, vm0, $0xb8;
	[tilespmem:$0x18800] =	vst v63  }
0x26e: {  	s26 =	simm.s32 $0xD000  }
0x26f: {  	[tilespmem:s26], [sflag:$0x2] =	stream.indirect_vreg.gather [hbm4b:s5+s3], $0x80, v3, vm0, $0xb8;
	[tilespmem:$0x18800] =	vst v63  }
0x270: {  	s28 =	simm.s32 $0xD800  }
0x271: {  	[tilespmem:s28], [sflag:$0x2] =	stream.indirect_vreg.gather [hbm4b:s6+s3], $0x80, v3, vm0, $0xb8;
	[tilespmem:$0x18800] =	vst v63  }
0x272: {  	s29 =	simm.s32 $0xE000  }
0x273: {  	[tilespmem:s29], [sflag:$0x2] =	stream.indirect_vreg.gather [hbm4b:s7+s3], $0x80, v3, vm0, $0xb8;
	[tilespmem:$0x18800] =	vst v63  }
0x274: {  	s30 =	simm.s32 $0xE800  }
0x275: {  	[tilespmem:s30], [sflag:$0x2] =	stream.indirect_vreg.gather [hbm4b:s8+s3], $0x80, v3, vm0, $0xb8;
	[tilespmem:$0x18800] =	vst v63  }
0x276: {  	s20 =	simm.s32 $0xF000  }
0x277: {  	[tilespmem:s20], [sflag:$0x2] =	stream.indirect_vreg.gather [hbm4b:s9+s3], $0x80, v3, vm0, $0xb8;
	[tilespmem:$0x18800] =	vst v63  }
0x278: {  	s21 =	simm.s32 $0xF800  }
0x279: {  	[tilespmem:s21], [sflag:$0x2] =	stream.indirect_vreg.gather [hbm4b:s10+s3], $0x80, v3, vm0, $0xb8;
	[tilespmem:$0x18800] =	vst v63  }
0x27a: {  	s22 =	simm.s32 $0x10000  }
0x27b: {  	[tilespmem:s22], [sflag:$0x2] =	stream.indirect_vreg.gather [hbm4b:s11+s3], $0x80, v3, vm0, $0xb8;
	[tilespmem:$0x18800] =	vst v63  }
0x27c: {  	_ =	swait.ge [sflag:s0], $0x8000  }
0x27d: {  	[sflag:s0] =	ssyncset.done $0x0  }
0x27e: {  	s23 =	rddreg [dreg:$0x11];
	[sflag:s0] =	ssyncadd.s32 $0xFFFF8000  }
0x27f: {  	[hbm4b:s23+s3] =	stream.linear.scatter [tilespmem:s4], [sflag:$0x5], $0x8000, $0x38;
	[tilespmem:$0x18800] =	vst v63  }
0x280: {  	_ =	swait.ge [sflag:s17], $0x8000  }
0x281: {  	[sflag:s17] =	ssyncset.done $0x0  }
0x282: {  	[sflag:s17] =	ssyncadd.s32 $0xFFFF8000  }
0x283: {  	v3 =	vld [tilespmem:$0x700];
	_ =	sdelay $0x4  }
0x284: {  	v62 =	vshll.u32 v3, $0x4  }
0x285: {  	v3 =	vand.u32 $0x7, v3;
	v4 =	vand.u32 $0xFFFFFF80, v62  }
0x286: {  	v3 =	vor.u32 v3, v4  }
0x287: {  	v4 =	vperm.xlane v3, v0;
	_ =	sdelay $0x1  }
0x288: {  	v4 =	vadd.s32 v1, v4;
	_ =	sdelay $0x4  }
0x289: {  	[tilespmem:s2], [sflag:$0x3] =	stream.indirect_vreg.gather [hbm4b:s1+s3], $0x80, v4, vm0, $0xb8;
	[tilespmem:$0x18800] =	vst v63  }
0x28a: {  	s24 =	simm.s32 $0x11000  }
0x28b: {  	[tilespmem:s24], [sflag:$0x3] =	stream.indirect_vreg.gather [hbm4b:s5+s3], $0x80, v4, vm0, $0xb8;
	[tilespmem:$0x18800] =	vst v63  }
0x28c: {  	s25 =	simm.s32 $0x11800  }
0x28d: {  	[tilespmem:s25], [sflag:$0x3] =	stream.indirect_vreg.gather [hbm4b:s6+s3], $0x80, v4, vm0, $0xb8;
	[tilespmem:$0x18800] =	vst v63  }
0x28e: {  	s26 =	simm.s32 $0x12000  }
0x28f: {  	[tilespmem:s26], [sflag:$0x3] =	stream.indirect_vreg.gather [hbm4b:s7+s3], $0x80, v4, vm0, $0xb8;
	[tilespmem:$0x18800] =	vst v63  }
0x290: {  	s28 =	simm.s32 $0x12800  }
0x291: {  	[tilespmem:s28], [sflag:$0x3] =	stream.indirect_vreg.gather [hbm4b:s8+s3], $0x80, v4, vm0, $0xb8;
	[tilespmem:$0x18800] =	vst v63  }
0x292: {  	s29 =	simm.s32 $0x13000;
	v3 =	vperm.xlane v3, v2  }
0x293: {  	[tilespmem:s29], [sflag:$0x3] =	stream.indirect_vreg.gather [hbm4b:s9+s3], $0x80, v4, vm0, $0xb8;
	[tilespmem:$0x18800] =	vst v63  }
0x294: {  	s30 =	simm.s32 $0x13800;
	v3 =	vadd.s32 v1, v3  }
0x295: {  	[tilespmem:s30], [sflag:$0x3] =	stream.indirect_vreg.gather [hbm4b:s10+s3], $0x80, v4, vm0, $0xb8;
	[tilespmem:$0x18800] =	vst v63  }
0x296: {  	s14 =	simm.s32 $0x14000  }
0x297: {  	[tilespmem:s14], [sflag:$0x3] =	stream.indirect_vreg.gather [hbm4b:s11+s3], $0x80, v4, vm0, $0xb8;
	[tilespmem:$0x18800] =	vst v63  }
0x298: {  	s18 =	simm.s32 $0x14800  }
0x299: {  	[tilespmem:s18], [sflag:$0x3] =	stream.indirect_vreg.gather [hbm4b:s1+s3], $0x80, v3, vm0, $0xb8;
	[tilespmem:$0x18800] =	vst v63  }
0x29a: {  	s19 =	simm.s32 $0x15000  }
0x29b: {  	[tilespmem:s19], [sflag:$0x3] =	stream.indirect_vreg.gather [hbm4b:s5+s3], $0x80, v3, vm0, $0xb8;
	[tilespmem:$0x18800] =	vst v63  }
0x29c: {  	s20 =	simm.s32 $0x15800  }
0x29d: {  	[tilespmem:s20], [sflag:$0x3] =	stream.indirect_vreg.gather [hbm4b:s6+s3], $0x80, v3, vm0, $0xb8;
	[tilespmem:$0x18800] =	vst v63  }
0x29e: {  	s21 =	simm.s32 $0x16000  }
0x29f: {  	[tilespmem:s21], [sflag:$0x3] =	stream.indirect_vreg.gather [hbm4b:s7+s3], $0x80, v3, vm0, $0xb8;
	[tilespmem:$0x18800] =	vst v63  }
0x2a0: {  	s22 =	simm.s32 $0x16800  }
0x2a1: {  	[tilespmem:s22], [sflag:$0x3] =	stream.indirect_vreg.gather [hbm4b:s8+s3], $0x80, v3, vm0, $0xb8;
	[tilespmem:$0x18800] =	vst v63  }
0x2a2: {  	s23 =	simm.s32 $0x17000  }
0x2a3: {  	[tilespmem:s23], [sflag:$0x3] =	stream.indirect_vreg.gather [hbm4b:s9+s3], $0x80, v3, vm0, $0xb8;
	[tilespmem:$0x18800] =	vst v63  }
0x2a4: {  	s24 =	simm.s32 $0x17800  }
0x2a5: {  	[tilespmem:s24], [sflag:$0x3] =	stream.indirect_vreg.gather [hbm4b:s10+s3], $0x80, v3, vm0, $0xb8;
	[tilespmem:$0x18800] =	vst v63  }
0x2a6: {  	s25 =	simm.s32 $0x18000  }
0x2a7: {  	[tilespmem:s25], [sflag:$0x3] =	stream.indirect_vreg.gather [hbm4b:s11+s3], $0x80, v3, vm0, $0xb8;
	[tilespmem:$0x18800] =	vst v63  }
0x2a8: {  	_ =	swait.ge [sflag:s13], $0x8000  }
0x2a9: {  	[sflag:s13] =	ssyncset.done $0x0  }
0x2aa: {  	s26 =	rddreg [dreg:$0x12];
	[sflag:s13] =	ssyncadd.s32 $0xFFFF8000  }
0x2ab: {  	[hbm4b:s26+s3] =	stream.linear.scatter [tilespmem:s2], [sflag:$0x6], $0x8000, $0x38;
	[tilespmem:$0x18800] =	vst v63  }
0x2ac: {  	s2 =	rddreg [dreg:$0x15];
	_ =	swait.ge [sflag:s15], $0x8000  }
0x2ad: {  	[sflag:s15] =	ssyncset.done $0x0  }
0x2ae: {  	[sflag:s15] =	ssyncadd.s32 $0xFFFF8000  }
0x2af: {  	v3 =	vld [tilespmem:$0x780];
	_ =	sdelay $0x4  }
0x2b0: {  	v63 =	vshll.u32 v3, $0x4  }
0x2b1: {  	v3 =	vand.u32 $0x7, v3;
	v4 =	vand.u32 $0xFFFFFF80, v63  }
0x2b2: {  	v3 =	vor.u32 v3, v4  }
0x2b3: {  	v4 =	vperm.xlane v3, v0;
	_ =	sdelay $0x1  }
0x2b4: {  	v4 =	vadd.s32 v1, v4;
	_ =	sdelay $0x4  }
0x2b5: {  	[tilespmem:s12], [sflag:$0x1] =	stream.indirect_vreg.gather [hbm4b:s1+s3], $0x80, v4, vm0, $0xb8;
	[tilespmem:$0x18800] =	vst v63  }
0x2b6: {  	s28 =	simm.s32 $0x1000  }
0x2b7: {  	[tilespmem:s28], [sflag:$0x1] =	stream.indirect_vreg.gather [hbm4b:s5+s3], $0x80, v4, vm0, $0xb8;
	[tilespmem:$0x18800] =	vst v63  }
0x2b8: {  	s29 =	simm.s32 $0x1800  }
0x2b9: {  	[tilespmem:s29], [sflag:$0x1] =	stream.indirect_vreg.gather [hbm4b:s6+s3], $0x80, v4, vm0, $0xb8;
	[tilespmem:$0x18800] =	vst v63  }
0x2ba: {  	s30 =	simm.s32 $0x2000  }
0x2bb: {  	[tilespmem:s30], [sflag:$0x1] =	stream.indirect_vreg.gather [hbm4b:s7+s3], $0x80, v4, vm0, $0xb8;
	[tilespmem:$0x18800] =	vst v63  }
0x2bc: {  	s14 =	simm.s32 $0x2800  }
0x2bd: {  	[tilespmem:s14], [sflag:$0x1] =	stream.indirect_vreg.gather [hbm4b:s8+s3], $0x80, v4, vm0, $0xb8;
	[tilespmem:$0x18800] =	vst v63  }
0x2be: {  	s18 =	simm.s32 $0x3000;
	v3 =	vperm.xlane v3, v2  }
0x2bf: {  	[tilespmem:s18], [sflag:$0x1] =	stream.indirect_vreg.gather [hbm4b:s9+s3], $0x80, v4, vm0, $0xb8;
	[tilespmem:$0x18800] =	vst v63  }
0x2c0: {  	s19 =	simm.s32 $0x3800;
	v3 =	vadd.s32 v1, v3  }
0x2c1: {  	[tilespmem:s19], [sflag:$0x1] =	stream.indirect_vreg.gather [hbm4b:s10+s3], $0x80, v4, vm0, $0xb8;
	[tilespmem:$0x18800] =	vst v63  }
0x2c2: {  	s20 =	simm.s32 $0x4000  }
0x2c3: {  	[tilespmem:s20], [sflag:$0x1] =	stream.indirect_vreg.gather [hbm4b:s11+s3], $0x80, v4, vm0, $0xb8;
	[tilespmem:$0x18800] =	vst v63  }
0x2c4: {  	s21 =	simm.s32 $0x4800  }
0x2c5: {  	[tilespmem:s21], [sflag:$0x1] =	stream.indirect_vreg.gather [hbm4b:s1+s3], $0x80, v3, vm0, $0xb8;
	[tilespmem:$0x18800] =	vst v63  }
0x2c6: {  	s22 =	simm.s32 $0x5000  }
0x2c7: {  	[tilespmem:s22], [sflag:$0x1] =	stream.indirect_vreg.gather [hbm4b:s5+s3], $0x80, v3, vm0, $0xb8;
	[tilespmem:$0x18800] =	vst v63  }
0x2c8: {  	s23 =	simm.s32 $0x5800  }
0x2c9: {  	[tilespmem:s23], [sflag:$0x1] =	stream.indirect_vreg.gather [hbm4b:s6+s3], $0x80, v3, vm0, $0xb8;
	[tilespmem:$0x18800] =	vst v63  }
0x2ca: {  	s24 =	simm.s32 $0x6000  }
0x2cb: {  	[tilespmem:s24], [sflag:$0x1] =	stream.indirect_vreg.gather [hbm4b:s7+s3], $0x80, v3, vm0, $0xb8;
	[tilespmem:$0x18800] =	vst v63  }
0x2cc: {  	s25 =	simm.s32 $0x6800  }
0x2cd: {  	[tilespmem:s25], [sflag:$0x1] =	stream.indirect_vreg.gather [hbm4b:s8+s3], $0x80, v3, vm0, $0xb8;
	[tilespmem:$0x18800] =	vst v63  }
0x2ce: {  	s26 =	simm.s32 $0x7000  }
0x2cf: {  	[tilespmem:s26], [sflag:$0x1] =	stream.indirect_vreg.gather [hbm4b:s9+s3], $0x80, v3, vm0, $0xb8;
	[tilespmem:$0x18800] =	vst v63  }
0x2d0: {  	s28 =	simm.s32 $0x7800  }
0x2d1: {  	[tilespmem:s28], [sflag:$0x1] =	stream.indirect_vreg.gather [hbm4b:s10+s3], $0x80, v3, vm0, $0xb8;
	[tilespmem:$0x18800] =	vst v63  }
0x2d2: {  	s29 =	simm.s32 $0x8000  }
0x2d3: {  	[tilespmem:s29], [sflag:$0x1] =	stream.indirect_vreg.gather [hbm4b:s11+s3], $0x80, v3, vm0, $0xb8;
	[tilespmem:$0x18800] =	vst v63  }
0x2d4: {  	_ =	swait.ge [sflag:s31], $0x8000  }
0x2d5: {  	[sflag:s31] =	ssyncset.done $0x0  }
0x2d6: {  	s30 =	rddreg [dreg:$0x13];
	[sflag:s31] =	ssyncadd.s32 $0xFFFF8000  }
0x2d7: {  	[hbm4b:s30+s3] =	stream.linear.scatter [tilespmem:s12], [sflag:$0x4], $0x8000, $0x38;
	[tilespmem:$0x18800] =	vst v63  }
0x2d8: {  	_ =	swait.ge [sflag:s16], $0x8000  }
0x2d9: {  	[sflag:s16] =	ssyncset.done $0x0  }
0x2da: {  	[sflag:s16] =	ssyncadd.s32 $0xFFFF8000  }
0x2db: {  	p0 =	sne.s32 s2, $0x1;
	_ =	swait.ge [sflag:s17], $0x8000  }
.Ltmp0:
0x2dc: {  	[sflag:s17] =	ssyncset.done $0x0;
	(pc) =	sbr.rel @p0 .LBB2_1-.Ltmp0, $4  }
0x2dd: {  	[sflag:s17] =	ssyncadd.s32 $0xFFFF8000  }
0x2de: {  	_ =	swait.ge [sflag:s15], $0x8000  }
0x2df: {  	[sflag:s15] =	ssyncset.done $0x0  }
0x2e0: {  	s2 =	sadd.s32 $0xFFFFFFFF, s2;
	[sflag:s15] =	ssyncadd.s32 $0xFFFF8000  }
0x2e1: {  	_ =	sfence.sel $0x180000  }
0x2e2: {  	[bflag:$0x0] =	sbarrier.arrive $0xFFFF  }
0x2e3: {  	_ =	strace $0x90000047  }
0x2e4: {  	s0 =	stileid.u32;
	[bflag:$0x2] =	sbarrier.arrive $0xFFFF  }
0x2e5: {  	p0 =	sne.s32 s0, $0x0;
	s0 =	rddreg [dreg:$0x3]  }
0x2e6: {  	s0 =	sadd.s32 @!p0 $0x100000, s0  }
0x2e7: {  	[sflag:s0] =	ssyncadd.tile.s32 @!p0 $0x1;
	_ =	shalt  }
.Lfunc_end2:
_tile_overlayer_lowered:
.L_overlay_start_2:
0x2e8: {  	(tag) =	ssettag $0x2  }
0x2e9: {  	s0 =	rddreg [dreg:$0x0];
	s2 =	stileid.u32  }
0x2ea: {  	s1 =	rddreg [dreg:$0x1];
	p0 =	sne.s32 s2, $0x0  }
0x2eb: {  	s3 =	rddreg [dreg:$0x2];
	[bflag:$0x3] =	sbarrier.arrive $0xFFFF;
	s2 =	simm.s32 @!p0 $0x1C07  }
0x2ec: {  	[timem:s3], [sflag:s2] =	dma.local @!p0 [hbm:s0], s1  }
0x2ed: {  	s0 =	simm.s32 @!p0 $0x7  }
0x2ee: {  	_ =	swait.ge @!p0 [sflag:s0], s1  }
0x2ef: {  	s1 =	ssub.s32 @!p0 $0x0, s1;
	[sflag:s0] =	ssyncset.done @!p0 $0x0  }
0x2f0: {  	[sflag:s0] =	ssyncadd.s32 @!p0 s1  }
0x2f1: {  	[bflag:$0x3] =	sbarrier.arrive $0xFFFF  }
0x2f2: {  	_ =	shalt  }

</sc_bundles>
